<compile_context>
chip_gen: v7x
topology: tpu7x:2x2x1
jax: 0.10.2.dev20260603
libtpu: 0.0.44.dev20260713+nightly
codegen_flags: <defaults>
</compile_context>

<pallas_src>
import jax
import jax.numpy as jnp
from jax import lax
from jax.experimental import pallas as pl
from jax.experimental.pallas import tpu as pltpu
from jax.experimental.pallas import tpu_sc as plsc


_BN = 1024
_NC, _NS = 2, 16
_NW = _NC * _NS
_LANES = 16
_UNROLL = 2


def _scores_body(expert_map_ref, x_ref, w_ref, out_ref):
    g = expert_map_ref[pl.program_id(0)]
    s = lax.dot_general(
        w_ref[g], x_ref[...],
        dimension_numbers=(((0,), (1,)), ((), ())),
        preferred_element_type=jnp.float32,
    )
    m = jnp.max(s, axis=0, keepdims=True)
    p = jnp.exp(s - m)
    p = p / jnp.sum(p, axis=0, keepdims=True)
    nw, l, chunk = out_ref.shape
    out_ref[...] = jnp.swapaxes(p.reshape(l, nw, chunk), 0, 1)


def _probs_transposed(x, w, grouped_gemm_batch_sizes):
    n, h = x.shape
    e, _, l = w.shape
    num_blocks = n // _BN
    chunk = n // _NW
    w_per_block = _BN // chunk
    cum = jnp.cumsum(grouped_gemm_batch_sizes)
    starts = jnp.arange(num_blocks, dtype=jnp.int32) * _BN
    expert_map = jnp.searchsorted(cum, starts, side="right").astype(jnp.int32)

    grid_spec = pltpu.PrefetchScalarGridSpec(
        num_scalar_prefetch=1,
        grid=(num_blocks,),
        in_specs=[
            pl.BlockSpec((_BN, h), lambda i, m: (i, 0)),
            pl.BlockSpec((e, h, l), lambda i, m: (0, 0, 0)),
        ],
        out_specs=pl.BlockSpec((w_per_block, l, chunk), lambda i, m: (i, 0, 0)),
    )
    return pl.pallas_call(
        _scores_body,
        grid_spec=grid_spec,
        out_shape=jax.ShapeDtypeStruct((_NW, l, chunk), jnp.float32),
    )(expert_map, x, w)


def _top2_body(probs_hbm, wout_hbm, iout_hbm, pv, wbuf, ibuf):
    nw, l, chunk = probs_hbm.shape
    groups = chunk // _LANES
    wid = lax.axis_index("s") * _NC + lax.axis_index("c")
    base = wid * chunk
    pltpu.sync_copy(probs_hbm.at[wid], pv)

    def scan_group(off):
        m1 = pv[0, pl.ds(off, _LANES)]
        i1 = jnp.zeros((_LANES,), jnp.int32)
        m2 = jnp.full((_LANES,), -1.0, jnp.float32)
        i2 = jnp.zeros((_LANES,), jnp.int32)
        for c in range(1, l):
            v = pv[c, pl.ds(off, _LANES)]
            cv = jnp.full((_LANES,), c, jnp.int32)
            gt1 = v > m1
            gt2 = v > m2
            m2 = jnp.where(gt1, m1, jnp.where(gt2, v, m2))
            i2 = jnp.where(gt1, i1, jnp.where(gt2, cv, i2))
            m1 = jnp.where(gt1, v, m1)
            i1 = jnp.where(gt1, cv, i1)
        return m1, m2, i1, i2

    def per_iter(it, carry):
        for u in range(_UNROLL):
            off = (it * _UNROLL + u) * _LANES
            m1, m2, i1, i2 = scan_group(off)
            wbuf[0, pl.ds(off, _LANES)] = m1
            wbuf[1, pl.ds(off, _LANES)] = m2
            ibuf[0, pl.ds(off, _LANES)] = i1
            ibuf[1, pl.ds(off, _LANES)] = i2
        return carry

    lax.fori_loop(0, groups // _UNROLL, per_iter, 0)
    pltpu.sync_copy(wbuf, wout_hbm.at[:, pl.ds(base, chunk)])
    pltpu.sync_copy(ibuf, iout_hbm.at[:, pl.ds(base, chunk)])


def _top2_route(probs_t):
    nw, l, chunk = probs_t.shape
    n = nw * chunk
    mesh = plsc.VectorSubcoreMesh(
        core_axis_name="c", subcore_axis_name="s",
        num_cores=_NC, num_subcores=_NS,
    )
    w2, i2 = pl.kernel(
        _top2_body,
        out_type=[
            jax.ShapeDtypeStruct((2, n), jnp.float32),
            jax.ShapeDtypeStruct((2, n), jnp.int32),
        ],
        mesh=mesh,
        scratch_types=[
            pltpu.VMEM((l, chunk), jnp.float32),
            pltpu.VMEM((2, chunk), jnp.float32),
            pltpu.VMEM((2, chunk), jnp.int32),
        ],
    )(probs_t)
    return w2.T, i2.T


@jax.jit
def kernel(x, w1, grouped_gemm_batch_sizes):
    n, h = x.shape
    e = grouped_gemm_batch_sizes.shape[0]
    l = w1.shape[0] // e
    w = w1.reshape(e, h, l)
    probs_t = _probs_transposed(x, w, grouped_gemm_batch_sizes)
    return _top2_route(probs_t)

# --- scband reference (transcript-rebuilt; emitter-appended) ---
"""Pipeline reference for scband-top-ktoken-choice-router-lo-ra-2302102471509 (READ-ONLY COPY).

The authoritative reference and input builder live on the scoring server;
editing this copy changes nothing except your own understanding.
"""

import jax, jax.numpy as jnp
import numpy as np

N, H, E, L, TOP_K = 8192, 2048, 8, 64, 2

def setup_inputs(seed: int = 0) -> dict:
    key = jax.random.key(seed)
    k1, k2 = jax.random.split(key)
    x = jax.random.normal(k1, (N, H), dtype=jnp.float32)
    # learned router weight: (num_rows_per_rank, hidden) = (E*L, H)
    w1 = jax.random.normal(k2, (E * L, H), dtype=jnp.float32) * 0.02
    # tokens per expert group for grouped gemm; must sum to N
    grouped_gemm_batch_sizes = jnp.full((E,), N // E, dtype=jnp.int32)
    return {"x": x, "w1": w1, "grouped_gemm_batch_sizes": grouped_gemm_batch_sizes}


def reference(x, w1, grouped_gemm_batch_sizes):
    # Single expert-parallel rank (world_size=1): rank 0 path, no jitter (eval),
    # gradient_scale is None so scale_grad is identity.
    e = grouped_gemm_batch_sizes.shape[0]
    n, h = x.shape
    l = w1.shape[0] // e
    # w1.view(experts_per_rank, hidden_size, loras_per_rank)
    w = w1.reshape(e, h, l)
    # grouped gemm gg.ops.gmm(x, w, batch_sizes): token i in group g -> x[i] @ w[g]
    all_scores = jnp.einsum('nh,ehl->enl', x, w)  # (E, N, L)
    cum = jnp.cumsum(grouped_gemm_batch_sizes)
    seg = jnp.searchsorted(cum, jnp.arange(n), side='right')  # group id per token
    scores = all_scores[seg, jnp.arange(n)]  # (N, L)
    probs = jax.nn.softmax(scores, axis=-1)
    # self._top_k with top_k > 1 -> torch.topk
    expert_weights, expert_indices = jax.lax.top_k(probs, TOP_K)
    return expert_weights, expert_indices

if __name__ == "__main__":
    import jax
    _d = setup_inputs()
    print(jax.jit(kernel)(*tuple(_d.values())))

</pallas_src>

<mosaic_0001>
#map = affine_map<(d0, d1) -> (0, 0, 0)>
#map1 = affine_map<(d0, d1) -> (0, 0)>
module attributes {stable_mosaic.version = 14 : i64} {
  func.func @_top2_body(%arg0: i32, %arg1: i32, %arg2: memref<32x64x256xf32, #tpu.memory_space<hbm>>, %arg3: memref<2x8192xf32, #tpu.memory_space<hbm>>, %arg4: memref<2x8192xi32, #tpu.memory_space<hbm>>, %arg5: memref<64x256xf32, #tpu.memory_space<vmem>>, %arg6: memref<2x256xf32, #tpu.memory_space<vmem>>, %arg7: memref<2x256xi32, #tpu.memory_space<vmem>>) attributes {dimension_semantics = [#tpu.dimension_semantics<core_parallel>, #tpu.dimension_semantics<subcore_parallel>], iteration_bounds = array<i64: 2, 16>, scalar_prefetch = 0 : i64, scratch_operands = 3 : i64, tpu.core_type = #tpu.core_type<sc_vector_subcore>, window_params = [{transform_indices = #map}, {transform_indices = #map1}, {transform_indices = #map1}]} {
    %mul3A = arith.constant 2 : i32
    %mul3A_0 = arith.muli %arg1, %mul3A : i32
    %add3A = arith.addi %mul3A_0, %arg0 : i32
    %mul3A_1 = arith.constant 256 : i32
    %mul3A_2 = arith.muli %add3A, %mul3A_1 : i32
    "tpu.region"() ({
      %run_scoped3A = tpu.sem_alloc : memref<!tpu.dma_semaphore, #tpu.memory_space<semaphore_mem>>
      %dma_start3A = arith.constant 0 : i32
      %dma_start3A_8 = arith.constant 0 : i32
      %dma_start3A_9 = tpu.memref_slice %arg2[%add3A, %dma_start3A, %dma_start3A_8] : memref<32x64x256xf32, #tpu.memory_space<hbm>> -> memref<1x64x256xf32, #tpu.memory_space<hbm>>
      %dma_start3A_10 = tpu.memref_squeeze %dma_start3A_9 : memref<1x64x256xf32, #tpu.memory_space<hbm>> -> memref<64x256xf32, #tpu.memory_space<hbm>>
      %dma_start3A_11 = arith.constant 0 : i32
      %dma_start3A_12 = arith.constant 0 : i32
      %dma_start3A_13 = tpu.memref_slice %arg2[%add3A, %dma_start3A_11, %dma_start3A_12] : memref<32x64x256xf32, #tpu.memory_space<hbm>> -> memref<1x64x256xf32, #tpu.memory_space<hbm>>
      %dma_start3A_14 = tpu.memref_squeeze %dma_start3A_13 : memref<1x64x256xf32, #tpu.memory_space<hbm>> -> memref<64x256xf32, #tpu.memory_space<hbm>>
      tpu.enqueue_dma source(%dma_start3A_14 : memref<64x256xf32, #tpu.memory_space<hbm>>) target(%arg5 : memref<64x256xf32, #tpu.memory_space<vmem>>) target_semaphore(%run_scoped3A : memref<!tpu.dma_semaphore, #tpu.memory_space<semaphore_mem>>)
      %dma_wait3A = arith.constant 0 : i32
      %dma_wait3A_15 = arith.constant 0 : i32
      %dma_wait3A_16 = tpu.memref_slice %arg2[%add3A, %dma_wait3A, %dma_wait3A_15] : memref<32x64x256xf32, #tpu.memory_space<hbm>> -> memref<1x64x256xf32, #tpu.memory_space<hbm>>
      %dma_wait3A_17 = tpu.memref_squeeze %dma_wait3A_16 : memref<1x64x256xf32, #tpu.memory_space<hbm>> -> memref<64x256xf32, #tpu.memory_space<hbm>>
      %dma_wait3A_18 = arith.constant 0 : i32
      %dma_wait3A_19 = arith.constant 0 : i32
      %dma_wait3A_20 = tpu.memref_slice %arg2[%add3A, %dma_wait3A_18, %dma_wait3A_19] : memref<32x64x256xf32, #tpu.memory_space<hbm>> -> memref<1x64x256xf32, #tpu.memory_space<hbm>>
      %dma_wait3A_21 = tpu.memref_squeeze %dma_wait3A_20 : memref<1x64x256xf32, #tpu.memory_space<hbm>> -> memref<64x256xf32, #tpu.memory_space<hbm>>
      tpu.wait_dma2 semaphore(%run_scoped3A : memref<!tpu.dma_semaphore, #tpu.memory_space<semaphore_mem>>) src(%dma_wait3A_21 : memref<64x256xf32, #tpu.memory_space<hbm>>) dst(%arg5 : memref<64x256xf32, #tpu.memory_space<vmem>>)
      tpu.yield
    }) : () -> ()
    %scan3A = arith.constant 0 : i32
    %scan3A_3 = arith.constant 0 : i32
    %scan3A_4 = arith.constant 8 : i32
    %scan3A_5 = arith.addi %scan3A_3, %scan3A_4 : i32
    %scan3A_6 = arith.constant 1 : i32
    scf.for %scan3A_8 = %scan3A_3 to %scan3A_5 step %scan3A_6  : i32 {
      %mul3A_9 = arith.constant 2 : i32
      %mul3A_10 = arith.muli %scan3A_8, %mul3A_9 : i32
      %add3A_11 = arith.constant 0 : i32
      %add3A_12 = arith.addi %mul3A_10, %add3A_11 : i32
      %mul3A_13 = arith.constant 16 : i32
      %mul3A_14 = arith.muli %add3A_12, %mul3A_13 : i32
      %get3A = arith.constant 0 : i32
      %get3A_15 = arith.index_cast %get3A : i32 to index
      %get3A_16 = arith.index_cast %mul3A_14 : i32 to index
      %get3A_17 = tpu.vector_load %arg5[%get3A_15, %get3A_16] {strides = array<i32>} : memref<64x256xf32, #tpu.memory_space<vmem>>, vector<1x16xf32>,
      %get3A_18 = vector.shape_cast %get3A_17 : vector<1x16xf32> to vector<16xf32>
      %broadcast_in_dim3A = arith.constant 0 : i32
      %broadcast_in_dim3A_19 = vector.broadcast %broadcast_in_dim3A : i32 to vector<16xi32>
      %broadcast_in_dim3A_20 = arith.constant -1.000000e+00 : f32
      %broadcast_in_dim3A_21 = vector.broadcast %broadcast_in_dim3A_20 : f32 to vector<16xf32>
      %broadcast_in_dim3A_22 = arith.constant 0 : i32
      %broadcast_in_dim3A_23 = vector.broadcast %broadcast_in_dim3A_22 : i32 to vector<16xi32>
      %get3A_24 = arith.constant 1 : i32
      %get3A_25 = arith.index_cast %get3A_24 : i32 to index
      %get3A_26 = arith.index_cast %mul3A_14 : i32 to index
      %get3A_27 = tpu.vector_load %arg5[%get3A_25, %get3A_26] {strides = array<i32>} : memref<64x256xf32, #tpu.memory_space<vmem>>, vector<1x16xf32>,
      %get3A_28 = vector.shape_cast %get3A_27 : vector<1x16xf32> to vector<16xf32>
      %broadcast_in_dim3A_29 = arith.constant 1 : i32
      %broadcast_in_dim3A_30 = vector.broadcast %broadcast_in_dim3A_29 : i32 to vector<16xi32>
      %gt3A = arith.cmpf ogt, %get3A_28, %get3A_18 : vector<16xf32>
      %gt3A_31 = arith.cmpf ogt, %get3A_28, %broadcast_in_dim3A_21 : vector<16xf32>
      %select_n3A = arith.select %gt3A_31, %get3A_28, %broadcast_in_dim3A_21 : vector<16xi1>, vector<16xf32>
      %select_n3A_32 = arith.select %gt3A, %get3A_18, %select_n3A : vector<16xi1>, vector<16xf32>
      %select_n3A_33 = arith.select %gt3A_31, %broadcast_in_dim3A_30, %broadcast_in_dim3A_23 : vector<16xi1>, vector<16xi32>
      %select_n3A_34 = arith.select %gt3A, %broadcast_in_dim3A_19, %select_n3A_33 : vector<16xi1>, vector<16xi32>
      %select_n3A_35 = arith.select %gt3A, %get3A_28, %get3A_18 : vector<16xi1>, vector<16xf32>
      %select_n3A_36 = arith.select %gt3A, %broadcast_in_dim3A_30, %broadcast_in_dim3A_19 : vector<16xi1>, vector<16xi32>
      %get3A_37 = arith.constant 2 : i32
      %get3A_38 = arith.index_cast %get3A_37 : i32 to index
      %get3A_39 = arith.index_cast %mul3A_14 : i32 to index
      %get3A_40 = tpu.vector_load %arg5[%get3A_38, %get3A_39] {strides = array<i32>} : memref<64x256xf32, #tpu.memory_space<vmem>>, vector<1x16xf32>,
      %get3A_41 = vector.shape_cast %get3A_40 : vector<1x16xf32> to vector<16xf32>
      %broadcast_in_dim3A_42 = arith.constant 2 : i32
      %broadcast_in_dim3A_43 = vector.broadcast %broadcast_in_dim3A_42 : i32 to vector<16xi32>
      %gt3A_44 = arith.cmpf ogt, %get3A_41, %select_n3A_35 : vector<16xf32>
      %gt3A_45 = arith.cmpf ogt, %get3A_41, %select_n3A_32 : vector<16xf32>
      %select_n3A_46 = arith.select %gt3A_45, %get3A_41, %select_n3A_32 : vector<16xi1>, vector<16xf32>
      %select_n3A_47 = arith.select %gt3A_44, %select_n3A_35, %select_n3A_46 : vector<16xi1>, vector<16xf32>
      %select_n3A_48 = arith.select %gt3A_45, %broadcast_in_dim3A_43, %select_n3A_34 : vector<16xi1>, vector<16xi32>
      %select_n3A_49 = arith.select %gt3A_44, %select_n3A_36, %select_n3A_48 : vector<16xi1>, vector<16xi32>
      %select_n3A_50 = arith.select %gt3A_44, %get3A_41, %select_n3A_35 : vector<16xi1>, vector<16xf32>
      %select_n3A_51 = arith.select %gt3A_44, %broadcast_in_dim3A_43, %select_n3A_36 : vector<16xi1>, vector<16xi32>
      %get3A_52 = arith.constant 3 : i32
      %get3A_53 = arith.index_cast %get3A_52 : i32 to index
      %get3A_54 = arith.index_cast %mul3A_14 : i32 to index
      %get3A_55 = tpu.vector_load %arg5[%get3A_53, %get3A_54] {strides = array<i32>} : memref<64x256xf32, #tpu.memory_space<vmem>>, vector<1x16xf32>,
      %get3A_56 = vector.shape_cast %get3A_55 : vector<1x16xf32> to vector<16xf32>
      %broadcast_in_dim3A_57 = arith.constant 3 : i32
      %broadcast_in_dim3A_58 = vector.broadcast %broadcast_in_dim3A_57 : i32 to vector<16xi32>
      %gt3A_59 = arith.cmpf ogt, %get3A_56, %select_n3A_50 : vector<16xf32>
      %gt3A_60 = arith.cmpf ogt, %get3A_56, %select_n3A_47 : vector<16xf32>
      %select_n3A_61 = arith.select %gt3A_60, %get3A_56, %select_n3A_47 : vector<16xi1>, vector<16xf32>
      %select_n3A_62 = arith.select %gt3A_59, %select_n3A_50, %select_n3A_61 : vector<16xi1>, vector<16xf32>
      %select_n3A_63 = arith.select %gt3A_60, %broadcast_in_dim3A_58, %select_n3A_49 : vector<16xi1>, vector<16xi32>
      %select_n3A_64 = arith.select %gt3A_59, %select_n3A_51, %select_n3A_63 : vector<16xi1>, vector<16xi32>
      %select_n3A_65 = arith.select %gt3A_59, %get3A_56, %select_n3A_50 : vector<16xi1>, vector<16xf32>
      %select_n3A_66 = arith.select %gt3A_59, %broadcast_in_dim3A_58, %select_n3A_51 : vector<16xi1>, vector<16xi32>
      %get3A_67 = arith.constant 4 : i32
      %get3A_68 = arith.index_cast %get3A_67 : i32 to index
      %get3A_69 = arith.index_cast %mul3A_14 : i32 to index
      %get3A_70 = tpu.vector_load %arg5[%get3A_68, %get3A_69] {strides = array<i32>} : memref<64x256xf32, #tpu.memory_space<vmem>>, vector<1x16xf32>,
      %get3A_71 = vector.shape_cast %get3A_70 : vector<1x16xf32> to vector<16xf32>
      %broadcast_in_dim3A_72 = arith.constant 4 : i32
      %broadcast_in_dim3A_73 = vector.broadcast %broadcast_in_dim3A_72 : i32 to vector<16xi32>
      %gt3A_74 = arith.cmpf ogt, %get3A_71, %select_n3A_65 : vector<16xf32>
      %gt3A_75 = arith.cmpf ogt, %get3A_71, %select_n3A_62 : vector<16xf32>
      %select_n3A_76 = arith.select %gt3A_75, %get3A_71, %select_n3A_62 : vector<16xi1>, vector<16xf32>
      %select_n3A_77 = arith.select %gt3A_74, %select_n3A_65, %select_n3A_76 : vector<16xi1>, vector<16xf32>
      %select_n3A_78 = arith.select %gt3A_75, %broadcast_in_dim3A_73, %select_n3A_64 : vector<16xi1>, vector<16xi32>
      %select_n3A_79 = arith.select %gt3A_74, %select_n3A_66, %select_n3A_78 : vector<16xi1>, vector<16xi32>
      %select_n3A_80 = arith.select %gt3A_74, %get3A_71, %select_n3A_65 : vector<16xi1>, vector<16xf32>
      %select_n3A_81 = arith.select %gt3A_74, %broadcast_in_dim3A_73, %select_n3A_66 : vector<16xi1>, vector<16xi32>
      %get3A_82 = arith.constant 5 : i32
      %get3A_83 = arith.index_cast %get3A_82 : i32 to index
      %get3A_84 = arith.index_cast %mul3A_14 : i32 to index
      %get3A_85 = tpu.vector_load %arg5[%get3A_83, %get3A_84] {strides = array<i32>} : memref<64x256xf32, #tpu.memory_space<vmem>>, vector<1x16xf32>,
      %get3A_86 = vector.shape_cast %get3A_85 : vector<1x16xf32> to vector<16xf32>
      %broadcast_in_dim3A_87 = arith.constant 5 : i32
      %broadcast_in_dim3A_88 = vector.broadcast %broadcast_in_dim3A_87 : i32 to vector<16xi32>
      %gt3A_89 = arith.cmpf ogt, %get3A_86, %select_n3A_80 : vector<16xf32>
      %gt3A_90 = arith.cmpf ogt, %get3A_86, %select_n3A_77 : vector<16xf32>
      %select_n3A_91 = arith.select %gt3A_90, %get3A_86, %select_n3A_77 : vector<16xi1>, vector<16xf32>
      %select_n3A_92 = arith.select %gt3A_89, %select_n3A_80, %select_n3A_91 : vector<16xi1>, vector<16xf32>
      %select_n3A_93 = arith.select %gt3A_90, %broadcast_in_dim3A_88, %select_n3A_79 : vector<16xi1>, vector<16xi32>
      %select_n3A_94 = arith.select %gt3A_89, %select_n3A_81, %select_n3A_93 : vector<16xi1>, vector<16xi32>
      %select_n3A_95 = arith.select %gt3A_89, %get3A_86, %select_n3A_80 : vector<16xi1>, vector<16xf32>
      %select_n3A_96 = arith.select %gt3A_89, %broadcast_in_dim3A_88, %select_n3A_81 : vector<16xi1>, vector<16xi32>
      %get3A_97 = arith.constant 6 : i32
      %get3A_98 = arith.index_cast %get3A_97 : i32 to index
      %get3A_99 = arith.index_cast %mul3A_14 : i32 to index
      %get3A_100 = tpu.vector_load %arg5[%get3A_98, %get3A_99] {strides = array<i32>} : memref<64x256xf32, #tpu.memory_space<vmem>>, vector<1x16xf32>,
      %get3A_101 = vector.shape_cast %get3A_100 : vector<1x16xf32> to vector<16xf32>
      %broadcast_in_dim3A_102 = arith.constant 6 : i32
      %broadcast_in_dim3A_103 = vector.broadcast %broadcast_in_dim3A_102 : i32 to vector<16xi32>
      %gt3A_104 = arith.cmpf ogt, %get3A_101, %select_n3A_95 : vector<16xf32>
      %gt3A_105 = arith.cmpf ogt, %get3A_101, %select_n3A_92 : vector<16xf32>
      %select_n3A_106 = arith.select %gt3A_105, %get3A_101, %select_n3A_92 : vector<16xi1>, vector<16xf32>
      %select_n3A_107 = arith.select %gt3A_104, %select_n3A_95, %select_n3A_106 : vector<16xi1>, vector<16xf32>
      %select_n3A_108 = arith.select %gt3A_105, %broadcast_in_dim3A_103, %select_n3A_94 : vector<16xi1>, vector<16xi32>
      %select_n3A_109 = arith.select %gt3A_104, %select_n3A_96, %select_n3A_108 : vector<16xi1>, vector<16xi32>
      %select_n3A_110 = arith.select %gt3A_104, %get3A_101, %select_n3A_95 : vector<16xi1>, vector<16xf32>
      %select_n3A_111 = arith.select %gt3A_104, %broadcast_in_dim3A_103, %select_n3A_96 : vector<16xi1>, vector<16xi32>
      %get3A_112 = arith.constant 7 : i32
      %get3A_113 = arith.index_cast %get3A_112 : i32 to index
      %get3A_114 = arith.index_cast %mul3A_14 : i32 to index
      %get3A_115 = tpu.vector_load %arg5[%get3A_113, %get3A_114] {strides = array<i32>} : memref<64x256xf32, #tpu.memory_space<vmem>>, vector<1x16xf32>,
      %get3A_116 = vector.shape_cast %get3A_115 : vector<1x16xf32> to vector<16xf32>
      %broadcast_in_dim3A_117 = arith.constant 7 : i32
      %broadcast_in_dim3A_118 = vector.broadcast %broadcast_in_dim3A_117 : i32 to vector<16xi32>
      %gt3A_119 = arith.cmpf ogt, %get3A_116, %select_n3A_110 : vector<16xf32>
      %gt3A_120 = arith.cmpf ogt, %get3A_116, %select_n3A_107 : vector<16xf32>
      %select_n3A_121 = arith.select %gt3A_120, %get3A_116, %select_n3A_107 : vector<16xi1>, vector<16xf32>
      %select_n3A_122 = arith.select %gt3A_119, %select_n3A_110, %select_n3A_121 : vector<16xi1>, vector<16xf32>
      %select_n3A_123 = arith.select %gt3A_120, %broadcast_in_dim3A_118, %select_n3A_109 : vector<16xi1>, vector<16xi32>
      %select_n3A_124 = arith.select %gt3A_119, %select_n3A_111, %select_n3A_123 : vector<16xi1>, vector<16xi32>
      %select_n3A_125 = arith.select %gt3A_119, %get3A_116, %select_n3A_110 : vector<16xi1>, vector<16xf32>
      %select_n3A_126 = arith.select %gt3A_119, %broadcast_in_dim3A_118, %select_n3A_111 : vector<16xi1>, vector<16xi32>
      %get3A_127 = arith.constant 8 : i32
      %get3A_128 = arith.index_cast %get3A_127 : i32 to index
      %get3A_129 = arith.index_cast %mul3A_14 : i32 to index
      %get3A_130 = tpu.vector_load %arg5[%get3A_128, %get3A_129] {strides = array<i32>} : memref<64x256xf32, #tpu.memory_space<vmem>>, vector<1x16xf32>,
      %get3A_131 = vector.shape_cast %get3A_130 : vector<1x16xf32> to vector<16xf32>
      %broadcast_in_dim3A_132 = arith.constant 8 : i32
      %broadcast_in_dim3A_133 = vector.broadcast %broadcast_in_dim3A_132 : i32 to vector<16xi32>
      %gt3A_134 = arith.cmpf ogt, %get3A_131, %select_n3A_125 : vector<16xf32>
      %gt3A_135 = arith.cmpf ogt, %get3A_131, %select_n3A_122 : vector<16xf32>
      %select_n3A_136 = arith.select %gt3A_135, %get3A_131, %select_n3A_122 : vector<16xi1>, vector<16xf32>
      %select_n3A_137 = arith.select %gt3A_134, %select_n3A_125, %select_n3A_136 : vector<16xi1>, vector<16xf32>
      %select_n3A_138 = arith.select %gt3A_135, %broadcast_in_dim3A_133, %select_n3A_124 : vector<16xi1>, vector<16xi32>
      %select_n3A_139 = arith.select %gt3A_134, %select_n3A_126, %select_n3A_138 : vector<16xi1>, vector<16xi32>
      %select_n3A_140 = arith.select %gt3A_134, %get3A_131, %select_n3A_125 : vector<16xi1>, vector<16xf32>
      %select_n3A_141 = arith.select %gt3A_134, %broadcast_in_dim3A_133, %select_n3A_126 : vector<16xi1>, vector<16xi32>
      %get3A_142 = arith.constant 9 : i32
      %get3A_143 = arith.index_cast %get3A_142 : i32 to index
      %get3A_144 = arith.index_cast %mul3A_14 : i32 to index
      %get3A_145 = tpu.vector_load %arg5[%get3A_143, %get3A_144] {strides = array<i32>} : memref<64x256xf32, #tpu.memory_space<vmem>>, vector<1x16xf32>,
      %get3A_146 = vector.shape_cast %get3A_145 : vector<1x16xf32> to vector<16xf32>
      %broadcast_in_dim3A_147 = arith.constant 9 : i32
      %broadcast_in_dim3A_148 = vector.broadcast %broadcast_in_dim3A_147 : i32 to vector<16xi32>
      %gt3A_149 = arith.cmpf ogt, %get3A_146, %select_n3A_140 : vector<16xf32>
      %gt3A_150 = arith.cmpf ogt, %get3A_146, %select_n3A_137 : vector<16xf32>
      %select_n3A_151 = arith.select %gt3A_150, %get3A_146, %select_n3A_137 : vector<16xi1>, vector<16xf32>
      %select_n3A_152 = arith.select %gt3A_149, %select_n3A_140, %select_n3A_151 : vector<16xi1>, vector<16xf32>
      %select_n3A_153 = arith.select %gt3A_150, %broadcast_in_dim3A_148, %select_n3A_139 : vector<16xi1>, vector<16xi32>
      %select_n3A_154 = arith.select %gt3A_149, %select_n3A_141, %select_n3A_153 : vector<16xi1>, vector<16xi32>
      %select_n3A_155 = arith.select %gt3A_149, %get3A_146, %select_n3A_140 : vector<16xi1>, vector<16xf32>
      %select_n3A_156 = arith.select %gt3A_149, %broadcast_in_dim3A_148, %select_n3A_141 : vector<16xi1>, vector<16xi32>
      %get3A_157 = arith.constant 10 : i32
      %get3A_158 = arith.index_cast %get3A_157 : i32 to index
      %get3A_159 = arith.index_cast %mul3A_14 : i32 to index
      %get3A_160 = tpu.vector_load %arg5[%get3A_158, %get3A_159] {strides = array<i32>} : memref<64x256xf32, #tpu.memory_space<vmem>>, vector<1x16xf32>,
      %get3A_161 = vector.shape_cast %get3A_160 : vector<1x16xf32> to vector<16xf32>
      %broadcast_in_dim3A_162 = arith.constant 10 : i32
      %broadcast_in_dim3A_163 = vector.broadcast %broadcast_in_dim3A_162 : i32 to vector<16xi32>
      %gt3A_164 = arith.cmpf ogt, %get3A_161, %select_n3A_155 : vector<16xf32>
      %gt3A_165 = arith.cmpf ogt, %get3A_161, %select_n3A_152 : vector<16xf32>
      %select_n3A_166 = arith.select %gt3A_165, %get3A_161, %select_n3A_152 : vector<16xi1>, vector<16xf32>
      %select_n3A_167 = arith.select %gt3A_164, %select_n3A_155, %select_n3A_166 : vector<16xi1>, vector<16xf32>
      %select_n3A_168 = arith.select %gt3A_165, %broadcast_in_dim3A_163, %select_n3A_154 : vector<16xi1>, vector<16xi32>
      %select_n3A_169 = arith.select %gt3A_164, %select_n3A_156, %select_n3A_168 : vector<16xi1>, vector<16xi32>
      %select_n3A_170 = arith.select %gt3A_164, %get3A_161, %select_n3A_155 : vector<16xi1>, vector<16xf32>
      %select_n3A_171 = arith.select %gt3A_164, %broadcast_in_dim3A_163, %select_n3A_156 : vector<16xi1>, vector<16xi32>
      %get3A_172 = arith.constant 11 : i32
      %get3A_173 = arith.index_cast %get3A_172 : i32 to index
      %get3A_174 = arith.index_cast %mul3A_14 : i32 to index
      %get3A_175 = tpu.vector_load %arg5[%get3A_173, %get3A_174] {strides = array<i32>} : memref<64x256xf32, #tpu.memory_space<vmem>>, vector<1x16xf32>,
      %get3A_176 = vector.shape_cast %get3A_175 : vector<1x16xf32> to vector<16xf32>
      %broadcast_in_dim3A_177 = arith.constant 11 : i32
      %broadcast_in_dim3A_178 = vector.broadcast %broadcast_in_dim3A_177 : i32 to vector<16xi32>
      %gt3A_179 = arith.cmpf ogt, %get3A_176, %select_n3A_170 : vector<16xf32>
      %gt3A_180 = arith.cmpf ogt, %get3A_176, %select_n3A_167 : vector<16xf32>
      %select_n3A_181 = arith.select %gt3A_180, %get3A_176, %select_n3A_167 : vector<16xi1>, vector<16xf32>
      %select_n3A_182 = arith.select %gt3A_179, %select_n3A_170, %select_n3A_181 : vector<16xi1>, vector<16xf32>
      %select_n3A_183 = arith.select %gt3A_180, %broadcast_in_dim3A_178, %select_n3A_169 : vector<16xi1>, vector<16xi32>
      %select_n3A_184 = arith.select %gt3A_179, %select_n3A_171, %select_n3A_183 : vector<16xi1>, vector<16xi32>
      %select_n3A_185 = arith.select %gt3A_179, %get3A_176, %select_n3A_170 : vector<16xi1>, vector<16xf32>
      %select_n3A_186 = arith.select %gt3A_179, %broadcast_in_dim3A_178, %select_n3A_171 : vector<16xi1>, vector<16xi32>
      %get3A_187 = arith.constant 12 : i32
      %get3A_188 = arith.index_cast %get3A_187 : i32 to index
      %get3A_189 = arith.index_cast %mul3A_14 : i32 to index
      %get3A_190 = tpu.vector_load %arg5[%get3A_188, %get3A_189] {strides = array<i32>} : memref<64x256xf32, #tpu.memory_space<vmem>>, vector<1x16xf32>,
      %get3A_191 = vector.shape_cast %get3A_190 : vector<1x16xf32> to vector<16xf32>
      %broadcast_in_dim3A_192 = arith.constant 12 : i32
      %broadcast_in_dim3A_193 = vector.broadcast %broadcast_in_dim3A_192 : i32 to vector<16xi32>
      %gt3A_194 = arith.cmpf ogt, %get3A_191, %select_n3A_185 : vector<16xf32>
      %gt3A_195 = arith.cmpf ogt, %get3A_191, %select_n3A_182 : vector<16xf32>
      %select_n3A_196 = arith.select %gt3A_195, %get3A_191, %select_n3A_182 : vector<16xi1>, vector<16xf32>
      %select_n3A_197 = arith.select %gt3A_194, %select_n3A_185, %select_n3A_196 : vector<16xi1>, vector<16xf32>
      %select_n3A_198 = arith.select %gt3A_195, %broadcast_in_dim3A_193, %select_n3A_184 : vector<16xi1>, vector<16xi32>
      %select_n3A_199 = arith.select %gt3A_194, %select_n3A_186, %select_n3A_198 : vector<16xi1>, vector<16xi32>
      %select_n3A_200 = arith.select %gt3A_194, %get3A_191, %select_n3A_185 : vector<16xi1>, vector<16xf32>
      %select_n3A_201 = arith.select %gt3A_194, %broadcast_in_dim3A_193, %select_n3A_186 : vector<16xi1>, vector<16xi32>
      %get3A_202 = arith.constant 13 : i32
      %get3A_203 = arith.index_cast %get3A_202 : i32 to index
      %get3A_204 = arith.index_cast %mul3A_14 : i32 to index
      %get3A_205 = tpu.vector_load %arg5[%get3A_203, %get3A_204] {strides = array<i32>} : memref<64x256xf32, #tpu.memory_space<vmem>>, vector<1x16xf32>,
      %get3A_206 = vector.shape_cast %get3A_205 : vector<1x16xf32> to vector<16xf32>
      %broadcast_in_dim3A_207 = arith.constant 13 : i32
      %broadcast_in_dim3A_208 = vector.broadcast %broadcast_in_dim3A_207 : i32 to vector<16xi32>
      %gt3A_209 = arith.cmpf ogt, %get3A_206, %select_n3A_200 : vector<16xf32>
      %gt3A_210 = arith.cmpf ogt, %get3A_206, %select_n3A_197 : vector<16xf32>
      %select_n3A_211 = arith.select %gt3A_210, %get3A_206, %select_n3A_197 : vector<16xi1>, vector<16xf32>
      %select_n3A_212 = arith.select %gt3A_209, %select_n3A_200, %select_n3A_211 : vector<16xi1>, vector<16xf32>
      %select_n3A_213 = arith.select %gt3A_210, %broadcast_in_dim3A_208, %select_n3A_199 : vector<16xi1>, vector<16xi32>
      %select_n3A_214 = arith.select %gt3A_209, %select_n3A_201, %select_n3A_213 : vector<16xi1>, vector<16xi32>
      %select_n3A_215 = arith.select %gt3A_209, %get3A_206, %select_n3A_200 : vector<16xi1>, vector<16xf32>
      %select_n3A_216 = arith.select %gt3A_209, %broadcast_in_dim3A_208, %select_n3A_201 : vector<16xi1>, vector<16xi32>
      %get3A_217 = arith.constant 14 : i32
      %get3A_218 = arith.index_cast %get3A_217 : i32 to index
      %get3A_219 = arith.index_cast %mul3A_14 : i32 to index
      %get3A_220 = tpu.vector_load %arg5[%get3A_218, %get3A_219] {strides = array<i32>} : memref<64x256xf32, #tpu.memory_space<vmem>>, vector<1x16xf32>,
      %get3A_221 = vector.shape_cast %get3A_220 : vector<1x16xf32> to vector<16xf32>
      %broadcast_in_dim3A_222 = arith.constant 14 : i32
      %broadcast_in_dim3A_223 = vector.broadcast %broadcast_in_dim3A_222 : i32 to vector<16xi32>
      %gt3A_224 = arith.cmpf ogt, %get3A_221, %select_n3A_215 : vector<16xf32>
      %gt3A_225 = arith.cmpf ogt, %get3A_221, %select_n3A_212 : vector<16xf32>
      %select_n3A_226 = arith.select %gt3A_225, %get3A_221, %select_n3A_212 : vector<16xi1>, vector<16xf32>
      %select_n3A_227 = arith.select %gt3A_224, %select_n3A_215, %select_n3A_226 : vector<16xi1>, vector<16xf32>
      %select_n3A_228 = arith.select %gt3A_225, %broadcast_in_dim3A_223, %select_n3A_214 : vector<16xi1>, vector<16xi32>
      %select_n3A_229 = arith.select %gt3A_224, %select_n3A_216, %select_n3A_228 : vector<16xi1>, vector<16xi32>
      %select_n3A_230 = arith.select %gt3A_224, %get3A_221, %select_n3A_215 : vector<16xi1>, vector<16xf32>
      %select_n3A_231 = arith.select %gt3A_224, %broadcast_in_dim3A_223, %select_n3A_216 : vector<16xi1>, vector<16xi32>
      %get3A_232 = arith.constant 15 : i32
      %get3A_233 = arith.index_cast %get3A_232 : i32 to index
      %get3A_234 = arith.index_cast %mul3A_14 : i32 to index
      %get3A_235 = tpu.vector_load %arg5[%get3A_233, %get3A_234] {strides = array<i32>} : memref<64x256xf32, #tpu.memory_space<vmem>>, vector<1x16xf32>,
      %get3A_236 = vector.shape_cast %get3A_235 : vector<1x16xf32> to vector<16xf32>
      %broadcast_in_dim3A_237 = arith.constant 15 : i32
      %broadcast_in_dim3A_238 = vector.broadcast %broadcast_in_dim3A_237 : i32 to vector<16xi32>
      %gt3A_239 = arith.cmpf ogt, %get3A_236, %select_n3A_230 : vector<16xf32>
      %gt3A_240 = arith.cmpf ogt, %get3A_236, %select_n3A_227 : vector<16xf32>
      %select_n3A_241 = arith.select %gt3A_240, %get3A_236, %select_n3A_227 : vector<16xi1>, vector<16xf32>
      %select_n3A_242 = arith.select %gt3A_239, %select_n3A_230, %select_n3A_241 : vector<16xi1>, vector<16xf32>
      %select_n3A_243 = arith.select %gt3A_240, %broadcast_in_dim3A_238, %select_n3A_229 : vector<16xi1>, vector<16xi32>
      %select_n3A_244 = arith.select %gt3A_239, %select_n3A_231, %select_n3A_243 : vector<16xi1>, vector<16xi32>
      %select_n3A_245 = arith.select %gt3A_239, %get3A_236, %select_n3A_230 : vector<16xi1>, vector<16xf32>
      %select_n3A_246 = arith.select %gt3A_239, %broadcast_in_dim3A_238, %select_n3A_231 : vector<16xi1>, vector<16xi32>
      %get3A_247 = arith.constant 16 : i32
      %get3A_248 = arith.index_cast %get3A_247 : i32 to index
      %get3A_249 = arith.index_cast %mul3A_14 : i32 to index
      %get3A_250 = tpu.vector_load %arg5[%get3A_248, %get3A_249] {strides = array<i32>} : memref<64x256xf32, #tpu.memory_space<vmem>>, vector<1x16xf32>,
      %get3A_251 = vector.shape_cast %get3A_250 : vector<1x16xf32> to vector<16xf32>
      %broadcast_in_dim3A_252 = arith.constant 16 : i32
      %broadcast_in_dim3A_253 = vector.broadcast %broadcast_in_dim3A_252 : i32 to vector<16xi32>
      %gt3A_254 = arith.cmpf ogt, %get3A_251, %select_n3A_245 : vector<16xf32>
      %gt3A_255 = arith.cmpf ogt, %get3A_251, %select_n3A_242 : vector<16xf32>
      %select_n3A_256 = arith.select %gt3A_255, %get3A_251, %select_n3A_242 : vector<16xi1>, vector<16xf32>
      %select_n3A_257 = arith.select %gt3A_254, %select_n3A_245, %select_n3A_256 : vector<16xi1>, vector<16xf32>
      %select_n3A_258 = arith.select %gt3A_255, %broadcast_in_dim3A_253, %select_n3A_244 : vector<16xi1>, vector<16xi32>
      %select_n3A_259 = arith.select %gt3A_254, %select_n3A_246, %select_n3A_258 : vector<16xi1>, vector<16xi32>
      %select_n3A_260 = arith.select %gt3A_254, %get3A_251, %select_n3A_245 : vector<16xi1>, vector<16xf32>
      %select_n3A_261 = arith.select %gt3A_254, %broadcast_in_dim3A_253, %select_n3A_246 : vector<16xi1>, vector<16xi32>
      %get3A_262 = arith.constant 17 : i32
      %get3A_263 = arith.index_cast %get3A_262 : i32 to index
      %get3A_264 = arith.index_cast %mul3A_14 : i32 to index
      %get3A_265 = tpu.vector_load %arg5[%get3A_263, %get3A_264] {strides = array<i32>} : memref<64x256xf32, #tpu.memory_space<vmem>>, vector<1x16xf32>,
      %get3A_266 = vector.shape_cast %get3A_265 : vector<1x16xf32> to vector<16xf32>
      %broadcast_in_dim3A_267 = arith.constant 17 : i32
      %broadcast_in_dim3A_268 = vector.broadcast %broadcast_in_dim3A_267 : i32 to vector<16xi32>
      %gt3A_269 = arith.cmpf ogt, %get3A_266, %select_n3A_260 : vector<16xf32>
      %gt3A_270 = arith.cmpf ogt, %get3A_266, %select_n3A_257 : vector<16xf32>
      %select_n3A_271 = arith.select %gt3A_270, %get3A_266, %select_n3A_257 : vector<16xi1>, vector<16xf32>
      %select_n3A_272 = arith.select %gt3A_269, %select_n3A_260, %select_n3A_271 : vector<16xi1>, vector<16xf32>
      %select_n3A_273 = arith.select %gt3A_270, %broadcast_in_dim3A_268, %select_n3A_259 : vector<16xi1>, vector<16xi32>
      %select_n3A_274 = arith.select %gt3A_269, %select_n3A_261, %select_n3A_273 : vector<16xi1>, vector<16xi32>
      %select_n3A_275 = arith.select %gt3A_269, %get3A_266, %select_n3A_260 : vector<16xi1>, vector<16xf32>
      %select_n3A_276 = arith.select %gt3A_269, %broadcast_in_dim3A_268, %select_n3A_261 : vector<16xi1>, vector<16xi32>
      %get3A_277 = arith.constant 18 : i32
      %get3A_278 = arith.index_cast %get3A_277 : i32 to index
      %get3A_279 = arith.index_cast %mul3A_14 : i32 to index
      %get3A_280 = tpu.vector_load %arg5[%get3A_278, %get3A_279] {strides = array<i32>} : memref<64x256xf32, #tpu.memory_space<vmem>>, vector<1x16xf32>,
      %get3A_281 = vector.shape_cast %get3A_280 : vector<1x16xf32> to vector<16xf32>
      %broadcast_in_dim3A_282 = arith.constant 18 : i32
      %broadcast_in_dim3A_283 = vector.broadcast %broadcast_in_dim3A_282 : i32 to vector<16xi32>
      %gt3A_284 = arith.cmpf ogt, %get3A_281, %select_n3A_275 : vector<16xf32>
      %gt3A_285 = arith.cmpf ogt, %get3A_281, %select_n3A_272 : vector<16xf32>
      %select_n3A_286 = arith.select %gt3A_285, %get3A_281, %select_n3A_272 : vector<16xi1>, vector<16xf32>
      %select_n3A_287 = arith.select %gt3A_284, %select_n3A_275, %select_n3A_286 : vector<16xi1>, vector<16xf32>
      %select_n3A_288 = arith.select %gt3A_285, %broadcast_in_dim3A_283, %select_n3A_274 : vector<16xi1>, vector<16xi32>
      %select_n3A_289 = arith.select %gt3A_284, %select_n3A_276, %select_n3A_288 : vector<16xi1>, vector<16xi32>
      %select_n3A_290 = arith.select %gt3A_284, %get3A_281, %select_n3A_275 : vector<16xi1>, vector<16xf32>
      %select_n3A_291 = arith.select %gt3A_284, %broadcast_in_dim3A_283, %select_n3A_276 : vector<16xi1>, vector<16xi32>
      %get3A_292 = arith.constant 19 : i32
      %get3A_293 = arith.index_cast %get3A_292 : i32 to index
      %get3A_294 = arith.index_cast %mul3A_14 : i32 to index
      %get3A_295 = tpu.vector_load %arg5[%get3A_293, %get3A_294] {strides = array<i32>} : memref<64x256xf32, #tpu.memory_space<vmem>>, vector<1x16xf32>,
      %get3A_296 = vector.shape_cast %get3A_295 : vector<1x16xf32> to vector<16xf32>
      %broadcast_in_dim3A_297 = arith.constant 19 : i32
      %broadcast_in_dim3A_298 = vector.broadcast %broadcast_in_dim3A_297 : i32 to vector<16xi32>
      %gt3A_299 = arith.cmpf ogt, %get3A_296, %select_n3A_290 : vector<16xf32>
      %gt3A_300 = arith.cmpf ogt, %get3A_296, %select_n3A_287 : vector<16xf32>
      %select_n3A_301 = arith.select %gt3A_300, %get3A_296, %select_n3A_287 : vector<16xi1>, vector<16xf32>
      %select_n3A_302 = arith.select %gt3A_299, %select_n3A_290, %select_n3A_301 : vector<16xi1>, vector<16xf32>
      %select_n3A_303 = arith.select %gt3A_300, %broadcast_in_dim3A_298, %select_n3A_289 : vector<16xi1>, vector<16xi32>
      %select_n3A_304 = arith.select %gt3A_299, %select_n3A_291, %select_n3A_303 : vector<16xi1>, vector<16xi32>
      %select_n3A_305 = arith.select %gt3A_299, %get3A_296, %select_n3A_290 : vector<16xi1>, vector<16xf32>
      %select_n3A_306 = arith.select %gt3A_299, %broadcast_in_dim3A_298, %select_n3A_291 : vector<16xi1>, vector<16xi32>
      %get3A_307 = arith.constant 20 : i32
      %get3A_308 = arith.index_cast %get3A_307 : i32 to index
      %get3A_309 = arith.index_cast %mul3A_14 : i32 to index
      %get3A_310 = tpu.vector_load %arg5[%get3A_308, %get3A_309] {strides = array<i32>} : memref<64x256xf32, #tpu.memory_space<vmem>>, vector<1x16xf32>,
      %get3A_311 = vector.shape_cast %get3A_310 : vector<1x16xf32> to vector<16xf32>
      %broadcast_in_dim3A_312 = arith.constant 20 : i32
      %broadcast_in_dim3A_313 = vector.broadcast %broadcast_in_dim3A_312 : i32 to vector<16xi32>
      %gt3A_314 = arith.cmpf ogt, %get3A_311, %select_n3A_305 : vector<16xf32>
      %gt3A_315 = arith.cmpf ogt, %get3A_311, %select_n3A_302 : vector<16xf32>
      %select_n3A_316 = arith.select %gt3A_315, %get3A_311, %select_n3A_302 : vector<16xi1>, vector<16xf32>
      %select_n3A_317 = arith.select %gt3A_314, %select_n3A_305, %select_n3A_316 : vector<16xi1>, vector<16xf32>
      %select_n3A_318 = arith.select %gt3A_315, %broadcast_in_dim3A_313, %select_n3A_304 : vector<16xi1>, vector<16xi32>
      %select_n3A_319 = arith.select %gt3A_314, %select_n3A_306, %select_n3A_318 : vector<16xi1>, vector<16xi32>
      %select_n3A_320 = arith.select %gt3A_314, %get3A_311, %select_n3A_305 : vector<16xi1>, vector<16xf32>
      %select_n3A_321 = arith.select %gt3A_314, %broadcast_in_dim3A_313, %select_n3A_306 : vector<16xi1>, vector<16xi32>
      %get3A_322 = arith.constant 21 : i32
      %get3A_323 = arith.index_cast %get3A_322 : i32 to index
      %get3A_324 = arith.index_cast %mul3A_14 : i32 to index
      %get3A_325 = tpu.vector_load %arg5[%get3A_323, %get3A_324] {strides = array<i32>} : memref<64x256xf32, #tpu.memory_space<vmem>>, vector<1x16xf32>,
      %get3A_326 = vector.shape_cast %get3A_325 : vector<1x16xf32> to vector<16xf32>
      %broadcast_in_dim3A_327 = arith.constant 21 : i32
      %broadcast_in_dim3A_328 = vector.broadcast %broadcast_in_dim3A_327 : i32 to vector<16xi32>
      %gt3A_329 = arith.cmpf ogt, %get3A_326, %select_n3A_320 : vector<16xf32>
      %gt3A_330 = arith.cmpf ogt, %get3A_326, %select_n3A_317 : vector<16xf32>
      %select_n3A_331 = arith.select %gt3A_330, %get3A_326, %select_n3A_317 : vector<16xi1>, vector<16xf32>
      %select_n3A_332 = arith.select %gt3A_329, %select_n3A_320, %select_n3A_331 : vector<16xi1>, vector<16xf32>
      %select_n3A_333 = arith.select %gt3A_330, %broadcast_in_dim3A_328, %select_n3A_319 : vector<16xi1>, vector<16xi32>
      %select_n3A_334 = arith.select %gt3A_329, %select_n3A_321, %select_n3A_333 : vector<16xi1>, vector<16xi32>
      %select_n3A_335 = arith.select %gt3A_329, %get3A_326, %select_n3A_320 : vector<16xi1>, vector<16xf32>
      %select_n3A_336 = arith.select %gt3A_329, %broadcast_in_dim3A_328, %select_n3A_321 : vector<16xi1>, vector<16xi32>
      %get3A_337 = arith.constant 22 : i32
      %get3A_338 = arith.index_cast %get3A_337 : i32 to index
      %get3A_339 = arith.index_cast %mul3A_14 : i32 to index
      %get3A_340 = tpu.vector_load %arg5[%get3A_338, %get3A_339] {strides = array<i32>} : memref<64x256xf32, #tpu.memory_space<vmem>>, vector<1x16xf32>,
      %get3A_341 = vector.shape_cast %get3A_340 : vector<1x16xf32> to vector<16xf32>
      %broadcast_in_dim3A_342 = arith.constant 22 : i32
      %broadcast_in_dim3A_343 = vector.broadcast %broadcast_in_dim3A_342 : i32 to vector<16xi32>
      %gt3A_344 = arith.cmpf ogt, %get3A_341, %select_n3A_335 : vector<16xf32>
      %gt3A_345 = arith.cmpf ogt, %get3A_341, %select_n3A_332 : vector<16xf32>
      %select_n3A_346 = arith.select %gt3A_345, %get3A_341, %select_n3A_332 : vector<16xi1>, vector<16xf32>
      %select_n3A_347 = arith.select %gt3A_344, %select_n3A_335, %select_n3A_346 : vector<16xi1>, vector<16xf32>
      %select_n3A_348 = arith.select %gt3A_345, %broadcast_in_dim3A_343, %select_n3A_334 : vector<16xi1>, vector<16xi32>
      %select_n3A_349 = arith.select %gt3A_344, %select_n3A_336, %select_n3A_348 : vector<16xi1>, vector<16xi32>
      %select_n3A_350 = arith.select %gt3A_344, %get3A_341, %select_n3A_335 : vector<16xi1>, vector<16xf32>
      %select_n3A_351 = arith.select %gt3A_344, %broadcast_in_dim3A_343, %select_n3A_336 : vector<16xi1>, vector<16xi32>
      %get3A_352 = arith.constant 23 : i32
      %get3A_353 = arith.index_cast %get3A_352 : i32 to index
      %get3A_354 = arith.index_cast %mul3A_14 : i32 to index
      %get3A_355 = tpu.vector_load %arg5[%get3A_353, %get3A_354] {strides = array<i32>} : memref<64x256xf32, #tpu.memory_space<vmem>>, vector<1x16xf32>,
      %get3A_356 = vector.shape_cast %get3A_355 : vector<1x16xf32> to vector<16xf32>
      %broadcast_in_dim3A_357 = arith.constant 23 : i32
      %broadcast_in_dim3A_358 = vector.broadcast %broadcast_in_dim3A_357 : i32 to vector<16xi32>
      %gt3A_359 = arith.cmpf ogt, %get3A_356, %select_n3A_350 : vector<16xf32>
      %gt3A_360 = arith.cmpf ogt, %get3A_356, %select_n3A_347 : vector<16xf32>
      %select_n3A_361 = arith.select %gt3A_360, %get3A_356, %select_n3A_347 : vector<16xi1>, vector<16xf32>
      %select_n3A_362 = arith.select %gt3A_359, %select_n3A_350, %select_n3A_361 : vector<16xi1>, vector<16xf32>
      %select_n3A_363 = arith.select %gt3A_360, %broadcast_in_dim3A_358, %select_n3A_349 : vector<16xi1>, vector<16xi32>
      %select_n3A_364 = arith.select %gt3A_359, %select_n3A_351, %select_n3A_363 : vector<16xi1>, vector<16xi32>
      %select_n3A_365 = arith.select %gt3A_359, %get3A_356, %select_n3A_350 : vector<16xi1>, vector<16xf32>
      %select_n3A_366 = arith.select %gt3A_359, %broadcast_in_dim3A_358, %select_n3A_351 : vector<16xi1>, vector<16xi32>
      %get3A_367 = arith.constant 24 : i32
      %get3A_368 = arith.index_cast %get3A_367 : i32 to index
      %get3A_369 = arith.index_cast %mul3A_14 : i32 to index
      %get3A_370 = tpu.vector_load %arg5[%get3A_368, %get3A_369] {strides = array<i32>} : memref<64x256xf32, #tpu.memory_space<vmem>>, vector<1x16xf32>,
      %get3A_371 = vector.shape_cast %get3A_370 : vector<1x16xf32> to vector<16xf32>
      %broadcast_in_dim3A_372 = arith.constant 24 : i32
      %broadcast_in_dim3A_373 = vector.broadcast %broadcast_in_dim3A_372 : i32 to vector<16xi32>
      %gt3A_374 = arith.cmpf ogt, %get3A_371, %select_n3A_365 : vector<16xf32>
      %gt3A_375 = arith.cmpf ogt, %get3A_371, %select_n3A_362 : vector<16xf32>
      %select_n3A_376 = arith.select %gt3A_375, %get3A_371, %select_n3A_362 : vector<16xi1>, vector<16xf32>
      %select_n3A_377 = arith.select %gt3A_374, %select_n3A_365, %select_n3A_376 : vector<16xi1>, vector<16xf32>
      %select_n3A_378 = arith.select %gt3A_375, %broadcast_in_dim3A_373, %select_n3A_364 : vector<16xi1>, vector<16xi32>
      %select_n3A_379 = arith.select %gt3A_374, %select_n3A_366, %select_n3A_378 : vector<16xi1>, vector<16xi32>
      %select_n3A_380 = arith.select %gt3A_374, %get3A_371, %select_n3A_365 : vector<16xi1>, vector<16xf32>
      %select_n3A_381 = arith.select %gt3A_374, %broadcast_in_dim3A_373, %select_n3A_366 : vector<16xi1>, vector<16xi32>
      %get3A_382 = arith.constant 25 : i32
      %get3A_383 = arith.index_cast %get3A_382 : i32 to index
      %get3A_384 = arith.index_cast %mul3A_14 : i32 to index
      %get3A_385 = tpu.vector_load %arg5[%get3A_383, %get3A_384] {strides = array<i32>} : memref<64x256xf32, #tpu.memory_space<vmem>>, vector<1x16xf32>,
      %get3A_386 = vector.shape_cast %get3A_385 : vector<1x16xf32> to vector<16xf32>
      %broadcast_in_dim3A_387 = arith.constant 25 : i32
      %broadcast_in_dim3A_388 = vector.broadcast %broadcast_in_dim3A_387 : i32 to vector<16xi32>
      %gt3A_389 = arith.cmpf ogt, %get3A_386, %select_n3A_380 : vector<16xf32>
      %gt3A_390 = arith.cmpf ogt, %get3A_386, %select_n3A_377 : vector<16xf32>
      %select_n3A_391 = arith.select %gt3A_390, %get3A_386, %select_n3A_377 : vector<16xi1>, vector<16xf32>
      %select_n3A_392 = arith.select %gt3A_389, %select_n3A_380, %select_n3A_391 : vector<16xi1>, vector<16xf32>
      %select_n3A_393 = arith.select %gt3A_390, %broadcast_in_dim3A_388, %select_n3A_379 : vector<16xi1>, vector<16xi32>
      %select_n3A_394 = arith.select %gt3A_389, %select_n3A_381, %select_n3A_393 : vector<16xi1>, vector<16xi32>
      %select_n3A_395 = arith.select %gt3A_389, %get3A_386, %select_n3A_380 : vector<16xi1>, vector<16xf32>
      %select_n3A_396 = arith.select %gt3A_389, %broadcast_in_dim3A_388, %select_n3A_381 : vector<16xi1>, vector<16xi32>
      %get3A_397 = arith.constant 26 : i32
      %get3A_398 = arith.index_cast %get3A_397 : i32 to index
      %get3A_399 = arith.index_cast %mul3A_14 : i32 to index
      %get3A_400 = tpu.vector_load %arg5[%get3A_398, %get3A_399] {strides = array<i32>} : memref<64x256xf32, #tpu.memory_space<vmem>>, vector<1x16xf32>,
      %get3A_401 = vector.shape_cast %get3A_400 : vector<1x16xf32> to vector<16xf32>
      %broadcast_in_dim3A_402 = arith.constant 26 : i32
      %broadcast_in_dim3A_403 = vector.broadcast %broadcast_in_dim3A_402 : i32 to vector<16xi32>
      %gt3A_404 = arith.cmpf ogt, %get3A_401, %select_n3A_395 : vector<16xf32>
      %gt3A_405 = arith.cmpf ogt, %get3A_401, %select_n3A_392 : vector<16xf32>
      %select_n3A_406 = arith.select %gt3A_405, %get3A_401, %select_n3A_392 : vector<16xi1>, vector<16xf32>
      %select_n3A_407 = arith.select %gt3A_404, %select_n3A_395, %select_n3A_406 : vector<16xi1>, vector<16xf32>
      %select_n3A_408 = arith.select %gt3A_405, %broadcast_in_dim3A_403, %select_n3A_394 : vector<16xi1>, vector<16xi32>
      %select_n3A_409 = arith.select %gt3A_404, %select_n3A_396, %select_n3A_408 : vector<16xi1>, vector<16xi32>
      %select_n3A_410 = arith.select %gt3A_404, %get3A_401, %select_n3A_395 : vector<16xi1>, vector<16xf32>
      %select_n3A_411 = arith.select %gt3A_404, %broadcast_in_dim3A_403, %select_n3A_396 : vector<16xi1>, vector<16xi32>
      %get3A_412 = arith.constant 27 : i32
      %get3A_413 = arith.index_cast %get3A_412 : i32 to index
      %get3A_414 = arith.index_cast %mul3A_14 : i32 to index
      %get3A_415 = tpu.vector_load %arg5[%get3A_413, %get3A_414] {strides = array<i32>} : memref<64x256xf32, #tpu.memory_space<vmem>>, vector<1x16xf32>,
      %get3A_416 = vector.shape_cast %get3A_415 : vector<1x16xf32> to vector<16xf32>
      %broadcast_in_dim3A_417 = arith.constant 27 : i32
      %broadcast_in_dim3A_418 = vector.broadcast %broadcast_in_dim3A_417 : i32 to vector<16xi32>
      %gt3A_419 = arith.cmpf ogt, %get3A_416, %select_n3A_410 : vector<16xf32>
      %gt3A_420 = arith.cmpf ogt, %get3A_416, %select_n3A_407 : vector<16xf32>
      %select_n3A_421 = arith.select %gt3A_420, %get3A_416, %select_n3A_407 : vector<16xi1>, vector<16xf32>
      %select_n3A_422 = arith.select %gt3A_419, %select_n3A_410, %select_n3A_421 : vector<16xi1>, vector<16xf32>
      %select_n3A_423 = arith.select %gt3A_420, %broadcast_in_dim3A_418, %select_n3A_409 : vector<16xi1>, vector<16xi32>
      %select_n3A_424 = arith.select %gt3A_419, %select_n3A_411, %select_n3A_423 : vector<16xi1>, vector<16xi32>
      %select_n3A_425 = arith.select %gt3A_419, %get3A_416, %select_n3A_410 : vector<16xi1>, vector<16xf32>
      %select_n3A_426 = arith.select %gt3A_419, %broadcast_in_dim3A_418, %select_n3A_411 : vector<16xi1>, vector<16xi32>
      %get3A_427 = arith.constant 28 : i32
      %get3A_428 = arith.index_cast %get3A_427 : i32 to index
      %get3A_429 = arith.index_cast %mul3A_14 : i32 to index
      %get3A_430 = tpu.vector_load %arg5[%get3A_428, %get3A_429] {strides = array<i32>} : memref<64x256xf32, #tpu.memory_space<vmem>>, vector<1x16xf32>,
      %get3A_431 = vector.shape_cast %get3A_430 : vector<1x16xf32> to vector<16xf32>
      %broadcast_in_dim3A_432 = arith.constant 28 : i32
      %broadcast_in_dim3A_433 = vector.broadcast %broadcast_in_dim3A_432 : i32 to vector<16xi32>
      %gt3A_434 = arith.cmpf ogt, %get3A_431, %select_n3A_425 : vector<16xf32>
      %gt3A_435 = arith.cmpf ogt, %get3A_431, %select_n3A_422 : vector<16xf32>
      %select_n3A_436 = arith.select %gt3A_435, %get3A_431, %select_n3A_422 : vector<16xi1>, vector<16xf32>
      %select_n3A_437 = arith.select %gt3A_434, %select_n3A_425, %select_n3A_436 : vector<16xi1>, vector<16xf32>
      %select_n3A_438 = arith.select %gt3A_435, %broadcast_in_dim3A_433, %select_n3A_424 : vector<16xi1>, vector<16xi32>
      %select_n3A_439 = arith.select %gt3A_434, %select_n3A_426, %select_n3A_438 : vector<16xi1>, vector<16xi32>
      %select_n3A_440 = arith.select %gt3A_434, %get3A_431, %select_n3A_425 : vector<16xi1>, vector<16xf32>
      %select_n3A_441 = arith.select %gt3A_434, %broadcast_in_dim3A_433, %select_n3A_426 : vector<16xi1>, vector<16xi32>
      %get3A_442 = arith.constant 29 : i32
      %get3A_443 = arith.index_cast %get3A_442 : i32 to index
      %get3A_444 = arith.index_cast %mul3A_14 : i32 to index
      %get3A_445 = tpu.vector_load %arg5[%get3A_443, %get3A_444] {strides = array<i32>} : memref<64x256xf32, #tpu.memory_space<vmem>>, vector<1x16xf32>,
      %get3A_446 = vector.shape_cast %get3A_445 : vector<1x16xf32> to vector<16xf32>
      %broadcast_in_dim3A_447 = arith.constant 29 : i32
      %broadcast_in_dim3A_448 = vector.broadcast %broadcast_in_dim3A_447 : i32 to vector<16xi32>
      %gt3A_449 = arith.cmpf ogt, %get3A_446, %select_n3A_440 : vector<16xf32>
      %gt3A_450 = arith.cmpf ogt, %get3A_446, %select_n3A_437 : vector<16xf32>
      %select_n3A_451 = arith.select %gt3A_450, %get3A_446, %select_n3A_437 : vector<16xi1>, vector<16xf32>
      %select_n3A_452 = arith.select %gt3A_449, %select_n3A_440, %select_n3A_451 : vector<16xi1>, vector<16xf32>
      %select_n3A_453 = arith.select %gt3A_450, %broadcast_in_dim3A_448, %select_n3A_439 : vector<16xi1>, vector<16xi32>
      %select_n3A_454 = arith.select %gt3A_449, %select_n3A_441, %select_n3A_453 : vector<16xi1>, vector<16xi32>
      %select_n3A_455 = arith.select %gt3A_449, %get3A_446, %select_n3A_440 : vector<16xi1>, vector<16xf32>
      %select_n3A_456 = arith.select %gt3A_449, %broadcast_in_dim3A_448, %select_n3A_441 : vector<16xi1>, vector<16xi32>
      %get3A_457 = arith.constant 30 : i32
      %get3A_458 = arith.index_cast %get3A_457 : i32 to index
      %get3A_459 = arith.index_cast %mul3A_14 : i32 to index
      %get3A_460 = tpu.vector_load %arg5[%get3A_458, %get3A_459] {strides = array<i32>} : memref<64x256xf32, #tpu.memory_space<vmem>>, vector<1x16xf32>,
      %get3A_461 = vector.shape_cast %get3A_460 : vector<1x16xf32> to vector<16xf32>
      %broadcast_in_dim3A_462 = arith.constant 30 : i32
      %broadcast_in_dim3A_463 = vector.broadcast %broadcast_in_dim3A_462 : i32 to vector<16xi32>
      %gt3A_464 = arith.cmpf ogt, %get3A_461, %select_n3A_455 : vector<16xf32>
      %gt3A_465 = arith.cmpf ogt, %get3A_461, %select_n3A_452 : vector<16xf32>
      %select_n3A_466 = arith.select %gt3A_465, %get3A_461, %select_n3A_452 : vector<16xi1>, vector<16xf32>
      %select_n3A_467 = arith.select %gt3A_464, %select_n3A_455, %select_n3A_466 : vector<16xi1>, vector<16xf32>
      %select_n3A_468 = arith.select %gt3A_465, %broadcast_in_dim3A_463, %select_n3A_454 : vector<16xi1>, vector<16xi32>
      %select_n3A_469 = arith.select %gt3A_464, %select_n3A_456, %select_n3A_468 : vector<16xi1>, vector<16xi32>
      %select_n3A_470 = arith.select %gt3A_464, %get3A_461, %select_n3A_455 : vector<16xi1>, vector<16xf32>
      %select_n3A_471 = arith.select %gt3A_464, %broadcast_in_dim3A_463, %select_n3A_456 : vector<16xi1>, vector<16xi32>
      %get3A_472 = arith.constant 31 : i32
      %get3A_473 = arith.index_cast %get3A_472 : i32 to index
      %get3A_474 = arith.index_cast %mul3A_14 : i32 to index
      %get3A_475 = tpu.vector_load %arg5[%get3A_473, %get3A_474] {strides = array<i32>} : memref<64x256xf32, #tpu.memory_space<vmem>>, vector<1x16xf32>,
      %get3A_476 = vector.shape_cast %get3A_475 : vector<1x16xf32> to vector<16xf32>
      %broadcast_in_dim3A_477 = arith.constant 31 : i32
      %broadcast_in_dim3A_478 = vector.broadcast %broadcast_in_dim3A_477 : i32 to vector<16xi32>
      %gt3A_479 = arith.cmpf ogt, %get3A_476, %select_n3A_470 : vector<16xf32>
      %gt3A_480 = arith.cmpf ogt, %get3A_476, %select_n3A_467 : vector<16xf32>
      %select_n3A_481 = arith.select %gt3A_480, %get3A_476, %select_n3A_467 : vector<16xi1>, vector<16xf32>
      %select_n3A_482 = arith.select %gt3A_479, %select_n3A_470, %select_n3A_481 : vector<16xi1>, vector<16xf32>
      %select_n3A_483 = arith.select %gt3A_480, %broadcast_in_dim3A_478, %select_n3A_469 : vector<16xi1>, vector<16xi32>
      %select_n3A_484 = arith.select %gt3A_479, %select_n3A_471, %select_n3A_483 : vector<16xi1>, vector<16xi32>
      %select_n3A_485 = arith.select %gt3A_479, %get3A_476, %select_n3A_470 : vector<16xi1>, vector<16xf32>
      %select_n3A_486 = arith.select %gt3A_479, %broadcast_in_dim3A_478, %select_n3A_471 : vector<16xi1>, vector<16xi32>
      %get3A_487 = arith.constant 32 : i32
      %get3A_488 = arith.index_cast %get3A_487 : i32 to index
      %get3A_489 = arith.index_cast %mul3A_14 : i32 to index
      %get3A_490 = tpu.vector_load %arg5[%get3A_488, %get3A_489] {strides = array<i32>} : memref<64x256xf32, #tpu.memory_space<vmem>>, vector<1x16xf32>,
      %get3A_491 = vector.shape_cast %get3A_490 : vector<1x16xf32> to vector<16xf32>
      %broadcast_in_dim3A_492 = arith.constant 32 : i32
      %broadcast_in_dim3A_493 = vector.broadcast %broadcast_in_dim3A_492 : i32 to vector<16xi32>
      %gt3A_494 = arith.cmpf ogt, %get3A_491, %select_n3A_485 : vector<16xf32>
      %gt3A_495 = arith.cmpf ogt, %get3A_491, %select_n3A_482 : vector<16xf32>
      %select_n3A_496 = arith.select %gt3A_495, %get3A_491, %select_n3A_482 : vector<16xi1>, vector<16xf32>
      %select_n3A_497 = arith.select %gt3A_494, %select_n3A_485, %select_n3A_496 : vector<16xi1>, vector<16xf32>
      %select_n3A_498 = arith.select %gt3A_495, %broadcast_in_dim3A_493, %select_n3A_484 : vector<16xi1>, vector<16xi32>
      %select_n3A_499 = arith.select %gt3A_494, %select_n3A_486, %select_n3A_498 : vector<16xi1>, vector<16xi32>
      %select_n3A_500 = arith.select %gt3A_494, %get3A_491, %select_n3A_485 : vector<16xi1>, vector<16xf32>
      %select_n3A_501 = arith.select %gt3A_494, %broadcast_in_dim3A_493, %select_n3A_486 : vector<16xi1>, vector<16xi32>
      %get3A_502 = arith.constant 33 : i32
      %get3A_503 = arith.index_cast %get3A_502 : i32 to index
      %get3A_504 = arith.index_cast %mul3A_14 : i32 to index
      %get3A_505 = tpu.vector_load %arg5[%get3A_503, %get3A_504] {strides = array<i32>} : memref<64x256xf32, #tpu.memory_space<vmem>>, vector<1x16xf32>,
      %get3A_506 = vector.shape_cast %get3A_505 : vector<1x16xf32> to vector<16xf32>
      %broadcast_in_dim3A_507 = arith.constant 33 : i32
      %broadcast_in_dim3A_508 = vector.broadcast %broadcast_in_dim3A_507 : i32 to vector<16xi32>
      %gt3A_509 = arith.cmpf ogt, %get3A_506, %select_n3A_500 : vector<16xf32>
      %gt3A_510 = arith.cmpf ogt, %get3A_506, %select_n3A_497 : vector<16xf32>
      %select_n3A_511 = arith.select %gt3A_510, %get3A_506, %select_n3A_497 : vector<16xi1>, vector<16xf32>
      %select_n3A_512 = arith.select %gt3A_509, %select_n3A_500, %select_n3A_511 : vector<16xi1>, vector<16xf32>
      %select_n3A_513 = arith.select %gt3A_510, %broadcast_in_dim3A_508, %select_n3A_499 : vector<16xi1>, vector<16xi32>
      %select_n3A_514 = arith.select %gt3A_509, %select_n3A_501, %select_n3A_513 : vector<16xi1>, vector<16xi32>
      %select_n3A_515 = arith.select %gt3A_509, %get3A_506, %select_n3A_500 : vector<16xi1>, vector<16xf32>
      %select_n3A_516 = arith.select %gt3A_509, %broadcast_in_dim3A_508, %select_n3A_501 : vector<16xi1>, vector<16xi32>
      %get3A_517 = arith.constant 34 : i32
      %get3A_518 = arith.index_cast %get3A_517 : i32 to index
      %get3A_519 = arith.index_cast %mul3A_14 : i32 to index
      %get3A_520 = tpu.vector_load %arg5[%get3A_518, %get3A_519] {strides = array<i32>} : memref<64x256xf32, #tpu.memory_space<vmem>>, vector<1x16xf32>,
      %get3A_521 = vector.shape_cast %get3A_520 : vector<1x16xf32> to vector<16xf32>
      %broadcast_in_dim3A_522 = arith.constant 34 : i32
      %broadcast_in_dim3A_523 = vector.broadcast %broadcast_in_dim3A_522 : i32 to vector<16xi32>
      %gt3A_524 = arith.cmpf ogt, %get3A_521, %select_n3A_515 : vector<16xf32>
      %gt3A_525 = arith.cmpf ogt, %get3A_521, %select_n3A_512 : vector<16xf32>
      %select_n3A_526 = arith.select %gt3A_525, %get3A_521, %select_n3A_512 : vector<16xi1>, vector<16xf32>
      %select_n3A_527 = arith.select %gt3A_524, %select_n3A_515, %select_n3A_526 : vector<16xi1>, vector<16xf32>
      %select_n3A_528 = arith.select %gt3A_525, %broadcast_in_dim3A_523, %select_n3A_514 : vector<16xi1>, vector<16xi32>
      %select_n3A_529 = arith.select %gt3A_524, %select_n3A_516, %select_n3A_528 : vector<16xi1>, vector<16xi32>
      %select_n3A_530 = arith.select %gt3A_524, %get3A_521, %select_n3A_515 : vector<16xi1>, vector<16xf32>
      %select_n3A_531 = arith.select %gt3A_524, %broadcast_in_dim3A_523, %select_n3A_516 : vector<16xi1>, vector<16xi32>
      %get3A_532 = arith.constant 35 : i32
      %get3A_533 = arith.index_cast %get3A_532 : i32 to index
      %get3A_534 = arith.index_cast %mul3A_14 : i32 to index
      %get3A_535 = tpu.vector_load %arg5[%get3A_533, %get3A_534] {strides = array<i32>} : memref<64x256xf32, #tpu.memory_space<vmem>>, vector<1x16xf32>,
      %get3A_536 = vector.shape_cast %get3A_535 : vector<1x16xf32> to vector<16xf32>
      %broadcast_in_dim3A_537 = arith.constant 35 : i32
      %broadcast_in_dim3A_538 = vector.broadcast %broadcast_in_dim3A_537 : i32 to vector<16xi32>
      %gt3A_539 = arith.cmpf ogt, %get3A_536, %select_n3A_530 : vector<16xf32>
      %gt3A_540 = arith.cmpf ogt, %get3A_536, %select_n3A_527 : vector<16xf32>
      %select_n3A_541 = arith.select %gt3A_540, %get3A_536, %select_n3A_527 : vector<16xi1>, vector<16xf32>
      %select_n3A_542 = arith.select %gt3A_539, %select_n3A_530, %select_n3A_541 : vector<16xi1>, vector<16xf32>
      %select_n3A_543 = arith.select %gt3A_540, %broadcast_in_dim3A_538, %select_n3A_529 : vector<16xi1>, vector<16xi32>
      %select_n3A_544 = arith.select %gt3A_539, %select_n3A_531, %select_n3A_543 : vector<16xi1>, vector<16xi32>
      %select_n3A_545 = arith.select %gt3A_539, %get3A_536, %select_n3A_530 : vector<16xi1>, vector<16xf32>
      %select_n3A_546 = arith.select %gt3A_539, %broadcast_in_dim3A_538, %select_n3A_531 : vector<16xi1>, vector<16xi32>
      %get3A_547 = arith.constant 36 : i32
      %get3A_548 = arith.index_cast %get3A_547 : i32 to index
      %get3A_549 = arith.index_cast %mul3A_14 : i32 to index
      %get3A_550 = tpu.vector_load %arg5[%get3A_548, %get3A_549] {strides = array<i32>} : memref<64x256xf32, #tpu.memory_space<vmem>>, vector<1x16xf32>,
      %get3A_551 = vector.shape_cast %get3A_550 : vector<1x16xf32> to vector<16xf32>
      %broadcast_in_dim3A_552 = arith.constant 36 : i32
      %broadcast_in_dim3A_553 = vector.broadcast %broadcast_in_dim3A_552 : i32 to vector<16xi32>
      %gt3A_554 = arith.cmpf ogt, %get3A_551, %select_n3A_545 : vector<16xf32>
      %gt3A_555 = arith.cmpf ogt, %get3A_551, %select_n3A_542 : vector<16xf32>
      %select_n3A_556 = arith.select %gt3A_555, %get3A_551, %select_n3A_542 : vector<16xi1>, vector<16xf32>
      %select_n3A_557 = arith.select %gt3A_554, %select_n3A_545, %select_n3A_556 : vector<16xi1>, vector<16xf32>
      %select_n3A_558 = arith.select %gt3A_555, %broadcast_in_dim3A_553, %select_n3A_544 : vector<16xi1>, vector<16xi32>
      %select_n3A_559 = arith.select %gt3A_554, %select_n3A_546, %select_n3A_558 : vector<16xi1>, vector<16xi32>
      %select_n3A_560 = arith.select %gt3A_554, %get3A_551, %select_n3A_545 : vector<16xi1>, vector<16xf32>
      %select_n3A_561 = arith.select %gt3A_554, %broadcast_in_dim3A_553, %select_n3A_546 : vector<16xi1>, vector<16xi32>
      %get3A_562 = arith.constant 37 : i32
      %get3A_563 = arith.index_cast %get3A_562 : i32 to index
      %get3A_564 = arith.index_cast %mul3A_14 : i32 to index
      %get3A_565 = tpu.vector_load %arg5[%get3A_563, %get3A_564] {strides = array<i32>} : memref<64x256xf32, #tpu.memory_space<vmem>>, vector<1x16xf32>,
      %get3A_566 = vector.shape_cast %get3A_565 : vector<1x16xf32> to vector<16xf32>
      %broadcast_in_dim3A_567 = arith.constant 37 : i32
      %broadcast_in_dim3A_568 = vector.broadcast %broadcast_in_dim3A_567 : i32 to vector<16xi32>
      %gt3A_569 = arith.cmpf ogt, %get3A_566, %select_n3A_560 : vector<16xf32>
      %gt3A_570 = arith.cmpf ogt, %get3A_566, %select_n3A_557 : vector<16xf32>
      %select_n3A_571 = arith.select %gt3A_570, %get3A_566, %select_n3A_557 : vector<16xi1>, vector<16xf32>
      %select_n3A_572 = arith.select %gt3A_569, %select_n3A_560, %select_n3A_571 : vector<16xi1>, vector<16xf32>
      %select_n3A_573 = arith.select %gt3A_570, %broadcast_in_dim3A_568, %select_n3A_559 : vector<16xi1>, vector<16xi32>
      %select_n3A_574 = arith.select %gt3A_569, %select_n3A_561, %select_n3A_573 : vector<16xi1>, vector<16xi32>
      %select_n3A_575 = arith.select %gt3A_569, %get3A_566, %select_n3A_560 : vector<16xi1>, vector<16xf32>
      %select_n3A_576 = arith.select %gt3A_569, %broadcast_in_dim3A_568, %select_n3A_561 : vector<16xi1>, vector<16xi32>
      %get3A_577 = arith.constant 38 : i32
      %get3A_578 = arith.index_cast %get3A_577 : i32 to index
      %get3A_579 = arith.index_cast %mul3A_14 : i32 to index
      %get3A_580 = tpu.vector_load %arg5[%get3A_578, %get3A_579] {strides = array<i32>} : memref<64x256xf32, #tpu.memory_space<vmem>>, vector<1x16xf32>,
      %get3A_581 = vector.shape_cast %get3A_580 : vector<1x16xf32> to vector<16xf32>
      %broadcast_in_dim3A_582 = arith.constant 38 : i32
      %broadcast_in_dim3A_583 = vector.broadcast %broadcast_in_dim3A_582 : i32 to vector<16xi32>
      %gt3A_584 = arith.cmpf ogt, %get3A_581, %select_n3A_575 : vector<16xf32>
      %gt3A_585 = arith.cmpf ogt, %get3A_581, %select_n3A_572 : vector<16xf32>
      %select_n3A_586 = arith.select %gt3A_585, %get3A_581, %select_n3A_572 : vector<16xi1>, vector<16xf32>
      %select_n3A_587 = arith.select %gt3A_584, %select_n3A_575, %select_n3A_586 : vector<16xi1>, vector<16xf32>
      %select_n3A_588 = arith.select %gt3A_585, %broadcast_in_dim3A_583, %select_n3A_574 : vector<16xi1>, vector<16xi32>
      %select_n3A_589 = arith.select %gt3A_584, %select_n3A_576, %select_n3A_588 : vector<16xi1>, vector<16xi32>
      %select_n3A_590 = arith.select %gt3A_584, %get3A_581, %select_n3A_575 : vector<16xi1>, vector<16xf32>
      %select_n3A_591 = arith.select %gt3A_584, %broadcast_in_dim3A_583, %select_n3A_576 : vector<16xi1>, vector<16xi32>
      %get3A_592 = arith.constant 39 : i32
      %get3A_593 = arith.index_cast %get3A_592 : i32 to index
      %get3A_594 = arith.index_cast %mul3A_14 : i32 to index
      %get3A_595 = tpu.vector_load %arg5[%get3A_593, %get3A_594] {strides = array<i32>} : memref<64x256xf32, #tpu.memory_space<vmem>>, vector<1x16xf32>,
      %get3A_596 = vector.shape_cast %get3A_595 : vector<1x16xf32> to vector<16xf32>
      %broadcast_in_dim3A_597 = arith.constant 39 : i32
      %broadcast_in_dim3A_598 = vector.broadcast %broadcast_in_dim3A_597 : i32 to vector<16xi32>
      %gt3A_599 = arith.cmpf ogt, %get3A_596, %select_n3A_590 : vector<16xf32>
      %gt3A_600 = arith.cmpf ogt, %get3A_596, %select_n3A_587 : vector<16xf32>
      %select_n3A_601 = arith.select %gt3A_600, %get3A_596, %select_n3A_587 : vector<16xi1>, vector<16xf32>
      %select_n3A_602 = arith.select %gt3A_599, %select_n3A_590, %select_n3A_601 : vector<16xi1>, vector<16xf32>
      %select_n3A_603 = arith.select %gt3A_600, %broadcast_in_dim3A_598, %select_n3A_589 : vector<16xi1>, vector<16xi32>
      %select_n3A_604 = arith.select %gt3A_599, %select_n3A_591, %select_n3A_603 : vector<16xi1>, vector<16xi32>
      %select_n3A_605 = arith.select %gt3A_599, %get3A_596, %select_n3A_590 : vector<16xi1>, vector<16xf32>
      %select_n3A_606 = arith.select %gt3A_599, %broadcast_in_dim3A_598, %select_n3A_591 : vector<16xi1>, vector<16xi32>
      %get3A_607 = arith.constant 40 : i32
      %get3A_608 = arith.index_cast %get3A_607 : i32 to index
      %get3A_609 = arith.index_cast %mul3A_14 : i32 to index
      %get3A_610 = tpu.vector_load %arg5[%get3A_608, %get3A_609] {strides = array<i32>} : memref<64x256xf32, #tpu.memory_space<vmem>>, vector<1x16xf32>,
      %get3A_611 = vector.shape_cast %get3A_610 : vector<1x16xf32> to vector<16xf32>
      %broadcast_in_dim3A_612 = arith.constant 40 : i32
      %broadcast_in_dim3A_613 = vector.broadcast %broadcast_in_dim3A_612 : i32 to vector<16xi32>
      %gt3A_614 = arith.cmpf ogt, %get3A_611, %select_n3A_605 : vector<16xf32>
      %gt3A_615 = arith.cmpf ogt, %get3A_611, %select_n3A_602 : vector<16xf32>
      %select_n3A_616 = arith.select %gt3A_615, %get3A_611, %select_n3A_602 : vector<16xi1>, vector<16xf32>
      %select_n3A_617 = arith.select %gt3A_614, %select_n3A_605, %select_n3A_616 : vector<16xi1>, vector<16xf32>
      %select_n3A_618 = arith.select %gt3A_615, %broadcast_in_dim3A_613, %select_n3A_604 : vector<16xi1>, vector<16xi32>
      %select_n3A_619 = arith.select %gt3A_614, %select_n3A_606, %select_n3A_618 : vector<16xi1>, vector<16xi32>
      %select_n3A_620 = arith.select %gt3A_614, %get3A_611, %select_n3A_605 : vector<16xi1>, vector<16xf32>
      %select_n3A_621 = arith.select %gt3A_614, %broadcast_in_dim3A_613, %select_n3A_606 : vector<16xi1>, vector<16xi32>
      %get3A_622 = arith.constant 41 : i32
      %get3A_623 = arith.index_cast %get3A_622 : i32 to index
      %get3A_624 = arith.index_cast %mul3A_14 : i32 to index
      %get3A_625 = tpu.vector_load %arg5[%get3A_623, %get3A_624] {strides = array<i32>} : memref<64x256xf32, #tpu.memory_space<vmem>>, vector<1x16xf32>,
      %get3A_626 = vector.shape_cast %get3A_625 : vector<1x16xf32> to vector<16xf32>
      %broadcast_in_dim3A_627 = arith.constant 41 : i32
      %broadcast_in_dim3A_628 = vector.broadcast %broadcast_in_dim3A_627 : i32 to vector<16xi32>
      %gt3A_629 = arith.cmpf ogt, %get3A_626, %select_n3A_620 : vector<16xf32>
      %gt3A_630 = arith.cmpf ogt, %get3A_626, %select_n3A_617 : vector<16xf32>
      %select_n3A_631 = arith.select %gt3A_630, %get3A_626, %select_n3A_617 : vector<16xi1>, vector<16xf32>
      %select_n3A_632 = arith.select %gt3A_629, %select_n3A_620, %select_n3A_631 : vector<16xi1>, vector<16xf32>
      %select_n3A_633 = arith.select %gt3A_630, %broadcast_in_dim3A_628, %select_n3A_619 : vector<16xi1>, vector<16xi32>
      %select_n3A_634 = arith.select %gt3A_629, %select_n3A_621, %select_n3A_633 : vector<16xi1>, vector<16xi32>
      %select_n3A_635 = arith.select %gt3A_629, %get3A_626, %select_n3A_620 : vector<16xi1>, vector<16xf32>
      %select_n3A_636 = arith.select %gt3A_629, %broadcast_in_dim3A_628, %select_n3A_621 : vector<16xi1>, vector<16xi32>
      %get3A_637 = arith.constant 42 : i32
      %get3A_638 = arith.index_cast %get3A_637 : i32 to index
      %get3A_639 = arith.index_cast %mul3A_14 : i32 to index
      %get3A_640 = tpu.vector_load %arg5[%get3A_638, %get3A_639] {strides = array<i32>} : memref<64x256xf32, #tpu.memory_space<vmem>>, vector<1x16xf32>,
      %get3A_641 = vector.shape_cast %get3A_640 : vector<1x16xf32> to vector<16xf32>
      %broadcast_in_dim3A_642 = arith.constant 42 : i32
      %broadcast_in_dim3A_643 = vector.broadcast %broadcast_in_dim3A_642 : i32 to vector<16xi32>
      %gt3A_644 = arith.cmpf ogt, %get3A_641, %select_n3A_635 : vector<16xf32>
      %gt3A_645 = arith.cmpf ogt, %get3A_641, %select_n3A_632 : vector<16xf32>
      %select_n3A_646 = arith.select %gt3A_645, %get3A_641, %select_n3A_632 : vector<16xi1>, vector<16xf32>
      %select_n3A_647 = arith.select %gt3A_644, %select_n3A_635, %select_n3A_646 : vector<16xi1>, vector<16xf32>
      %select_n3A_648 = arith.select %gt3A_645, %broadcast_in_dim3A_643, %select_n3A_634 : vector<16xi1>, vector<16xi32>
      %select_n3A_649 = arith.select %gt3A_644, %select_n3A_636, %select_n3A_648 : vector<16xi1>, vector<16xi32>
      %select_n3A_650 = arith.select %gt3A_644, %get3A_641, %select_n3A_635 : vector<16xi1>, vector<16xf32>
      %select_n3A_651 = arith.select %gt3A_644, %broadcast_in_dim3A_643, %select_n3A_636 : vector<16xi1>, vector<16xi32>
      %get3A_652 = arith.constant 43 : i32
      %get3A_653 = arith.index_cast %get3A_652 : i32 to index
      %get3A_654 = arith.index_cast %mul3A_14 : i32 to index
      %get3A_655 = tpu.vector_load %arg5[%get3A_653, %get3A_654] {strides = array<i32>} : memref<64x256xf32, #tpu.memory_space<vmem>>, vector<1x16xf32>,
      %get3A_656 = vector.shape_cast %get3A_655 : vector<1x16xf32> to vector<16xf32>
      %broadcast_in_dim3A_657 = arith.constant 43 : i32
      %broadcast_in_dim3A_658 = vector.broadcast %broadcast_in_dim3A_657 : i32 to vector<16xi32>
      %gt3A_659 = arith.cmpf ogt, %get3A_656, %select_n3A_650 : vector<16xf32>
      %gt3A_660 = arith.cmpf ogt, %get3A_656, %select_n3A_647 : vector<16xf32>
      %select_n3A_661 = arith.select %gt3A_660, %get3A_656, %select_n3A_647 : vector<16xi1>, vector<16xf32>
      %select_n3A_662 = arith.select %gt3A_659, %select_n3A_650, %select_n3A_661 : vector<16xi1>, vector<16xf32>
      %select_n3A_663 = arith.select %gt3A_660, %broadcast_in_dim3A_658, %select_n3A_649 : vector<16xi1>, vector<16xi32>
      %select_n3A_664 = arith.select %gt3A_659, %select_n3A_651, %select_n3A_663 : vector<16xi1>, vector<16xi32>
      %select_n3A_665 = arith.select %gt3A_659, %get3A_656, %select_n3A_650 : vector<16xi1>, vector<16xf32>
      %select_n3A_666 = arith.select %gt3A_659, %broadcast_in_dim3A_658, %select_n3A_651 : vector<16xi1>, vector<16xi32>
      %get3A_667 = arith.constant 44 : i32
      %get3A_668 = arith.index_cast %get3A_667 : i32 to index
      %get3A_669 = arith.index_cast %mul3A_14 : i32 to index
      %get3A_670 = tpu.vector_load %arg5[%get3A_668, %get3A_669] {strides = array<i32>} : memref<64x256xf32, #tpu.memory_space<vmem>>, vector<1x16xf32>,
      %get3A_671 = vector.shape_cast %get3A_670 : vector<1x16xf32> to vector<16xf32>
      %broadcast_in_dim3A_672 = arith.constant 44 : i32
      %broadcast_in_dim3A_673 = vector.broadcast %broadcast_in_dim3A_672 : i32 to vector<16xi32>
      %gt3A_674 = arith.cmpf ogt, %get3A_671, %select_n3A_665 : vector<16xf32>
      %gt3A_675 = arith.cmpf ogt, %get3A_671, %select_n3A_662 : vector<16xf32>
      %select_n3A_676 = arith.select %gt3A_675, %get3A_671, %select_n3A_662 : vector<16xi1>, vector<16xf32>
      %select_n3A_677 = arith.select %gt3A_674, %select_n3A_665, %select_n3A_676 : vector<16xi1>, vector<16xf32>
      %select_n3A_678 = arith.select %gt3A_675, %broadcast_in_dim3A_673, %select_n3A_664 : vector<16xi1>, vector<16xi32>
      %select_n3A_679 = arith.select %gt3A_674, %select_n3A_666, %select_n3A_678 : vector<16xi1>, vector<16xi32>
      %select_n3A_680 = arith.select %gt3A_674, %get3A_671, %select_n3A_665 : vector<16xi1>, vector<16xf32>
      %select_n3A_681 = arith.select %gt3A_674, %broadcast_in_dim3A_673, %select_n3A_666 : vector<16xi1>, vector<16xi32>
      %get3A_682 = arith.constant 45 : i32
      %get3A_683 = arith.index_cast %get3A_682 : i32 to index
      %get3A_684 = arith.index_cast %mul3A_14 : i32 to index
      %get3A_685 = tpu.vector_load %arg5[%get3A_683, %get3A_684] {strides = array<i32>} : memref<64x256xf32, #tpu.memory_space<vmem>>, vector<1x16xf32>,
      %get3A_686 = vector.shape_cast %get3A_685 : vector<1x16xf32> to vector<16xf32>
      %broadcast_in_dim3A_687 = arith.constant 45 : i32
      %broadcast_in_dim3A_688 = vector.broadcast %broadcast_in_dim3A_687 : i32 to vector<16xi32>
      %gt3A_689 = arith.cmpf ogt, %get3A_686, %select_n3A_680 : vector<16xf32>
      %gt3A_690 = arith.cmpf ogt, %get3A_686, %select_n3A_677 : vector<16xf32>
      %select_n3A_691 = arith.select %gt3A_690, %get3A_686, %select_n3A_677 : vector<16xi1>, vector<16xf32>
      %select_n3A_692 = arith.select %gt3A_689, %select_n3A_680, %select_n3A_691 : vector<16xi1>, vector<16xf32>
      %select_n3A_693 = arith.select %gt3A_690, %broadcast_in_dim3A_688, %select_n3A_679 : vector<16xi1>, vector<16xi32>
      %select_n3A_694 = arith.select %gt3A_689, %select_n3A_681, %select_n3A_693 : vector<16xi1>, vector<16xi32>
      %select_n3A_695 = arith.select %gt3A_689, %get3A_686, %select_n3A_680 : vector<16xi1>, vector<16xf32>
      %select_n3A_696 = arith.select %gt3A_689, %broadcast_in_dim3A_688, %select_n3A_681 : vector<16xi1>, vector<16xi32>
      %get3A_697 = arith.constant 46 : i32
      %get3A_698 = arith.index_cast %get3A_697 : i32 to index
      %get3A_699 = arith.index_cast %mul3A_14 : i32 to index
      %get3A_700 = tpu.vector_load %arg5[%get3A_698, %get3A_699] {strides = array<i32>} : memref<64x256xf32, #tpu.memory_space<vmem>>, vector<1x16xf32>,
      %get3A_701 = vector.shape_cast %get3A_700 : vector<1x16xf32> to vector<16xf32>
      %broadcast_in_dim3A_702 = arith.constant 46 : i32
      %broadcast_in_dim3A_703 = vector.broadcast %broadcast_in_dim3A_702 : i32 to vector<16xi32>
      %gt3A_704 = arith.cmpf ogt, %get3A_701, %select_n3A_695 : vector<16xf32>
      %gt3A_705 = arith.cmpf ogt, %get3A_701, %select_n3A_692 : vector<16xf32>
      %select_n3A_706 = arith.select %gt3A_705, %get3A_701, %select_n3A_692 : vector<16xi1>, vector<16xf32>
      %select_n3A_707 = arith.select %gt3A_704, %select_n3A_695, %select_n3A_706 : vector<16xi1>, vector<16xf32>
      %select_n3A_708 = arith.select %gt3A_705, %broadcast_in_dim3A_703, %select_n3A_694 : vector<16xi1>, vector<16xi32>
      %select_n3A_709 = arith.select %gt3A_704, %select_n3A_696, %select_n3A_708 : vector<16xi1>, vector<16xi32>
      %select_n3A_710 = arith.select %gt3A_704, %get3A_701, %select_n3A_695 : vector<16xi1>, vector<16xf32>
      %select_n3A_711 = arith.select %gt3A_704, %broadcast_in_dim3A_703, %select_n3A_696 : vector<16xi1>, vector<16xi32>
      %get3A_712 = arith.constant 47 : i32
      %get3A_713 = arith.index_cast %get3A_712 : i32 to index
      %get3A_714 = arith.index_cast %mul3A_14 : i32 to index
      %get3A_715 = tpu.vector_load %arg5[%get3A_713, %get3A_714] {strides = array<i32>} : memref<64x256xf32, #tpu.memory_space<vmem>>, vector<1x16xf32>,
      %get3A_716 = vector.shape_cast %get3A_715 : vector<1x16xf32> to vector<16xf32>
      %broadcast_in_dim3A_717 = arith.constant 47 : i32
      %broadcast_in_dim3A_718 = vector.broadcast %broadcast_in_dim3A_717 : i32 to vector<16xi32>
      %gt3A_719 = arith.cmpf ogt, %get3A_716, %select_n3A_710 : vector<16xf32>
      %gt3A_720 = arith.cmpf ogt, %get3A_716, %select_n3A_707 : vector<16xf32>
      %select_n3A_721 = arith.select %gt3A_720, %get3A_716, %select_n3A_707 : vector<16xi1>, vector<16xf32>
      %select_n3A_722 = arith.select %gt3A_719, %select_n3A_710, %select_n3A_721 : vector<16xi1>, vector<16xf32>
      %select_n3A_723 = arith.select %gt3A_720, %broadcast_in_dim3A_718, %select_n3A_709 : vector<16xi1>, vector<16xi32>
      %select_n3A_724 = arith.select %gt3A_719, %select_n3A_711, %select_n3A_723 : vector<16xi1>, vector<16xi32>
      %select_n3A_725 = arith.select %gt3A_719, %get3A_716, %select_n3A_710 : vector<16xi1>, vector<16xf32>
      %select_n3A_726 = arith.select %gt3A_719, %broadcast_in_dim3A_718, %select_n3A_711 : vector<16xi1>, vector<16xi32>
      %get3A_727 = arith.constant 48 : i32
      %get3A_728 = arith.index_cast %get3A_727 : i32 to index
      %get3A_729 = arith.index_cast %mul3A_14 : i32 to index
      %get3A_730 = tpu.vector_load %arg5[%get3A_728, %get3A_729] {strides = array<i32>} : memref<64x256xf32, #tpu.memory_space<vmem>>, vector<1x16xf32>,
      %get3A_731 = vector.shape_cast %get3A_730 : vector<1x16xf32> to vector<16xf32>
      %broadcast_in_dim3A_732 = arith.constant 48 : i32
      %broadcast_in_dim3A_733 = vector.broadcast %broadcast_in_dim3A_732 : i32 to vector<16xi32>
      %gt3A_734 = arith.cmpf ogt, %get3A_731, %select_n3A_725 : vector<16xf32>
      %gt3A_735 = arith.cmpf ogt, %get3A_731, %select_n3A_722 : vector<16xf32>
      %select_n3A_736 = arith.select %gt3A_735, %get3A_731, %select_n3A_722 : vector<16xi1>, vector<16xf32>
      %select_n3A_737 = arith.select %gt3A_734, %select_n3A_725, %select_n3A_736 : vector<16xi1>, vector<16xf32>
      %select_n3A_738 = arith.select %gt3A_735, %broadcast_in_dim3A_733, %select_n3A_724 : vector<16xi1>, vector<16xi32>
      %select_n3A_739 = arith.select %gt3A_734, %select_n3A_726, %select_n3A_738 : vector<16xi1>, vector<16xi32>
      %select_n3A_740 = arith.select %gt3A_734, %get3A_731, %select_n3A_725 : vector<16xi1>, vector<16xf32>
      %select_n3A_741 = arith.select %gt3A_734, %broadcast_in_dim3A_733, %select_n3A_726 : vector<16xi1>, vector<16xi32>
      %get3A_742 = arith.constant 49 : i32
      %get3A_743 = arith.index_cast %get3A_742 : i32 to index
      %get3A_744 = arith.index_cast %mul3A_14 : i32 to index
      %get3A_745 = tpu.vector_load %arg5[%get3A_743, %get3A_744] {strides = array<i32>} : memref<64x256xf32, #tpu.memory_space<vmem>>, vector<1x16xf32>,
      %get3A_746 = vector.shape_cast %get3A_745 : vector<1x16xf32> to vector<16xf32>
      %broadcast_in_dim3A_747 = arith.constant 49 : i32
      %broadcast_in_dim3A_748 = vector.broadcast %broadcast_in_dim3A_747 : i32 to vector<16xi32>
      %gt3A_749 = arith.cmpf ogt, %get3A_746, %select_n3A_740 : vector<16xf32>
      %gt3A_750 = arith.cmpf ogt, %get3A_746, %select_n3A_737 : vector<16xf32>
      %select_n3A_751 = arith.select %gt3A_750, %get3A_746, %select_n3A_737 : vector<16xi1>, vector<16xf32>
      %select_n3A_752 = arith.select %gt3A_749, %select_n3A_740, %select_n3A_751 : vector<16xi1>, vector<16xf32>
      %select_n3A_753 = arith.select %gt3A_750, %broadcast_in_dim3A_748, %select_n3A_739 : vector<16xi1>, vector<16xi32>
      %select_n3A_754 = arith.select %gt3A_749, %select_n3A_741, %select_n3A_753 : vector<16xi1>, vector<16xi32>
      %select_n3A_755 = arith.select %gt3A_749, %get3A_746, %select_n3A_740 : vector<16xi1>, vector<16xf32>
      %select_n3A_756 = arith.select %gt3A_749, %broadcast_in_dim3A_748, %select_n3A_741 : vector<16xi1>, vector<16xi32>
      %get3A_757 = arith.constant 50 : i32
      %get3A_758 = arith.index_cast %get3A_757 : i32 to index
      %get3A_759 = arith.index_cast %mul3A_14 : i32 to index
      %get3A_760 = tpu.vector_load %arg5[%get3A_758, %get3A_759] {strides = array<i32>} : memref<64x256xf32, #tpu.memory_space<vmem>>, vector<1x16xf32>,
      %get3A_761 = vector.shape_cast %get3A_760 : vector<1x16xf32> to vector<16xf32>
      %broadcast_in_dim3A_762 = arith.constant 50 : i32
      %broadcast_in_dim3A_763 = vector.broadcast %broadcast_in_dim3A_762 : i32 to vector<16xi32>
      %gt3A_764 = arith.cmpf ogt, %get3A_761, %select_n3A_755 : vector<16xf32>
      %gt3A_765 = arith.cmpf ogt, %get3A_761, %select_n3A_752 : vector<16xf32>
      %select_n3A_766 = arith.select %gt3A_765, %get3A_761, %select_n3A_752 : vector<16xi1>, vector<16xf32>
      %select_n3A_767 = arith.select %gt3A_764, %select_n3A_755, %select_n3A_766 : vector<16xi1>, vector<16xf32>
      %select_n3A_768 = arith.select %gt3A_765, %broadcast_in_dim3A_763, %select_n3A_754 : vector<16xi1>, vector<16xi32>
      %select_n3A_769 = arith.select %gt3A_764, %select_n3A_756, %select_n3A_768 : vector<16xi1>, vector<16xi32>
      %select_n3A_770 = arith.select %gt3A_764, %get3A_761, %select_n3A_755 : vector<16xi1>, vector<16xf32>
      %select_n3A_771 = arith.select %gt3A_764, %broadcast_in_dim3A_763, %select_n3A_756 : vector<16xi1>, vector<16xi32>
      %get3A_772 = arith.constant 51 : i32
      %get3A_773 = arith.index_cast %get3A_772 : i32 to index
      %get3A_774 = arith.index_cast %mul3A_14 : i32 to index
      %get3A_775 = tpu.vector_load %arg5[%get3A_773, %get3A_774] {strides = array<i32>} : memref<64x256xf32, #tpu.memory_space<vmem>>, vector<1x16xf32>,
      %get3A_776 = vector.shape_cast %get3A_775 : vector<1x16xf32> to vector<16xf32>
      %broadcast_in_dim3A_777 = arith.constant 51 : i32
      %broadcast_in_dim3A_778 = vector.broadcast %broadcast_in_dim3A_777 : i32 to vector<16xi32>
      %gt3A_779 = arith.cmpf ogt, %get3A_776, %select_n3A_770 : vector<16xf32>
      %gt3A_780 = arith.cmpf ogt, %get3A_776, %select_n3A_767 : vector<16xf32>
      %select_n3A_781 = arith.select %gt3A_780, %get3A_776, %select_n3A_767 : vector<16xi1>, vector<16xf32>
      %select_n3A_782 = arith.select %gt3A_779, %select_n3A_770, %select_n3A_781 : vector<16xi1>, vector<16xf32>
      %select_n3A_783 = arith.select %gt3A_780, %broadcast_in_dim3A_778, %select_n3A_769 : vector<16xi1>, vector<16xi32>
      %select_n3A_784 = arith.select %gt3A_779, %select_n3A_771, %select_n3A_783 : vector<16xi1>, vector<16xi32>
      %select_n3A_785 = arith.select %gt3A_779, %get3A_776, %select_n3A_770 : vector<16xi1>, vector<16xf32>
      %select_n3A_786 = arith.select %gt3A_779, %broadcast_in_dim3A_778, %select_n3A_771 : vector<16xi1>, vector<16xi32>
      %get3A_787 = arith.constant 52 : i32
      %get3A_788 = arith.index_cast %get3A_787 : i32 to index
      %get3A_789 = arith.index_cast %mul3A_14 : i32 to index
      %get3A_790 = tpu.vector_load %arg5[%get3A_788, %get3A_789] {strides = array<i32>} : memref<64x256xf32, #tpu.memory_space<vmem>>, vector<1x16xf32>,
      %get3A_791 = vector.shape_cast %get3A_790 : vector<1x16xf32> to vector<16xf32>
      %broadcast_in_dim3A_792 = arith.constant 52 : i32
      %broadcast_in_dim3A_793 = vector.broadcast %broadcast_in_dim3A_792 : i32 to vector<16xi32>
      %gt3A_794 = arith.cmpf ogt, %get3A_791, %select_n3A_785 : vector<16xf32>
      %gt3A_795 = arith.cmpf ogt, %get3A_791, %select_n3A_782 : vector<16xf32>
      %select_n3A_796 = arith.select %gt3A_795, %get3A_791, %select_n3A_782 : vector<16xi1>, vector<16xf32>
      %select_n3A_797 = arith.select %gt3A_794, %select_n3A_785, %select_n3A_796 : vector<16xi1>, vector<16xf32>
      %select_n3A_798 = arith.select %gt3A_795, %broadcast_in_dim3A_793, %select_n3A_784 : vector<16xi1>, vector<16xi32>
      %select_n3A_799 = arith.select %gt3A_794, %select_n3A_786, %select_n3A_798 : vector<16xi1>, vector<16xi32>
      %select_n3A_800 = arith.select %gt3A_794, %get3A_791, %select_n3A_785 : vector<16xi1>, vector<16xf32>
      %select_n3A_801 = arith.select %gt3A_794, %broadcast_in_dim3A_793, %select_n3A_786 : vector<16xi1>, vector<16xi32>
      %get3A_802 = arith.constant 53 : i32
      %get3A_803 = arith.index_cast %get3A_802 : i32 to index
      %get3A_804 = arith.index_cast %mul3A_14 : i32 to index
      %get3A_805 = tpu.vector_load %arg5[%get3A_803, %get3A_804] {strides = array<i32>} : memref<64x256xf32, #tpu.memory_space<vmem>>, vector<1x16xf32>,
      %get3A_806 = vector.shape_cast %get3A_805 : vector<1x16xf32> to vector<16xf32>
      %broadcast_in_dim3A_807 = arith.constant 53 : i32
      %broadcast_in_dim3A_808 = vector.broadcast %broadcast_in_dim3A_807 : i32 to vector<16xi32>
      %gt3A_809 = arith.cmpf ogt, %get3A_806, %select_n3A_800 : vector<16xf32>
      %gt3A_810 = arith.cmpf ogt, %get3A_806, %select_n3A_797 : vector<16xf32>
      %select_n3A_811 = arith.select %gt3A_810, %get3A_806, %select_n3A_797 : vector<16xi1>, vector<16xf32>
      %select_n3A_812 = arith.select %gt3A_809, %select_n3A_800, %select_n3A_811 : vector<16xi1>, vector<16xf32>
      %select_n3A_813 = arith.select %gt3A_810, %broadcast_in_dim3A_808, %select_n3A_799 : vector<16xi1>, vector<16xi32>
      %select_n3A_814 = arith.select %gt3A_809, %select_n3A_801, %select_n3A_813 : vector<16xi1>, vector<16xi32>
      %select_n3A_815 = arith.select %gt3A_809, %get3A_806, %select_n3A_800 : vector<16xi1>, vector<16xf32>
      %select_n3A_816 = arith.select %gt3A_809, %broadcast_in_dim3A_808, %select_n3A_801 : vector<16xi1>, vector<16xi32>
      %get3A_817 = arith.constant 54 : i32
      %get3A_818 = arith.index_cast %get3A_817 : i32 to index
      %get3A_819 = arith.index_cast %mul3A_14 : i32 to index
      %get3A_820 = tpu.vector_load %arg5[%get3A_818, %get3A_819] {strides = array<i32>} : memref<64x256xf32, #tpu.memory_space<vmem>>, vector<1x16xf32>,
      %get3A_821 = vector.shape_cast %get3A_820 : vector<1x16xf32> to vector<16xf32>
      %broadcast_in_dim3A_822 = arith.constant 54 : i32
      %broadcast_in_dim3A_823 = vector.broadcast %broadcast_in_dim3A_822 : i32 to vector<16xi32>
      %gt3A_824 = arith.cmpf ogt, %get3A_821, %select_n3A_815 : vector<16xf32>
      %gt3A_825 = arith.cmpf ogt, %get3A_821, %select_n3A_812 : vector<16xf32>
      %select_n3A_826 = arith.select %gt3A_825, %get3A_821, %select_n3A_812 : vector<16xi1>, vector<16xf32>
      %select_n3A_827 = arith.select %gt3A_824, %select_n3A_815, %select_n3A_826 : vector<16xi1>, vector<16xf32>
      %select_n3A_828 = arith.select %gt3A_825, %broadcast_in_dim3A_823, %select_n3A_814 : vector<16xi1>, vector<16xi32>
      %select_n3A_829 = arith.select %gt3A_824, %select_n3A_816, %select_n3A_828 : vector<16xi1>, vector<16xi32>
      %select_n3A_830 = arith.select %gt3A_824, %get3A_821, %select_n3A_815 : vector<16xi1>, vector<16xf32>
      %select_n3A_831 = arith.select %gt3A_824, %broadcast_in_dim3A_823, %select_n3A_816 : vector<16xi1>, vector<16xi32>
      %get3A_832 = arith.constant 55 : i32
      %get3A_833 = arith.index_cast %get3A_832 : i32 to index
      %get3A_834 = arith.index_cast %mul3A_14 : i32 to index
      %get3A_835 = tpu.vector_load %arg5[%get3A_833, %get3A_834] {strides = array<i32>} : memref<64x256xf32, #tpu.memory_space<vmem>>, vector<1x16xf32>,
      %get3A_836 = vector.shape_cast %get3A_835 : vector<1x16xf32> to vector<16xf32>
      %broadcast_in_dim3A_837 = arith.constant 55 : i32
      %broadcast_in_dim3A_838 = vector.broadcast %broadcast_in_dim3A_837 : i32 to vector<16xi32>
      %gt3A_839 = arith.cmpf ogt, %get3A_836, %select_n3A_830 : vector<16xf32>
      %gt3A_840 = arith.cmpf ogt, %get3A_836, %select_n3A_827 : vector<16xf32>
      %select_n3A_841 = arith.select %gt3A_840, %get3A_836, %select_n3A_827 : vector<16xi1>, vector<16xf32>
      %select_n3A_842 = arith.select %gt3A_839, %select_n3A_830, %select_n3A_841 : vector<16xi1>, vector<16xf32>
      %select_n3A_843 = arith.select %gt3A_840, %broadcast_in_dim3A_838, %select_n3A_829 : vector<16xi1>, vector<16xi32>
      %select_n3A_844 = arith.select %gt3A_839, %select_n3A_831, %select_n3A_843 : vector<16xi1>, vector<16xi32>
      %select_n3A_845 = arith.select %gt3A_839, %get3A_836, %select_n3A_830 : vector<16xi1>, vector<16xf32>
      %select_n3A_846 = arith.select %gt3A_839, %broadcast_in_dim3A_838, %select_n3A_831 : vector<16xi1>, vector<16xi32>
      %get3A_847 = arith.constant 56 : i32
      %get3A_848 = arith.index_cast %get3A_847 : i32 to index
      %get3A_849 = arith.index_cast %mul3A_14 : i32 to index
      %get3A_850 = tpu.vector_load %arg5[%get3A_848, %get3A_849] {strides = array<i32>} : memref<64x256xf32, #tpu.memory_space<vmem>>, vector<1x16xf32>,
      %get3A_851 = vector.shape_cast %get3A_850 : vector<1x16xf32> to vector<16xf32>
      %broadcast_in_dim3A_852 = arith.constant 56 : i32
      %broadcast_in_dim3A_853 = vector.broadcast %broadcast_in_dim3A_852 : i32 to vector<16xi32>
      %gt3A_854 = arith.cmpf ogt, %get3A_851, %select_n3A_845 : vector<16xf32>
      %gt3A_855 = arith.cmpf ogt, %get3A_851, %select_n3A_842 : vector<16xf32>
      %select_n3A_856 = arith.select %gt3A_855, %get3A_851, %select_n3A_842 : vector<16xi1>, vector<16xf32>
      %select_n3A_857 = arith.select %gt3A_854, %select_n3A_845, %select_n3A_856 : vector<16xi1>, vector<16xf32>
      %select_n3A_858 = arith.select %gt3A_855, %broadcast_in_dim3A_853, %select_n3A_844 : vector<16xi1>, vector<16xi32>
      %select_n3A_859 = arith.select %gt3A_854, %select_n3A_846, %select_n3A_858 : vector<16xi1>, vector<16xi32>
      %select_n3A_860 = arith.select %gt3A_854, %get3A_851, %select_n3A_845 : vector<16xi1>, vector<16xf32>
      %select_n3A_861 = arith.select %gt3A_854, %broadcast_in_dim3A_853, %select_n3A_846 : vector<16xi1>, vector<16xi32>
      %get3A_862 = arith.constant 57 : i32
      %get3A_863 = arith.index_cast %get3A_862 : i32 to index
      %get3A_864 = arith.index_cast %mul3A_14 : i32 to index
      %get3A_865 = tpu.vector_load %arg5[%get3A_863, %get3A_864] {strides = array<i32>} : memref<64x256xf32, #tpu.memory_space<vmem>>, vector<1x16xf32>,
      %get3A_866 = vector.shape_cast %get3A_865 : vector<1x16xf32> to vector<16xf32>
      %broadcast_in_dim3A_867 = arith.constant 57 : i32
      %broadcast_in_dim3A_868 = vector.broadcast %broadcast_in_dim3A_867 : i32 to vector<16xi32>
      %gt3A_869 = arith.cmpf ogt, %get3A_866, %select_n3A_860 : vector<16xf32>
      %gt3A_870 = arith.cmpf ogt, %get3A_866, %select_n3A_857 : vector<16xf32>
      %select_n3A_871 = arith.select %gt3A_870, %get3A_866, %select_n3A_857 : vector<16xi1>, vector<16xf32>
      %select_n3A_872 = arith.select %gt3A_869, %select_n3A_860, %select_n3A_871 : vector<16xi1>, vector<16xf32>
      %select_n3A_873 = arith.select %gt3A_870, %broadcast_in_dim3A_868, %select_n3A_859 : vector<16xi1>, vector<16xi32>
      %select_n3A_874 = arith.select %gt3A_869, %select_n3A_861, %select_n3A_873 : vector<16xi1>, vector<16xi32>
      %select_n3A_875 = arith.select %gt3A_869, %get3A_866, %select_n3A_860 : vector<16xi1>, vector<16xf32>
      %select_n3A_876 = arith.select %gt3A_869, %broadcast_in_dim3A_868, %select_n3A_861 : vector<16xi1>, vector<16xi32>
      %get3A_877 = arith.constant 58 : i32
      %get3A_878 = arith.index_cast %get3A_877 : i32 to index
      %get3A_879 = arith.index_cast %mul3A_14 : i32 to index
      %get3A_880 = tpu.vector_load %arg5[%get3A_878, %get3A_879] {strides = array<i32>} : memref<64x256xf32, #tpu.memory_space<vmem>>, vector<1x16xf32>,
      %get3A_881 = vector.shape_cast %get3A_880 : vector<1x16xf32> to vector<16xf32>
      %broadcast_in_dim3A_882 = arith.constant 58 : i32
      %broadcast_in_dim3A_883 = vector.broadcast %broadcast_in_dim3A_882 : i32 to vector<16xi32>
      %gt3A_884 = arith.cmpf ogt, %get3A_881, %select_n3A_875 : vector<16xf32>
      %gt3A_885 = arith.cmpf ogt, %get3A_881, %select_n3A_872 : vector<16xf32>
      %select_n3A_886 = arith.select %gt3A_885, %get3A_881, %select_n3A_872 : vector<16xi1>, vector<16xf32>
      %select_n3A_887 = arith.select %gt3A_884, %select_n3A_875, %select_n3A_886 : vector<16xi1>, vector<16xf32>
      %select_n3A_888 = arith.select %gt3A_885, %broadcast_in_dim3A_883, %select_n3A_874 : vector<16xi1>, vector<16xi32>
      %select_n3A_889 = arith.select %gt3A_884, %select_n3A_876, %select_n3A_888 : vector<16xi1>, vector<16xi32>
      %select_n3A_890 = arith.select %gt3A_884, %get3A_881, %select_n3A_875 : vector<16xi1>, vector<16xf32>
      %select_n3A_891 = arith.select %gt3A_884, %broadcast_in_dim3A_883, %select_n3A_876 : vector<16xi1>, vector<16xi32>
      %get3A_892 = arith.constant 59 : i32
      %get3A_893 = arith.index_cast %get3A_892 : i32 to index
      %get3A_894 = arith.index_cast %mul3A_14 : i32 to index
      %get3A_895 = tpu.vector_load %arg5[%get3A_893, %get3A_894] {strides = array<i32>} : memref<64x256xf32, #tpu.memory_space<vmem>>, vector<1x16xf32>,
      %get3A_896 = vector.shape_cast %get3A_895 : vector<1x16xf32> to vector<16xf32>
      %broadcast_in_dim3A_897 = arith.constant 59 : i32
      %broadcast_in_dim3A_898 = vector.broadcast %broadcast_in_dim3A_897 : i32 to vector<16xi32>
      %gt3A_899 = arith.cmpf ogt, %get3A_896, %select_n3A_890 : vector<16xf32>
      %gt3A_900 = arith.cmpf ogt, %get3A_896, %select_n3A_887 : vector<16xf32>
      %select_n3A_901 = arith.select %gt3A_900, %get3A_896, %select_n3A_887 : vector<16xi1>, vector<16xf32>
      %select_n3A_902 = arith.select %gt3A_899, %select_n3A_890, %select_n3A_901 : vector<16xi1>, vector<16xf32>
      %select_n3A_903 = arith.select %gt3A_900, %broadcast_in_dim3A_898, %select_n3A_889 : vector<16xi1>, vector<16xi32>
      %select_n3A_904 = arith.select %gt3A_899, %select_n3A_891, %select_n3A_903 : vector<16xi1>, vector<16xi32>
      %select_n3A_905 = arith.select %gt3A_899, %get3A_896, %select_n3A_890 : vector<16xi1>, vector<16xf32>
      %select_n3A_906 = arith.select %gt3A_899, %broadcast_in_dim3A_898, %select_n3A_891 : vector<16xi1>, vector<16xi32>
      %get3A_907 = arith.constant 60 : i32
      %get3A_908 = arith.index_cast %get3A_907 : i32 to index
      %get3A_909 = arith.index_cast %mul3A_14 : i32 to index
      %get3A_910 = tpu.vector_load %arg5[%get3A_908, %get3A_909] {strides = array<i32>} : memref<64x256xf32, #tpu.memory_space<vmem>>, vector<1x16xf32>,
      %get3A_911 = vector.shape_cast %get3A_910 : vector<1x16xf32> to vector<16xf32>
      %broadcast_in_dim3A_912 = arith.constant 60 : i32
      %broadcast_in_dim3A_913 = vector.broadcast %broadcast_in_dim3A_912 : i32 to vector<16xi32>
      %gt3A_914 = arith.cmpf ogt, %get3A_911, %select_n3A_905 : vector<16xf32>
      %gt3A_915 = arith.cmpf ogt, %get3A_911, %select_n3A_902 : vector<16xf32>
      %select_n3A_916 = arith.select %gt3A_915, %get3A_911, %select_n3A_902 : vector<16xi1>, vector<16xf32>
      %select_n3A_917 = arith.select %gt3A_914, %select_n3A_905, %select_n3A_916 : vector<16xi1>, vector<16xf32>
      %select_n3A_918 = arith.select %gt3A_915, %broadcast_in_dim3A_913, %select_n3A_904 : vector<16xi1>, vector<16xi32>
      %select_n3A_919 = arith.select %gt3A_914, %select_n3A_906, %select_n3A_918 : vector<16xi1>, vector<16xi32>
      %select_n3A_920 = arith.select %gt3A_914, %get3A_911, %select_n3A_905 : vector<16xi1>, vector<16xf32>
      %select_n3A_921 = arith.select %gt3A_914, %broadcast_in_dim3A_913, %select_n3A_906 : vector<16xi1>, vector<16xi32>
      %get3A_922 = arith.constant 61 : i32
      %get3A_923 = arith.index_cast %get3A_922 : i32 to index
      %get3A_924 = arith.index_cast %mul3A_14 : i32 to index
      %get3A_925 = tpu.vector_load %arg5[%get3A_923, %get3A_924] {strides = array<i32>} : memref<64x256xf32, #tpu.memory_space<vmem>>, vector<1x16xf32>,
      %get3A_926 = vector.shape_cast %get3A_925 : vector<1x16xf32> to vector<16xf32>
      %broadcast_in_dim3A_927 = arith.constant 61 : i32
      %broadcast_in_dim3A_928 = vector.broadcast %broadcast_in_dim3A_927 : i32 to vector<16xi32>
      %gt3A_929 = arith.cmpf ogt, %get3A_926, %select_n3A_920 : vector<16xf32>
      %gt3A_930 = arith.cmpf ogt, %get3A_926, %select_n3A_917 : vector<16xf32>
      %select_n3A_931 = arith.select %gt3A_930, %get3A_926, %select_n3A_917 : vector<16xi1>, vector<16xf32>
      %select_n3A_932 = arith.select %gt3A_929, %select_n3A_920, %select_n3A_931 : vector<16xi1>, vector<16xf32>
      %select_n3A_933 = arith.select %gt3A_930, %broadcast_in_dim3A_928, %select_n3A_919 : vector<16xi1>, vector<16xi32>
      %select_n3A_934 = arith.select %gt3A_929, %select_n3A_921, %select_n3A_933 : vector<16xi1>, vector<16xi32>
      %select_n3A_935 = arith.select %gt3A_929, %get3A_926, %select_n3A_920 : vector<16xi1>, vector<16xf32>
      %select_n3A_936 = arith.select %gt3A_929, %broadcast_in_dim3A_928, %select_n3A_921 : vector<16xi1>, vector<16xi32>
      %get3A_937 = arith.constant 62 : i32
      %get3A_938 = arith.index_cast %get3A_937 : i32 to index
      %get3A_939 = arith.index_cast %mul3A_14 : i32 to index
      %get3A_940 = tpu.vector_load %arg5[%get3A_938, %get3A_939] {strides = array<i32>} : memref<64x256xf32, #tpu.memory_space<vmem>>, vector<1x16xf32>,
      %get3A_941 = vector.shape_cast %get3A_940 : vector<1x16xf32> to vector<16xf32>
      %broadcast_in_dim3A_942 = arith.constant 62 : i32
      %broadcast_in_dim3A_943 = vector.broadcast %broadcast_in_dim3A_942 : i32 to vector<16xi32>
      %gt3A_944 = arith.cmpf ogt, %get3A_941, %select_n3A_935 : vector<16xf32>
      %gt3A_945 = arith.cmpf ogt, %get3A_941, %select_n3A_932 : vector<16xf32>
      %select_n3A_946 = arith.select %gt3A_945, %get3A_941, %select_n3A_932 : vector<16xi1>, vector<16xf32>
      %select_n3A_947 = arith.select %gt3A_944, %select_n3A_935, %select_n3A_946 : vector<16xi1>, vector<16xf32>
      %select_n3A_948 = arith.select %gt3A_945, %broadcast_in_dim3A_943, %select_n3A_934 : vector<16xi1>, vector<16xi32>
      %select_n3A_949 = arith.select %gt3A_944, %select_n3A_936, %select_n3A_948 : vector<16xi1>, vector<16xi32>
      %select_n3A_950 = arith.select %gt3A_944, %get3A_941, %select_n3A_935 : vector<16xi1>, vector<16xf32>
      %select_n3A_951 = arith.select %gt3A_944, %broadcast_in_dim3A_943, %select_n3A_936 : vector<16xi1>, vector<16xi32>
      %get3A_952 = arith.constant 63 : i32
      %get3A_953 = arith.index_cast %get3A_952 : i32 to index
      %get3A_954 = arith.index_cast %mul3A_14 : i32 to index
      %get3A_955 = tpu.vector_load %arg5[%get3A_953, %get3A_954] {strides = array<i32>} : memref<64x256xf32, #tpu.memory_space<vmem>>, vector<1x16xf32>,
      %get3A_956 = vector.shape_cast %get3A_955 : vector<1x16xf32> to vector<16xf32>
      %broadcast_in_dim3A_957 = arith.constant 63 : i32
      %broadcast_in_dim3A_958 = vector.broadcast %broadcast_in_dim3A_957 : i32 to vector<16xi32>
      %gt3A_959 = arith.cmpf ogt, %get3A_956, %select_n3A_950 : vector<16xf32>
      %gt3A_960 = arith.cmpf ogt, %get3A_956, %select_n3A_947 : vector<16xf32>
      %select_n3A_961 = arith.select %gt3A_960, %get3A_956, %select_n3A_947 : vector<16xi1>, vector<16xf32>
      %select_n3A_962 = arith.select %gt3A_959, %select_n3A_950, %select_n3A_961 : vector<16xi1>, vector<16xf32>
      %select_n3A_963 = arith.select %gt3A_960, %broadcast_in_dim3A_958, %select_n3A_949 : vector<16xi1>, vector<16xi32>
      %select_n3A_964 = arith.select %gt3A_959, %select_n3A_951, %select_n3A_963 : vector<16xi1>, vector<16xi32>
      %select_n3A_965 = arith.select %gt3A_959, %get3A_956, %select_n3A_950 : vector<16xi1>, vector<16xf32>
      %select_n3A_966 = arith.select %gt3A_959, %broadcast_in_dim3A_958, %select_n3A_951 : vector<16xi1>, vector<16xi32>
      %swap3A = arith.constant 0 : i32
      %swap3A_967 = arith.index_cast %swap3A : i32 to index
      %swap3A_968 = arith.index_cast %mul3A_14 : i32 to index
      %swap3A_969 = tpu.vector_load %arg6[%swap3A_967, %swap3A_968] {strides = array<i32>} : memref<2x256xf32, #tpu.memory_space<vmem>>, vector<1x16xf32>,
      %swap3A_970 = vector.shape_cast %swap3A_969 : vector<1x16xf32> to vector<16xf32>
      %swap3A_971 = vector.shape_cast %select_n3A_965 : vector<16xf32> to vector<1x16xf32>
      tpu.vector_store %arg6[%swap3A_967, %swap3A_968], %swap3A_971 {strides = array<i32>} : memref<2x256xf32, #tpu.memory_space<vmem>>, vector<1x16xf32>,
      %swap3A_972 = arith.constant 1 : i32
      %swap3A_973 = arith.index_cast %swap3A_972 : i32 to index
      %swap3A_974 = arith.index_cast %mul3A_14 : i32 to index
      %swap3A_975 = tpu.vector_load %arg6[%swap3A_973, %swap3A_974] {strides = array<i32>} : memref<2x256xf32, #tpu.memory_space<vmem>>, vector<1x16xf32>,
      %swap3A_976 = vector.shape_cast %swap3A_975 : vector<1x16xf32> to vector<16xf32>
      %swap3A_977 = vector.shape_cast %select_n3A_962 : vector<16xf32> to vector<1x16xf32>
      tpu.vector_store %arg6[%swap3A_973, %swap3A_974], %swap3A_977 {strides = array<i32>} : memref<2x256xf32, #tpu.memory_space<vmem>>, vector<1x16xf32>,
      %swap3A_978 = arith.constant 0 : i32
      %swap3A_979 = arith.index_cast %swap3A_978 : i32 to index
      %swap3A_980 = arith.index_cast %mul3A_14 : i32 to index
      %swap3A_981 = tpu.vector_load %arg7[%swap3A_979, %swap3A_980] {strides = array<i32>} : memref<2x256xi32, #tpu.memory_space<vmem>>, vector<1x16xi32>,
      %swap3A_982 = vector.shape_cast %swap3A_981 : vector<1x16xi32> to vector<16xi32>
      %swap3A_983 = vector.shape_cast %select_n3A_966 : vector<16xi32> to vector<1x16xi32>
      tpu.vector_store %arg7[%swap3A_979, %swap3A_980], %swap3A_983 {strides = array<i32>} : memref<2x256xi32, #tpu.memory_space<vmem>>, vector<1x16xi32>,
      %swap3A_984 = arith.constant 1 : i32
      %swap3A_985 = arith.index_cast %swap3A_984 : i32 to index
      %swap3A_986 = arith.index_cast %mul3A_14 : i32 to index
      %swap3A_987 = tpu.vector_load %arg7[%swap3A_985, %swap3A_986] {strides = array<i32>} : memref<2x256xi32, #tpu.memory_space<vmem>>, vector<1x16xi32>,
      %swap3A_988 = vector.shape_cast %swap3A_987 : vector<1x16xi32> to vector<16xi32>
      %swap3A_989 = vector.shape_cast %select_n3A_964 : vector<16xi32> to vector<1x16xi32>
      tpu.vector_store %arg7[%swap3A_985, %swap3A_986], %swap3A_989 {strides = array<i32>} : memref<2x256xi32, #tpu.memory_space<vmem>>, vector<1x16xi32>,
      %mul3A_990 = arith.constant 2 : i32
      %mul3A_991 = arith.muli %scan3A_8, %mul3A_990 : i32
      %add3A_992 = arith.constant 1 : i32
      %add3A_993 = arith.addi %mul3A_991, %add3A_992 : i32
      %mul3A_994 = arith.constant 16 : i32
      %mul3A_995 = arith.muli %add3A_993, %mul3A_994 : i32
      %get3A_996 = arith.constant 0 : i32
      %get3A_997 = arith.index_cast %get3A_996 : i32 to index
      %get3A_998 = arith.index_cast %mul3A_995 : i32 to index
      %get3A_999 = tpu.vector_load %arg5[%get3A_997, %get3A_998] {strides = array<i32>} : memref<64x256xf32, #tpu.memory_space<vmem>>, vector<1x16xf32>,
      %get3A_1000 = vector.shape_cast %get3A_999 : vector<1x16xf32> to vector<16xf32>
      %broadcast_in_dim3A_1001 = arith.constant 0 : i32
      %broadcast_in_dim3A_1002 = vector.broadcast %broadcast_in_dim3A_1001 : i32 to vector<16xi32>
      %broadcast_in_dim3A_1003 = arith.constant -1.000000e+00 : f32
      %broadcast_in_dim3A_1004 = vector.broadcast %broadcast_in_dim3A_1003 : f32 to vector<16xf32>
      %broadcast_in_dim3A_1005 = arith.constant 0 : i32
      %broadcast_in_dim3A_1006 = vector.broadcast %broadcast_in_dim3A_1005 : i32 to vector<16xi32>
      %get3A_1007 = arith.constant 1 : i32
      %get3A_1008 = arith.index_cast %get3A_1007 : i32 to index
      %get3A_1009 = arith.index_cast %mul3A_995 : i32 to index
      %get3A_1010 = tpu.vector_load %arg5[%get3A_1008, %get3A_1009] {strides = array<i32>} : memref<64x256xf32, #tpu.memory_space<vmem>>, vector<1x16xf32>,
      %get3A_1011 = vector.shape_cast %get3A_1010 : vector<1x16xf32> to vector<16xf32>
      %broadcast_in_dim3A_1012 = arith.constant 1 : i32
      %broadcast_in_dim3A_1013 = vector.broadcast %broadcast_in_dim3A_1012 : i32 to vector<16xi32>
      %gt3A_1014 = arith.cmpf ogt, %get3A_1011, %get3A_1000 : vector<16xf32>
      %gt3A_1015 = arith.cmpf ogt, %get3A_1011, %broadcast_in_dim3A_1004 : vector<16xf32>
      %select_n3A_1016 = arith.select %gt3A_1015, %get3A_1011, %broadcast_in_dim3A_1004 : vector<16xi1>, vector<16xf32>
      %select_n3A_1017 = arith.select %gt3A_1014, %get3A_1000, %select_n3A_1016 : vector<16xi1>, vector<16xf32>
      %select_n3A_1018 = arith.select %gt3A_1015, %broadcast_in_dim3A_1013, %broadcast_in_dim3A_1006 : vector<16xi1>, vector<16xi32>
      %select_n3A_1019 = arith.select %gt3A_1014, %broadcast_in_dim3A_1002, %select_n3A_1018 : vector<16xi1>, vector<16xi32>
      %select_n3A_1020 = arith.select %gt3A_1014, %get3A_1011, %get3A_1000 : vector<16xi1>, vector<16xf32>
      %select_n3A_1021 = arith.select %gt3A_1014, %broadcast_in_dim3A_1013, %broadcast_in_dim3A_1002 : vector<16xi1>, vector<16xi32>
      %get3A_1022 = arith.constant 2 : i32
      %get3A_1023 = arith.index_cast %get3A_1022 : i32 to index
      %get3A_1024 = arith.index_cast %mul3A_995 : i32 to index
      %get3A_1025 = tpu.vector_load %arg5[%get3A_1023, %get3A_1024] {strides = array<i32>} : memref<64x256xf32, #tpu.memory_space<vmem>>, vector<1x16xf32>,
      %get3A_1026 = vector.shape_cast %get3A_1025 : vector<1x16xf32> to vector<16xf32>
      %broadcast_in_dim3A_1027 = arith.constant 2 : i32
      %broadcast_in_dim3A_1028 = vector.broadcast %broadcast_in_dim3A_1027 : i32 to vector<16xi32>
      %gt3A_1029 = arith.cmpf ogt, %get3A_1026, %select_n3A_1020 : vector<16xf32>
      %gt3A_1030 = arith.cmpf ogt, %get3A_1026, %select_n3A_1017 : vector<16xf32>
      %select_n3A_1031 = arith.select %gt3A_1030, %get3A_1026, %select_n3A_1017 : vector<16xi1>, vector<16xf32>
      %select_n3A_1032 = arith.select %gt3A_1029, %select_n3A_1020, %select_n3A_1031 : vector<16xi1>, vector<16xf32>
      %select_n3A_1033 = arith.select %gt3A_1030, %broadcast_in_dim3A_1028, %select_n3A_1019 : vector<16xi1>, vector<16xi32>
      %select_n3A_1034 = arith.select %gt3A_1029, %select_n3A_1021, %select_n3A_1033 : vector<16xi1>, vector<16xi32>
      %select_n3A_1035 = arith.select %gt3A_1029, %get3A_1026, %select_n3A_1020 : vector<16xi1>, vector<16xf32>
      %select_n3A_1036 = arith.select %gt3A_1029, %broadcast_in_dim3A_1028, %select_n3A_1021 : vector<16xi1>, vector<16xi32>
      %get3A_1037 = arith.constant 3 : i32
      %get3A_1038 = arith.index_cast %get3A_1037 : i32 to index
      %get3A_1039 = arith.index_cast %mul3A_995 : i32 to index
      %get3A_1040 = tpu.vector_load %arg5[%get3A_1038, %get3A_1039] {strides = array<i32>} : memref<64x256xf32, #tpu.memory_space<vmem>>, vector<1x16xf32>,
      %get3A_1041 = vector.shape_cast %get3A_1040 : vector<1x16xf32> to vector<16xf32>
      %broadcast_in_dim3A_1042 = arith.constant 3 : i32
      %broadcast_in_dim3A_1043 = vector.broadcast %broadcast_in_dim3A_1042 : i32 to vector<16xi32>
      %gt3A_1044 = arith.cmpf ogt, %get3A_1041, %select_n3A_1035 : vector<16xf32>
      %gt3A_1045 = arith.cmpf ogt, %get3A_1041, %select_n3A_1032 : vector<16xf32>
      %select_n3A_1046 = arith.select %gt3A_1045, %get3A_1041, %select_n3A_1032 : vector<16xi1>, vector<16xf32>
      %select_n3A_1047 = arith.select %gt3A_1044, %select_n3A_1035, %select_n3A_1046 : vector<16xi1>, vector<16xf32>
      %select_n3A_1048 = arith.select %gt3A_1045, %broadcast_in_dim3A_1043, %select_n3A_1034 : vector<16xi1>, vector<16xi32>
      %select_n3A_1049 = arith.select %gt3A_1044, %select_n3A_1036, %select_n3A_1048 : vector<16xi1>, vector<16xi32>
      %select_n3A_1050 = arith.select %gt3A_1044, %get3A_1041, %select_n3A_1035 : vector<16xi1>, vector<16xf32>
      %select_n3A_1051 = arith.select %gt3A_1044, %broadcast_in_dim3A_1043, %select_n3A_1036 : vector<16xi1>, vector<16xi32>
      %get3A_1052 = arith.constant 4 : i32
      %get3A_1053 = arith.index_cast %get3A_1052 : i32 to index
      %get3A_1054 = arith.index_cast %mul3A_995 : i32 to index
      %get3A_1055 = tpu.vector_load %arg5[%get3A_1053, %get3A_1054] {strides = array<i32>} : memref<64x256xf32, #tpu.memory_space<vmem>>, vector<1x16xf32>,
      %get3A_1056 = vector.shape_cast %get3A_1055 : vector<1x16xf32> to vector<16xf32>
      %broadcast_in_dim3A_1057 = arith.constant 4 : i32
      %broadcast_in_dim3A_1058 = vector.broadcast %broadcast_in_dim3A_1057 : i32 to vector<16xi32>
      %gt3A_1059 = arith.cmpf ogt, %get3A_1056, %select_n3A_1050 : vector<16xf32>
      %gt3A_1060 = arith.cmpf ogt, %get3A_1056, %select_n3A_1047 : vector<16xf32>
      %select_n3A_1061 = arith.select %gt3A_1060, %get3A_1056, %select_n3A_1047 : vector<16xi1>, vector<16xf32>
      %select_n3A_1062 = arith.select %gt3A_1059, %select_n3A_1050, %select_n3A_1061 : vector<16xi1>, vector<16xf32>
      %select_n3A_1063 = arith.select %gt3A_1060, %broadcast_in_dim3A_1058, %select_n3A_1049 : vector<16xi1>, vector<16xi32>
      %select_n3A_1064 = arith.select %gt3A_1059, %select_n3A_1051, %select_n3A_1063 : vector<16xi1>, vector<16xi32>
      %select_n3A_1065 = arith.select %gt3A_1059, %get3A_1056, %select_n3A_1050 : vector<16xi1>, vector<16xf32>
      %select_n3A_1066 = arith.select %gt3A_1059, %broadcast_in_dim3A_1058, %select_n3A_1051 : vector<16xi1>, vector<16xi32>
      %get3A_1067 = arith.constant 5 : i32
      %get3A_1068 = arith.index_cast %get3A_1067 : i32 to index
      %get3A_1069 = arith.index_cast %mul3A_995 : i32 to index
      %get3A_1070 = tpu.vector_load %arg5[%get3A_1068, %get3A_1069] {strides = array<i32>} : memref<64x256xf32, #tpu.memory_space<vmem>>, vector<1x16xf32>,
      %get3A_1071 = vector.shape_cast %get3A_1070 : vector<1x16xf32> to vector<16xf32>
      %broadcast_in_dim3A_1072 = arith.constant 5 : i32
      %broadcast_in_dim3A_1073 = vector.broadcast %broadcast_in_dim3A_1072 : i32 to vector<16xi32>
      %gt3A_1074 = arith.cmpf ogt, %get3A_1071, %select_n3A_1065 : vector<16xf32>
      %gt3A_1075 = arith.cmpf ogt, %get3A_1071, %select_n3A_1062 : vector<16xf32>
      %select_n3A_1076 = arith.select %gt3A_1075, %get3A_1071, %select_n3A_1062 : vector<16xi1>, vector<16xf32>
      %select_n3A_1077 = arith.select %gt3A_1074, %select_n3A_1065, %select_n3A_1076 : vector<16xi1>, vector<16xf32>
      %select_n3A_1078 = arith.select %gt3A_1075, %broadcast_in_dim3A_1073, %select_n3A_1064 : vector<16xi1>, vector<16xi32>
      %select_n3A_1079 = arith.select %gt3A_1074, %select_n3A_1066, %select_n3A_1078 : vector<16xi1>, vector<16xi32>
      %select_n3A_1080 = arith.select %gt3A_1074, %get3A_1071, %select_n3A_1065 : vector<16xi1>, vector<16xf32>
      %select_n3A_1081 = arith.select %gt3A_1074, %broadcast_in_dim3A_1073, %select_n3A_1066 : vector<16xi1>, vector<16xi32>
      %get3A_1082 = arith.constant 6 : i32
      %get3A_1083 = arith.index_cast %get3A_1082 : i32 to index
      %get3A_1084 = arith.index_cast %mul3A_995 : i32 to index
      %get3A_1085 = tpu.vector_load %arg5[%get3A_1083, %get3A_1084] {strides = array<i32>} : memref<64x256xf32, #tpu.memory_space<vmem>>, vector<1x16xf32>,
      %get3A_1086 = vector.shape_cast %get3A_1085 : vector<1x16xf32> to vector<16xf32>
      %broadcast_in_dim3A_1087 = arith.constant 6 : i32
      %broadcast_in_dim3A_1088 = vector.broadcast %broadcast_in_dim3A_1087 : i32 to vector<16xi32>
      %gt3A_1089 = arith.cmpf ogt, %get3A_1086, %select_n3A_1080 : vector<16xf32>
      %gt3A_1090 = arith.cmpf ogt, %get3A_1086, %select_n3A_1077 : vector<16xf32>
      %select_n3A_1091 = arith.select %gt3A_1090, %get3A_1086, %select_n3A_1077 : vector<16xi1>, vector<16xf32>
      %select_n3A_1092 = arith.select %gt3A_1089, %select_n3A_1080, %select_n3A_1091 : vector<16xi1>, vector<16xf32>
      %select_n3A_1093 = arith.select %gt3A_1090, %broadcast_in_dim3A_1088, %select_n3A_1079 : vector<16xi1>, vector<16xi32>
      %select_n3A_1094 = arith.select %gt3A_1089, %select_n3A_1081, %select_n3A_1093 : vector<16xi1>, vector<16xi32>
      %select_n3A_1095 = arith.select %gt3A_1089, %get3A_1086, %select_n3A_1080 : vector<16xi1>, vector<16xf32>
      %select_n3A_1096 = arith.select %gt3A_1089, %broadcast_in_dim3A_1088, %select_n3A_1081 : vector<16xi1>, vector<16xi32>
      %get3A_1097 = arith.constant 7 : i32
      %get3A_1098 = arith.index_cast %get3A_1097 : i32 to index
      %get3A_1099 = arith.index_cast %mul3A_995 : i32 to index
      %get3A_1100 = tpu.vector_load %arg5[%get3A_1098, %get3A_1099] {strides = array<i32>} : memref<64x256xf32, #tpu.memory_space<vmem>>, vector<1x16xf32>,
      %get3A_1101 = vector.shape_cast %get3A_1100 : vector<1x16xf32> to vector<16xf32>
      %broadcast_in_dim3A_1102 = arith.constant 7 : i32
      %broadcast_in_dim3A_1103 = vector.broadcast %broadcast_in_dim3A_1102 : i32 to vector<16xi32>
      %gt3A_1104 = arith.cmpf ogt, %get3A_1101, %select_n3A_1095 : vector<16xf32>
      %gt3A_1105 = arith.cmpf ogt, %get3A_1101, %select_n3A_1092 : vector<16xf32>
      %select_n3A_1106 = arith.select %gt3A_1105, %get3A_1101, %select_n3A_1092 : vector<16xi1>, vector<16xf32>
      %select_n3A_1107 = arith.select %gt3A_1104, %select_n3A_1095, %select_n3A_1106 : vector<16xi1>, vector<16xf32>
      %select_n3A_1108 = arith.select %gt3A_1105, %broadcast_in_dim3A_1103, %select_n3A_1094 : vector<16xi1>, vector<16xi32>
      %select_n3A_1109 = arith.select %gt3A_1104, %select_n3A_1096, %select_n3A_1108 : vector<16xi1>, vector<16xi32>
      %select_n3A_1110 = arith.select %gt3A_1104, %get3A_1101, %select_n3A_1095 : vector<16xi1>, vector<16xf32>
      %select_n3A_1111 = arith.select %gt3A_1104, %broadcast_in_dim3A_1103, %select_n3A_1096 : vector<16xi1>, vector<16xi32>
      %get3A_1112 = arith.constant 8 : i32
      %get3A_1113 = arith.index_cast %get3A_1112 : i32 to index
      %get3A_1114 = arith.index_cast %mul3A_995 : i32 to index
      %get3A_1115 = tpu.vector_load %arg5[%get3A_1113, %get3A_1114] {strides = array<i32>} : memref<64x256xf32, #tpu.memory_space<vmem>>, vector<1x16xf32>,
      %get3A_1116 = vector.shape_cast %get3A_1115 : vector<1x16xf32> to vector<16xf32>
      %broadcast_in_dim3A_1117 = arith.constant 8 : i32
      %broadcast_in_dim3A_1118 = vector.broadcast %broadcast_in_dim3A_1117 : i32 to vector<16xi32>
      %gt3A_1119 = arith.cmpf ogt, %get3A_1116, %select_n3A_1110 : vector<16xf32>
      %gt3A_1120 = arith.cmpf ogt, %get3A_1116, %select_n3A_1107 : vector<16xf32>
      %select_n3A_1121 = arith.select %gt3A_1120, %get3A_1116, %select_n3A_1107 : vector<16xi1>, vector<16xf32>
      %select_n3A_1122 = arith.select %gt3A_1119, %select_n3A_1110, %select_n3A_1121 : vector<16xi1>, vector<16xf32>
      %select_n3A_1123 = arith.select %gt3A_1120, %broadcast_in_dim3A_1118, %select_n3A_1109 : vector<16xi1>, vector<16xi32>
      %select_n3A_1124 = arith.select %gt3A_1119, %select_n3A_1111, %select_n3A_1123 : vector<16xi1>, vector<16xi32>
      %select_n3A_1125 = arith.select %gt3A_1119, %get3A_1116, %select_n3A_1110 : vector<16xi1>, vector<16xf32>
      %select_n3A_1126 = arith.select %gt3A_1119, %broadcast_in_dim3A_1118, %select_n3A_1111 : vector<16xi1>, vector<16xi32>
      %get3A_1127 = arith.constant 9 : i32
      %get3A_1128 = arith.index_cast %get3A_1127 : i32 to index
      %get3A_1129 = arith.index_cast %mul3A_995 : i32 to index
      %get3A_1130 = tpu.vector_load %arg5[%get3A_1128, %get3A_1129] {strides = array<i32>} : memref<64x256xf32, #tpu.memory_space<vmem>>, vector<1x16xf32>,
      %get3A_1131 = vector.shape_cast %get3A_1130 : vector<1x16xf32> to vector<16xf32>
      %broadcast_in_dim3A_1132 = arith.constant 9 : i32
      %broadcast_in_dim3A_1133 = vector.broadcast %broadcast_in_dim3A_1132 : i32 to vector<16xi32>
      %gt3A_1134 = arith.cmpf ogt, %get3A_1131, %select_n3A_1125 : vector<16xf32>
      %gt3A_1135 = arith.cmpf ogt, %get3A_1131, %select_n3A_1122 : vector<16xf32>
      %select_n3A_1136 = arith.select %gt3A_1135, %get3A_1131, %select_n3A_1122 : vector<16xi1>, vector<16xf32>
      %select_n3A_1137 = arith.select %gt3A_1134, %select_n3A_1125, %select_n3A_1136 : vector<16xi1>, vector<16xf32>
      %select_n3A_1138 = arith.select %gt3A_1135, %broadcast_in_dim3A_1133, %select_n3A_1124 : vector<16xi1>, vector<16xi32>
      %select_n3A_1139 = arith.select %gt3A_1134, %select_n3A_1126, %select_n3A_1138 : vector<16xi1>, vector<16xi32>
      %select_n3A_1140 = arith.select %gt3A_1134, %get3A_1131, %select_n3A_1125 : vector<16xi1>, vector<16xf32>
      %select_n3A_1141 = arith.select %gt3A_1134, %broadcast_in_dim3A_1133, %select_n3A_1126 : vector<16xi1>, vector<16xi32>
      %get3A_1142 = arith.constant 10 : i32
      %get3A_1143 = arith.index_cast %get3A_1142 : i32 to index
      %get3A_1144 = arith.index_cast %mul3A_995 : i32 to index
      %get3A_1145 = tpu.vector_load %arg5[%get3A_1143, %get3A_1144] {strides = array<i32>} : memref<64x256xf32, #tpu.memory_space<vmem>>, vector<1x16xf32>,
      %get3A_1146 = vector.shape_cast %get3A_1145 : vector<1x16xf32> to vector<16xf32>
      %broadcast_in_dim3A_1147 = arith.constant 10 : i32
      %broadcast_in_dim3A_1148 = vector.broadcast %broadcast_in_dim3A_1147 : i32 to vector<16xi32>
      %gt3A_1149 = arith.cmpf ogt, %get3A_1146, %select_n3A_1140 : vector<16xf32>
      %gt3A_1150 = arith.cmpf ogt, %get3A_1146, %select_n3A_1137 : vector<16xf32>
      %select_n3A_1151 = arith.select %gt3A_1150, %get3A_1146, %select_n3A_1137 : vector<16xi1>, vector<16xf32>
      %select_n3A_1152 = arith.select %gt3A_1149, %select_n3A_1140, %select_n3A_1151 : vector<16xi1>, vector<16xf32>
      %select_n3A_1153 = arith.select %gt3A_1150, %broadcast_in_dim3A_1148, %select_n3A_1139 : vector<16xi1>, vector<16xi32>
      %select_n3A_1154 = arith.select %gt3A_1149, %select_n3A_1141, %select_n3A_1153 : vector<16xi1>, vector<16xi32>
      %select_n3A_1155 = arith.select %gt3A_1149, %get3A_1146, %select_n3A_1140 : vector<16xi1>, vector<16xf32>
      %select_n3A_1156 = arith.select %gt3A_1149, %broadcast_in_dim3A_1148, %select_n3A_1141 : vector<16xi1>, vector<16xi32>
      %get3A_1157 = arith.constant 11 : i32
      %get3A_1158 = arith.index_cast %get3A_1157 : i32 to index
      %get3A_1159 = arith.index_cast %mul3A_995 : i32 to index
      %get3A_1160 = tpu.vector_load %arg5[%get3A_1158, %get3A_1159] {strides = array<i32>} : memref<64x256xf32, #tpu.memory_space<vmem>>, vector<1x16xf32>,
      %get3A_1161 = vector.shape_cast %get3A_1160 : vector<1x16xf32> to vector<16xf32>
      %broadcast_in_dim3A_1162 = arith.constant 11 : i32
      %broadcast_in_dim3A_1163 = vector.broadcast %broadcast_in_dim3A_1162 : i32 to vector<16xi32>
      %gt3A_1164 = arith.cmpf ogt, %get3A_1161, %select_n3A_1155 : vector<16xf32>
      %gt3A_1165 = arith.cmpf ogt, %get3A_1161, %select_n3A_1152 : vector<16xf32>
      %select_n3A_1166 = arith.select %gt3A_1165, %get3A_1161, %select_n3A_1152 : vector<16xi1>, vector<16xf32>
      %select_n3A_1167 = arith.select %gt3A_1164, %select_n3A_1155, %select_n3A_1166 : vector<16xi1>, vector<16xf32>
      %select_n3A_1168 = arith.select %gt3A_1165, %broadcast_in_dim3A_1163, %select_n3A_1154 : vector<16xi1>, vector<16xi32>
      %select_n3A_1169 = arith.select %gt3A_1164, %select_n3A_1156, %select_n3A_1168 : vector<16xi1>, vector<16xi32>
      %select_n3A_1170 = arith.select %gt3A_1164, %get3A_1161, %select_n3A_1155 : vector<16xi1>, vector<16xf32>
      %select_n3A_1171 = arith.select %gt3A_1164, %broadcast_in_dim3A_1163, %select_n3A_1156 : vector<16xi1>, vector<16xi32>
      %get3A_1172 = arith.constant 12 : i32
      %get3A_1173 = arith.index_cast %get3A_1172 : i32 to index
      %get3A_1174 = arith.index_cast %mul3A_995 : i32 to index
      %get3A_1175 = tpu.vector_load %arg5[%get3A_1173, %get3A_1174] {strides = array<i32>} : memref<64x256xf32, #tpu.memory_space<vmem>>, vector<1x16xf32>,
      %get3A_1176 = vector.shape_cast %get3A_1175 : vector<1x16xf32> to vector<16xf32>
      %broadcast_in_dim3A_1177 = arith.constant 12 : i32
      %broadcast_in_dim3A_1178 = vector.broadcast %broadcast_in_dim3A_1177 : i32 to vector<16xi32>
      %gt3A_1179 = arith.cmpf ogt, %get3A_1176, %select_n3A_1170 : vector<16xf32>
      %gt3A_1180 = arith.cmpf ogt, %get3A_1176, %select_n3A_1167 : vector<16xf32>
      %select_n3A_1181 = arith.select %gt3A_1180, %get3A_1176, %select_n3A_1167 : vector<16xi1>, vector<16xf32>
      %select_n3A_1182 = arith.select %gt3A_1179, %select_n3A_1170, %select_n3A_1181 : vector<16xi1>, vector<16xf32>
      %select_n3A_1183 = arith.select %gt3A_1180, %broadcast_in_dim3A_1178, %select_n3A_1169 : vector<16xi1>, vector<16xi32>
      %select_n3A_1184 = arith.select %gt3A_1179, %select_n3A_1171, %select_n3A_1183 : vector<16xi1>, vector<16xi32>
      %select_n3A_1185 = arith.select %gt3A_1179, %get3A_1176, %select_n3A_1170 : vector<16xi1>, vector<16xf32>
      %select_n3A_1186 = arith.select %gt3A_1179, %broadcast_in_dim3A_1178, %select_n3A_1171 : vector<16xi1>, vector<16xi32>
      %get3A_1187 = arith.constant 13 : i32
      %get3A_1188 = arith.index_cast %get3A_1187 : i32 to index
      %get3A_1189 = arith.index_cast %mul3A_995 : i32 to index
      %get3A_1190 = tpu.vector_load %arg5[%get3A_1188, %get3A_1189] {strides = array<i32>} : memref<64x256xf32, #tpu.memory_space<vmem>>, vector<1x16xf32>,
      %get3A_1191 = vector.shape_cast %get3A_1190 : vector<1x16xf32> to vector<16xf32>
      %broadcast_in_dim3A_1192 = arith.constant 13 : i32
      %broadcast_in_dim3A_1193 = vector.broadcast %broadcast_in_dim3A_1192 : i32 to vector<16xi32>
      %gt3A_1194 = arith.cmpf ogt, %get3A_1191, %select_n3A_1185 : vector<16xf32>
      %gt3A_1195 = arith.cmpf ogt, %get3A_1191, %select_n3A_1182 : vector<16xf32>
      %select_n3A_1196 = arith.select %gt3A_1195, %get3A_1191, %select_n3A_1182 : vector<16xi1>, vector<16xf32>
      %select_n3A_1197 = arith.select %gt3A_1194, %select_n3A_1185, %select_n3A_1196 : vector<16xi1>, vector<16xf32>
      %select_n3A_1198 = arith.select %gt3A_1195, %broadcast_in_dim3A_1193, %select_n3A_1184 : vector<16xi1>, vector<16xi32>
      %select_n3A_1199 = arith.select %gt3A_1194, %select_n3A_1186, %select_n3A_1198 : vector<16xi1>, vector<16xi32>
      %select_n3A_1200 = arith.select %gt3A_1194, %get3A_1191, %select_n3A_1185 : vector<16xi1>, vector<16xf32>
      %select_n3A_1201 = arith.select %gt3A_1194, %broadcast_in_dim3A_1193, %select_n3A_1186 : vector<16xi1>, vector<16xi32>
      %get3A_1202 = arith.constant 14 : i32
      %get3A_1203 = arith.index_cast %get3A_1202 : i32 to index
      %get3A_1204 = arith.index_cast %mul3A_995 : i32 to index
      %get3A_1205 = tpu.vector_load %arg5[%get3A_1203, %get3A_1204] {strides = array<i32>} : memref<64x256xf32, #tpu.memory_space<vmem>>, vector<1x16xf32>,
      %get3A_1206 = vector.shape_cast %get3A_1205 : vector<1x16xf32> to vector<16xf32>
      %broadcast_in_dim3A_1207 = arith.constant 14 : i32
      %broadcast_in_dim3A_1208 = vector.broadcast %broadcast_in_dim3A_1207 : i32 to vector<16xi32>
      %gt3A_1209 = arith.cmpf ogt, %get3A_1206, %select_n3A_1200 : vector<16xf32>
      %gt3A_1210 = arith.cmpf ogt, %get3A_1206, %select_n3A_1197 : vector<16xf32>
      %select_n3A_1211 = arith.select %gt3A_1210, %get3A_1206, %select_n3A_1197 : vector<16xi1>, vector<16xf32>
      %select_n3A_1212 = arith.select %gt3A_1209, %select_n3A_1200, %select_n3A_1211 : vector<16xi1>, vector<16xf32>
      %select_n3A_1213 = arith.select %gt3A_1210, %broadcast_in_dim3A_1208, %select_n3A_1199 : vector<16xi1>, vector<16xi32>
      %select_n3A_1214 = arith.select %gt3A_1209, %select_n3A_1201, %select_n3A_1213 : vector<16xi1>, vector<16xi32>
      %select_n3A_1215 = arith.select %gt3A_1209, %get3A_1206, %select_n3A_1200 : vector<16xi1>, vector<16xf32>
      %select_n3A_1216 = arith.select %gt3A_1209, %broadcast_in_dim3A_1208, %select_n3A_1201 : vector<16xi1>, vector<16xi32>
      %get3A_1217 = arith.constant 15 : i32
      %get3A_1218 = arith.index_cast %get3A_1217 : i32 to index
      %get3A_1219 = arith.index_cast %mul3A_995 : i32 to index
      %get3A_1220 = tpu.vector_load %arg5[%get3A_1218, %get3A_1219] {strides = array<i32>} : memref<64x256xf32, #tpu.memory_space<vmem>>, vector<1x16xf32>,
      %get3A_1221 = vector.shape_cast %get3A_1220 : vector<1x16xf32> to vector<16xf32>
      %broadcast_in_dim3A_1222 = arith.constant 15 : i32
      %broadcast_in_dim3A_1223 = vector.broadcast %broadcast_in_dim3A_1222 : i32 to vector<16xi32>
      %gt3A_1224 = arith.cmpf ogt, %get3A_1221, %select_n3A_1215 : vector<16xf32>
      %gt3A_1225 = arith.cmpf ogt, %get3A_1221, %select_n3A_1212 : vector<16xf32>
      %select_n3A_1226 = arith.select %gt3A_1225, %get3A_1221, %select_n3A_1212 : vector<16xi1>, vector<16xf32>
      %select_n3A_1227 = arith.select %gt3A_1224, %select_n3A_1215, %select_n3A_1226 : vector<16xi1>, vector<16xf32>
      %select_n3A_1228 = arith.select %gt3A_1225, %broadcast_in_dim3A_1223, %select_n3A_1214 : vector<16xi1>, vector<16xi32>
      %select_n3A_1229 = arith.select %gt3A_1224, %select_n3A_1216, %select_n3A_1228 : vector<16xi1>, vector<16xi32>
      %select_n3A_1230 = arith.select %gt3A_1224, %get3A_1221, %select_n3A_1215 : vector<16xi1>, vector<16xf32>
      %select_n3A_1231 = arith.select %gt3A_1224, %broadcast_in_dim3A_1223, %select_n3A_1216 : vector<16xi1>, vector<16xi32>
      %get3A_1232 = arith.constant 16 : i32
      %get3A_1233 = arith.index_cast %get3A_1232 : i32 to index
      %get3A_1234 = arith.index_cast %mul3A_995 : i32 to index
      %get3A_1235 = tpu.vector_load %arg5[%get3A_1233, %get3A_1234] {strides = array<i32>} : memref<64x256xf32, #tpu.memory_space<vmem>>, vector<1x16xf32>,
      %get3A_1236 = vector.shape_cast %get3A_1235 : vector<1x16xf32> to vector<16xf32>
      %broadcast_in_dim3A_1237 = arith.constant 16 : i32
      %broadcast_in_dim3A_1238 = vector.broadcast %broadcast_in_dim3A_1237 : i32 to vector<16xi32>
      %gt3A_1239 = arith.cmpf ogt, %get3A_1236, %select_n3A_1230 : vector<16xf32>
      %gt3A_1240 = arith.cmpf ogt, %get3A_1236, %select_n3A_1227 : vector<16xf32>
      %select_n3A_1241 = arith.select %gt3A_1240, %get3A_1236, %select_n3A_1227 : vector<16xi1>, vector<16xf32>
      %select_n3A_1242 = arith.select %gt3A_1239, %select_n3A_1230, %select_n3A_1241 : vector<16xi1>, vector<16xf32>
      %select_n3A_1243 = arith.select %gt3A_1240, %broadcast_in_dim3A_1238, %select_n3A_1229 : vector<16xi1>, vector<16xi32>
      %select_n3A_1244 = arith.select %gt3A_1239, %select_n3A_1231, %select_n3A_1243 : vector<16xi1>, vector<16xi32>
      %select_n3A_1245 = arith.select %gt3A_1239, %get3A_1236, %select_n3A_1230 : vector<16xi1>, vector<16xf32>
      %select_n3A_1246 = arith.select %gt3A_1239, %broadcast_in_dim3A_1238, %select_n3A_1231 : vector<16xi1>, vector<16xi32>
      %get3A_1247 = arith.constant 17 : i32
      %get3A_1248 = arith.index_cast %get3A_1247 : i32 to index
      %get3A_1249 = arith.index_cast %mul3A_995 : i32 to index
      %get3A_1250 = tpu.vector_load %arg5[%get3A_1248, %get3A_1249] {strides = array<i32>} : memref<64x256xf32, #tpu.memory_space<vmem>>, vector<1x16xf32>,
      %get3A_1251 = vector.shape_cast %get3A_1250 : vector<1x16xf32> to vector<16xf32>
      %broadcast_in_dim3A_1252 = arith.constant 17 : i32
      %broadcast_in_dim3A_1253 = vector.broadcast %broadcast_in_dim3A_1252 : i32 to vector<16xi32>
      %gt3A_1254 = arith.cmpf ogt, %get3A_1251, %select_n3A_1245 : vector<16xf32>
      %gt3A_1255 = arith.cmpf ogt, %get3A_1251, %select_n3A_1242 : vector<16xf32>
      %select_n3A_1256 = arith.select %gt3A_1255, %get3A_1251, %select_n3A_1242 : vector<16xi1>, vector<16xf32>
      %select_n3A_1257 = arith.select %gt3A_1254, %select_n3A_1245, %select_n3A_1256 : vector<16xi1>, vector<16xf32>
      %select_n3A_1258 = arith.select %gt3A_1255, %broadcast_in_dim3A_1253, %select_n3A_1244 : vector<16xi1>, vector<16xi32>
      %select_n3A_1259 = arith.select %gt3A_1254, %select_n3A_1246, %select_n3A_1258 : vector<16xi1>, vector<16xi32>
      %select_n3A_1260 = arith.select %gt3A_1254, %get3A_1251, %select_n3A_1245 : vector<16xi1>, vector<16xf32>
      %select_n3A_1261 = arith.select %gt3A_1254, %broadcast_in_dim3A_1253, %select_n3A_1246 : vector<16xi1>, vector<16xi32>
      %get3A_1262 = arith.constant 18 : i32
      %get3A_1263 = arith.index_cast %get3A_1262 : i32 to index
      %get3A_1264 = arith.index_cast %mul3A_995 : i32 to index
      %get3A_1265 = tpu.vector_load %arg5[%get3A_1263, %get3A_1264] {strides = array<i32>} : memref<64x256xf32, #tpu.memory_space<vmem>>, vector<1x16xf32>,
      %get3A_1266 = vector.shape_cast %get3A_1265 : vector<1x16xf32> to vector<16xf32>
      %broadcast_in_dim3A_1267 = arith.constant 18 : i32
      %broadcast_in_dim3A_1268 = vector.broadcast %broadcast_in_dim3A_1267 : i32 to vector<16xi32>
      %gt3A_1269 = arith.cmpf ogt, %get3A_1266, %select_n3A_1260 : vector<16xf32>
      %gt3A_1270 = arith.cmpf ogt, %get3A_1266, %select_n3A_1257 : vector<16xf32>
      %select_n3A_1271 = arith.select %gt3A_1270, %get3A_1266, %select_n3A_1257 : vector<16xi1>, vector<16xf32>
      %select_n3A_1272 = arith.select %gt3A_1269, %select_n3A_1260, %select_n3A_1271 : vector<16xi1>, vector<16xf32>
      %select_n3A_1273 = arith.select %gt3A_1270, %broadcast_in_dim3A_1268, %select_n3A_1259 : vector<16xi1>, vector<16xi32>
      %select_n3A_1274 = arith.select %gt3A_1269, %select_n3A_1261, %select_n3A_1273 : vector<16xi1>, vector<16xi32>
      %select_n3A_1275 = arith.select %gt3A_1269, %get3A_1266, %select_n3A_1260 : vector<16xi1>, vector<16xf32>
      %select_n3A_1276 = arith.select %gt3A_1269, %broadcast_in_dim3A_1268, %select_n3A_1261 : vector<16xi1>, vector<16xi32>
      %get3A_1277 = arith.constant 19 : i32
      %get3A_1278 = arith.index_cast %get3A_1277 : i32 to index
      %get3A_1279 = arith.index_cast %mul3A_995 : i32 to index
      %get3A_1280 = tpu.vector_load %arg5[%get3A_1278, %get3A_1279] {strides = array<i32>} : memref<64x256xf32, #tpu.memory_space<vmem>>, vector<1x16xf32>,
      %get3A_1281 = vector.shape_cast %get3A_1280 : vector<1x16xf32> to vector<16xf32>
      %broadcast_in_dim3A_1282 = arith.constant 19 : i32
      %broadcast_in_dim3A_1283 = vector.broadcast %broadcast_in_dim3A_1282 : i32 to vector<16xi32>
      %gt3A_1284 = arith.cmpf ogt, %get3A_1281, %select_n3A_1275 : vector<16xf32>
      %gt3A_1285 = arith.cmpf ogt, %get3A_1281, %select_n3A_1272 : vector<16xf32>
      %select_n3A_1286 = arith.select %gt3A_1285, %get3A_1281, %select_n3A_1272 : vector<16xi1>, vector<16xf32>
      %select_n3A_1287 = arith.select %gt3A_1284, %select_n3A_1275, %select_n3A_1286 : vector<16xi1>, vector<16xf32>
      %select_n3A_1288 = arith.select %gt3A_1285, %broadcast_in_dim3A_1283, %select_n3A_1274 : vector<16xi1>, vector<16xi32>
      %select_n3A_1289 = arith.select %gt3A_1284, %select_n3A_1276, %select_n3A_1288 : vector<16xi1>, vector<16xi32>
      %select_n3A_1290 = arith.select %gt3A_1284, %get3A_1281, %select_n3A_1275 : vector<16xi1>, vector<16xf32>
      %select_n3A_1291 = arith.select %gt3A_1284, %broadcast_in_dim3A_1283, %select_n3A_1276 : vector<16xi1>, vector<16xi32>
      %get3A_1292 = arith.constant 20 : i32
      %get3A_1293 = arith.index_cast %get3A_1292 : i32 to index
      %get3A_1294 = arith.index_cast %mul3A_995 : i32 to index
      %get3A_1295 = tpu.vector_load %arg5[%get3A_1293, %get3A_1294] {strides = array<i32>} : memref<64x256xf32, #tpu.memory_space<vmem>>, vector<1x16xf32>,
      %get3A_1296 = vector.shape_cast %get3A_1295 : vector<1x16xf32> to vector<16xf32>
      %broadcast_in_dim3A_1297 = arith.constant 20 : i32
      %broadcast_in_dim3A_1298 = vector.broadcast %broadcast_in_dim3A_1297 : i32 to vector<16xi32>
      %gt3A_1299 = arith.cmpf ogt, %get3A_1296, %select_n3A_1290 : vector<16xf32>
      %gt3A_1300 = arith.cmpf ogt, %get3A_1296, %select_n3A_1287 : vector<16xf32>
      %select_n3A_1301 = arith.select %gt3A_1300, %get3A_1296, %select_n3A_1287 : vector<16xi1>, vector<16xf32>
      %select_n3A_1302 = arith.select %gt3A_1299, %select_n3A_1290, %select_n3A_1301 : vector<16xi1>, vector<16xf32>
      %select_n3A_1303 = arith.select %gt3A_1300, %broadcast_in_dim3A_1298, %select_n3A_1289 : vector<16xi1>, vector<16xi32>
      %select_n3A_1304 = arith.select %gt3A_1299, %select_n3A_1291, %select_n3A_1303 : vector<16xi1>, vector<16xi32>
      %select_n3A_1305 = arith.select %gt3A_1299, %get3A_1296, %select_n3A_1290 : vector<16xi1>, vector<16xf32>
      %select_n3A_1306 = arith.select %gt3A_1299, %broadcast_in_dim3A_1298, %select_n3A_1291 : vector<16xi1>, vector<16xi32>
      %get3A_1307 = arith.constant 21 : i32
      %get3A_1308 = arith.index_cast %get3A_1307 : i32 to index
      %get3A_1309 = arith.index_cast %mul3A_995 : i32 to index
      %get3A_1310 = tpu.vector_load %arg5[%get3A_1308, %get3A_1309] {strides = array<i32>} : memref<64x256xf32, #tpu.memory_space<vmem>>, vector<1x16xf32>,
      %get3A_1311 = vector.shape_cast %get3A_1310 : vector<1x16xf32> to vector<16xf32>
      %broadcast_in_dim3A_1312 = arith.constant 21 : i32
      %broadcast_in_dim3A_1313 = vector.broadcast %broadcast_in_dim3A_1312 : i32 to vector<16xi32>
      %gt3A_1314 = arith.cmpf ogt, %get3A_1311, %select_n3A_1305 : vector<16xf32>
      %gt3A_1315 = arith.cmpf ogt, %get3A_1311, %select_n3A_1302 : vector<16xf32>
      %select_n3A_1316 = arith.select %gt3A_1315, %get3A_1311, %select_n3A_1302 : vector<16xi1>, vector<16xf32>
      %select_n3A_1317 = arith.select %gt3A_1314, %select_n3A_1305, %select_n3A_1316 : vector<16xi1>, vector<16xf32>
      %select_n3A_1318 = arith.select %gt3A_1315, %broadcast_in_dim3A_1313, %select_n3A_1304 : vector<16xi1>, vector<16xi32>
      %select_n3A_1319 = arith.select %gt3A_1314, %select_n3A_1306, %select_n3A_1318 : vector<16xi1>, vector<16xi32>
      %select_n3A_1320 = arith.select %gt3A_1314, %get3A_1311, %select_n3A_1305 : vector<16xi1>, vector<16xf32>
      %select_n3A_1321 = arith.select %gt3A_1314, %broadcast_in_dim3A_1313, %select_n3A_1306 : vector<16xi1>, vector<16xi32>
      %get3A_1322 = arith.constant 22 : i32
      %get3A_1323 = arith.index_cast %get3A_1322 : i32 to index
      %get3A_1324 = arith.index_cast %mul3A_995 : i32 to index
      %get3A_1325 = tpu.vector_load %arg5[%get3A_1323, %get3A_1324] {strides = array<i32>} : memref<64x256xf32, #tpu.memory_space<vmem>>, vector<1x16xf32>,
      %get3A_1326 = vector.shape_cast %get3A_1325 : vector<1x16xf32> to vector<16xf32>
      %broadcast_in_dim3A_1327 = arith.constant 22 : i32
      %broadcast_in_dim3A_1328 = vector.broadcast %broadcast_in_dim3A_1327 : i32 to vector<16xi32>
      %gt3A_1329 = arith.cmpf ogt, %get3A_1326, %select_n3A_1320 : vector<16xf32>
      %gt3A_1330 = arith.cmpf ogt, %get3A_1326, %select_n3A_1317 : vector<16xf32>
      %select_n3A_1331 = arith.select %gt3A_1330, %get3A_1326, %select_n3A_1317 : vector<16xi1>, vector<16xf32>
      %select_n3A_1332 = arith.select %gt3A_1329, %select_n3A_1320, %select_n3A_1331 : vector<16xi1>, vector<16xf32>
      %select_n3A_1333 = arith.select %gt3A_1330, %broadcast_in_dim3A_1328, %select_n3A_1319 : vector<16xi1>, vector<16xi32>
      %select_n3A_1334 = arith.select %gt3A_1329, %select_n3A_1321, %select_n3A_1333 : vector<16xi1>, vector<16xi32>
      %select_n3A_1335 = arith.select %gt3A_1329, %get3A_1326, %select_n3A_1320 : vector<16xi1>, vector<16xf32>
      %select_n3A_1336 = arith.select %gt3A_1329, %broadcast_in_dim3A_1328, %select_n3A_1321 : vector<16xi1>, vector<16xi32>
      %get3A_1337 = arith.constant 23 : i32
      %get3A_1338 = arith.index_cast %get3A_1337 : i32 to index
      %get3A_1339 = arith.index_cast %mul3A_995 : i32 to index
      %get3A_1340 = tpu.vector_load %arg5[%get3A_1338, %get3A_1339] {strides = array<i32>} : memref<64x256xf32, #tpu.memory_space<vmem>>, vector<1x16xf32>,
      %get3A_1341 = vector.shape_cast %get3A_1340 : vector<1x16xf32> to vector<16xf32>
      %broadcast_in_dim3A_1342 = arith.constant 23 : i32
      %broadcast_in_dim3A_1343 = vector.broadcast %broadcast_in_dim3A_1342 : i32 to vector<16xi32>
      %gt3A_1344 = arith.cmpf ogt, %get3A_1341, %select_n3A_1335 : vector<16xf32>
      %gt3A_1345 = arith.cmpf ogt, %get3A_1341, %select_n3A_1332 : vector<16xf32>
      %select_n3A_1346 = arith.select %gt3A_1345, %get3A_1341, %select_n3A_1332 : vector<16xi1>, vector<16xf32>
      %select_n3A_1347 = arith.select %gt3A_1344, %select_n3A_1335, %select_n3A_1346 : vector<16xi1>, vector<16xf32>
      %select_n3A_1348 = arith.select %gt3A_1345, %broadcast_in_dim3A_1343, %select_n3A_1334 : vector<16xi1>, vector<16xi32>
      %select_n3A_1349 = arith.select %gt3A_1344, %select_n3A_1336, %select_n3A_1348 : vector<16xi1>, vector<16xi32>
      %select_n3A_1350 = arith.select %gt3A_1344, %get3A_1341, %select_n3A_1335 : vector<16xi1>, vector<16xf32>
      %select_n3A_1351 = arith.select %gt3A_1344, %broadcast_in_dim3A_1343, %select_n3A_1336 : vector<16xi1>, vector<16xi32>
      %get3A_1352 = arith.constant 24 : i32
      %get3A_1353 = arith.index_cast %get3A_1352 : i32 to index
      %get3A_1354 = arith.index_cast %mul3A_995 : i32 to index
      %get3A_1355 = tpu.vector_load %arg5[%get3A_1353, %get3A_1354] {strides = array<i32>} : memref<64x256xf32, #tpu.memory_space<vmem>>, vector<1x16xf32>,
      %get3A_1356 = vector.shape_cast %get3A_1355 : vector<1x16xf32> to vector<16xf32>
      %broadcast_in_dim3A_1357 = arith.constant 24 : i32
      %broadcast_in_dim3A_1358 = vector.broadcast %broadcast_in_dim3A_1357 : i32 to vector<16xi32>
      %gt3A_1359 = arith.cmpf ogt, %get3A_1356, %select_n3A_1350 : vector<16xf32>
      %gt3A_1360 = arith.cmpf ogt, %get3A_1356, %select_n3A_1347 : vector<16xf32>
      %select_n3A_1361 = arith.select %gt3A_1360, %get3A_1356, %select_n3A_1347 : vector<16xi1>, vector<16xf32>
      %select_n3A_1362 = arith.select %gt3A_1359, %select_n3A_1350, %select_n3A_1361 : vector<16xi1>, vector<16xf32>
      %select_n3A_1363 = arith.select %gt3A_1360, %broadcast_in_dim3A_1358, %select_n3A_1349 : vector<16xi1>, vector<16xi32>
      %select_n3A_1364 = arith.select %gt3A_1359, %select_n3A_1351, %select_n3A_1363 : vector<16xi1>, vector<16xi32>
      %select_n3A_1365 = arith.select %gt3A_1359, %get3A_1356, %select_n3A_1350 : vector<16xi1>, vector<16xf32>
      %select_n3A_1366 = arith.select %gt3A_1359, %broadcast_in_dim3A_1358, %select_n3A_1351 : vector<16xi1>, vector<16xi32>
      %get3A_1367 = arith.constant 25 : i32
      %get3A_1368 = arith.index_cast %get3A_1367 : i32 to index
      %get3A_1369 = arith.index_cast %mul3A_995 : i32 to index
      %get3A_1370 = tpu.vector_load %arg5[%get3A_1368, %get3A_1369] {strides = array<i32>} : memref<64x256xf32, #tpu.memory_space<vmem>>, vector<1x16xf32>,
      %get3A_1371 = vector.shape_cast %get3A_1370 : vector<1x16xf32> to vector<16xf32>
      %broadcast_in_dim3A_1372 = arith.constant 25 : i32
      %broadcast_in_dim3A_1373 = vector.broadcast %broadcast_in_dim3A_1372 : i32 to vector<16xi32>
      %gt3A_1374 = arith.cmpf ogt, %get3A_1371, %select_n3A_1365 : vector<16xf32>
      %gt3A_1375 = arith.cmpf ogt, %get3A_1371, %select_n3A_1362 : vector<16xf32>
      %select_n3A_1376 = arith.select %gt3A_1375, %get3A_1371, %select_n3A_1362 : vector<16xi1>, vector<16xf32>
      %select_n3A_1377 = arith.select %gt3A_1374, %select_n3A_1365, %select_n3A_1376 : vector<16xi1>, vector<16xf32>
      %select_n3A_1378 = arith.select %gt3A_1375, %broadcast_in_dim3A_1373, %select_n3A_1364 : vector<16xi1>, vector<16xi32>
      %select_n3A_1379 = arith.select %gt3A_1374, %select_n3A_1366, %select_n3A_1378 : vector<16xi1>, vector<16xi32>
      %select_n3A_1380 = arith.select %gt3A_1374, %get3A_1371, %select_n3A_1365 : vector<16xi1>, vector<16xf32>
      %select_n3A_1381 = arith.select %gt3A_1374, %broadcast_in_dim3A_1373, %select_n3A_1366 : vector<16xi1>, vector<16xi32>
      %get3A_1382 = arith.constant 26 : i32
      %get3A_1383 = arith.index_cast %get3A_1382 : i32 to index
      %get3A_1384 = arith.index_cast %mul3A_995 : i32 to index
      %get3A_1385 = tpu.vector_load %arg5[%get3A_1383, %get3A_1384] {strides = array<i32>} : memref<64x256xf32, #tpu.memory_space<vmem>>, vector<1x16xf32>,
      %get3A_1386 = vector.shape_cast %get3A_1385 : vector<1x16xf32> to vector<16xf32>
      %broadcast_in_dim3A_1387 = arith.constant 26 : i32
      %broadcast_in_dim3A_1388 = vector.broadcast %broadcast_in_dim3A_1387 : i32 to vector<16xi32>
      %gt3A_1389 = arith.cmpf ogt, %get3A_1386, %select_n3A_1380 : vector<16xf32>
      %gt3A_1390 = arith.cmpf ogt, %get3A_1386, %select_n3A_1377 : vector<16xf32>
      %select_n3A_1391 = arith.select %gt3A_1390, %get3A_1386, %select_n3A_1377 : vector<16xi1>, vector<16xf32>
      %select_n3A_1392 = arith.select %gt3A_1389, %select_n3A_1380, %select_n3A_1391 : vector<16xi1>, vector<16xf32>
      %select_n3A_1393 = arith.select %gt3A_1390, %broadcast_in_dim3A_1388, %select_n3A_1379 : vector<16xi1>, vector<16xi32>
      %select_n3A_1394 = arith.select %gt3A_1389, %select_n3A_1381, %select_n3A_1393 : vector<16xi1>, vector<16xi32>
      %select_n3A_1395 = arith.select %gt3A_1389, %get3A_1386, %select_n3A_1380 : vector<16xi1>, vector<16xf32>
      %select_n3A_1396 = arith.select %gt3A_1389, %broadcast_in_dim3A_1388, %select_n3A_1381 : vector<16xi1>, vector<16xi32>
      %get3A_1397 = arith.constant 27 : i32
      %get3A_1398 = arith.index_cast %get3A_1397 : i32 to index
      %get3A_1399 = arith.index_cast %mul3A_995 : i32 to index
      %get3A_1400 = tpu.vector_load %arg5[%get3A_1398, %get3A_1399] {strides = array<i32>} : memref<64x256xf32, #tpu.memory_space<vmem>>, vector<1x16xf32>,
      %get3A_1401 = vector.shape_cast %get3A_1400 : vector<1x16xf32> to vector<16xf32>
      %broadcast_in_dim3A_1402 = arith.constant 27 : i32
      %broadcast_in_dim3A_1403 = vector.broadcast %broadcast_in_dim3A_1402 : i32 to vector<16xi32>
      %gt3A_1404 = arith.cmpf ogt, %get3A_1401, %select_n3A_1395 : vector<16xf32>
      %gt3A_1405 = arith.cmpf ogt, %get3A_1401, %select_n3A_1392 : vector<16xf32>
      %select_n3A_1406 = arith.select %gt3A_1405, %get3A_1401, %select_n3A_1392 : vector<16xi1>, vector<16xf32>
      %select_n3A_1407 = arith.select %gt3A_1404, %select_n3A_1395, %select_n3A_1406 : vector<16xi1>, vector<16xf32>
      %select_n3A_1408 = arith.select %gt3A_1405, %broadcast_in_dim3A_1403, %select_n3A_1394 : vector<16xi1>, vector<16xi32>
      %select_n3A_1409 = arith.select %gt3A_1404, %select_n3A_1396, %select_n3A_1408 : vector<16xi1>, vector<16xi32>
      %select_n3A_1410 = arith.select %gt3A_1404, %get3A_1401, %select_n3A_1395 : vector<16xi1>, vector<16xf32>
      %select_n3A_1411 = arith.select %gt3A_1404, %broadcast_in_dim3A_1403, %select_n3A_1396 : vector<16xi1>, vector<16xi32>
      %get3A_1412 = arith.constant 28 : i32
      %get3A_1413 = arith.index_cast %get3A_1412 : i32 to index
      %get3A_1414 = arith.index_cast %mul3A_995 : i32 to index
      %get3A_1415 = tpu.vector_load %arg5[%get3A_1413, %get3A_1414] {strides = array<i32>} : memref<64x256xf32, #tpu.memory_space<vmem>>, vector<1x16xf32>,
      %get3A_1416 = vector.shape_cast %get3A_1415 : vector<1x16xf32> to vector<16xf32>
      %broadcast_in_dim3A_1417 = arith.constant 28 : i32
      %broadcast_in_dim3A_1418 = vector.broadcast %broadcast_in_dim3A_1417 : i32 to vector<16xi32>
      %gt3A_1419 = arith.cmpf ogt, %get3A_1416, %select_n3A_1410 : vector<16xf32>
      %gt3A_1420 = arith.cmpf ogt, %get3A_1416, %select_n3A_1407 : vector<16xf32>
      %select_n3A_1421 = arith.select %gt3A_1420, %get3A_1416, %select_n3A_1407 : vector<16xi1>, vector<16xf32>
      %select_n3A_1422 = arith.select %gt3A_1419, %select_n3A_1410, %select_n3A_1421 : vector<16xi1>, vector<16xf32>
      %select_n3A_1423 = arith.select %gt3A_1420, %broadcast_in_dim3A_1418, %select_n3A_1409 : vector<16xi1>, vector<16xi32>
      %select_n3A_1424 = arith.select %gt3A_1419, %select_n3A_1411, %select_n3A_1423 : vector<16xi1>, vector<16xi32>
      %select_n3A_1425 = arith.select %gt3A_1419, %get3A_1416, %select_n3A_1410 : vector<16xi1>, vector<16xf32>
      %select_n3A_1426 = arith.select %gt3A_1419, %broadcast_in_dim3A_1418, %select_n3A_1411 : vector<16xi1>, vector<16xi32>
      %get3A_1427 = arith.constant 29 : i32
      %get3A_1428 = arith.index_cast %get3A_1427 : i32 to index
      %get3A_1429 = arith.index_cast %mul3A_995 : i32 to index
      %get3A_1430 = tpu.vector_load %arg5[%get3A_1428, %get3A_1429] {strides = array<i32>} : memref<64x256xf32, #tpu.memory_space<vmem>>, vector<1x16xf32>,
      %get3A_1431 = vector.shape_cast %get3A_1430 : vector<1x16xf32> to vector<16xf32>
      %broadcast_in_dim3A_1432 = arith.constant 29 : i32
      %broadcast_in_dim3A_1433 = vector.broadcast %broadcast_in_dim3A_1432 : i32 to vector<16xi32>
      %gt3A_1434 = arith.cmpf ogt, %get3A_1431, %select_n3A_1425 : vector<16xf32>
      %gt3A_1435 = arith.cmpf ogt, %get3A_1431, %select_n3A_1422 : vector<16xf32>
      %select_n3A_1436 = arith.select %gt3A_1435, %get3A_1431, %select_n3A_1422 : vector<16xi1>, vector<16xf32>
      %select_n3A_1437 = arith.select %gt3A_1434, %select_n3A_1425, %select_n3A_1436 : vector<16xi1>, vector<16xf32>
      %select_n3A_1438 = arith.select %gt3A_1435, %broadcast_in_dim3A_1433, %select_n3A_1424 : vector<16xi1>, vector<16xi32>
      %select_n3A_1439 = arith.select %gt3A_1434, %select_n3A_1426, %select_n3A_1438 : vector<16xi1>, vector<16xi32>
      %select_n3A_1440 = arith.select %gt3A_1434, %get3A_1431, %select_n3A_1425 : vector<16xi1>, vector<16xf32>
      %select_n3A_1441 = arith.select %gt3A_1434, %broadcast_in_dim3A_1433, %select_n3A_1426 : vector<16xi1>, vector<16xi32>
      %get3A_1442 = arith.constant 30 : i32
      %get3A_1443 = arith.index_cast %get3A_1442 : i32 to index
      %get3A_1444 = arith.index_cast %mul3A_995 : i32 to index
      %get3A_1445 = tpu.vector_load %arg5[%get3A_1443, %get3A_1444] {strides = array<i32>} : memref<64x256xf32, #tpu.memory_space<vmem>>, vector<1x16xf32>,
      %get3A_1446 = vector.shape_cast %get3A_1445 : vector<1x16xf32> to vector<16xf32>
      %broadcast_in_dim3A_1447 = arith.constant 30 : i32
      %broadcast_in_dim3A_1448 = vector.broadcast %broadcast_in_dim3A_1447 : i32 to vector<16xi32>
      %gt3A_1449 = arith.cmpf ogt, %get3A_1446, %select_n3A_1440 : vector<16xf32>
      %gt3A_1450 = arith.cmpf ogt, %get3A_1446, %select_n3A_1437 : vector<16xf32>
      %select_n3A_1451 = arith.select %gt3A_1450, %get3A_1446, %select_n3A_1437 : vector<16xi1>, vector<16xf32>
      %select_n3A_1452 = arith.select %gt3A_1449, %select_n3A_1440, %select_n3A_1451 : vector<16xi1>, vector<16xf32>
      %select_n3A_1453 = arith.select %gt3A_1450, %broadcast_in_dim3A_1448, %select_n3A_1439 : vector<16xi1>, vector<16xi32>
      %select_n3A_1454 = arith.select %gt3A_1449, %select_n3A_1441, %select_n3A_1453 : vector<16xi1>, vector<16xi32>
      %select_n3A_1455 = arith.select %gt3A_1449, %get3A_1446, %select_n3A_1440 : vector<16xi1>, vector<16xf32>
      %select_n3A_1456 = arith.select %gt3A_1449, %broadcast_in_dim3A_1448, %select_n3A_1441 : vector<16xi1>, vector<16xi32>
      %get3A_1457 = arith.constant 31 : i32
      %get3A_1458 = arith.index_cast %get3A_1457 : i32 to index
      %get3A_1459 = arith.index_cast %mul3A_995 : i32 to index
      %get3A_1460 = tpu.vector_load %arg5[%get3A_1458, %get3A_1459] {strides = array<i32>} : memref<64x256xf32, #tpu.memory_space<vmem>>, vector<1x16xf32>,
      %get3A_1461 = vector.shape_cast %get3A_1460 : vector<1x16xf32> to vector<16xf32>
      %broadcast_in_dim3A_1462 = arith.constant 31 : i32
      %broadcast_in_dim3A_1463 = vector.broadcast %broadcast_in_dim3A_1462 : i32 to vector<16xi32>
      %gt3A_1464 = arith.cmpf ogt, %get3A_1461, %select_n3A_1455 : vector<16xf32>
      %gt3A_1465 = arith.cmpf ogt, %get3A_1461, %select_n3A_1452 : vector<16xf32>
      %select_n3A_1466 = arith.select %gt3A_1465, %get3A_1461, %select_n3A_1452 : vector<16xi1>, vector<16xf32>
      %select_n3A_1467 = arith.select %gt3A_1464, %select_n3A_1455, %select_n3A_1466 : vector<16xi1>, vector<16xf32>
      %select_n3A_1468 = arith.select %gt3A_1465, %broadcast_in_dim3A_1463, %select_n3A_1454 : vector<16xi1>, vector<16xi32>
      %select_n3A_1469 = arith.select %gt3A_1464, %select_n3A_1456, %select_n3A_1468 : vector<16xi1>, vector<16xi32>
      %select_n3A_1470 = arith.select %gt3A_1464, %get3A_1461, %select_n3A_1455 : vector<16xi1>, vector<16xf32>
      %select_n3A_1471 = arith.select %gt3A_1464, %broadcast_in_dim3A_1463, %select_n3A_1456 : vector<16xi1>, vector<16xi32>
      %get3A_1472 = arith.constant 32 : i32
      %get3A_1473 = arith.index_cast %get3A_1472 : i32 to index
      %get3A_1474 = arith.index_cast %mul3A_995 : i32 to index
      %get3A_1475 = tpu.vector_load %arg5[%get3A_1473, %get3A_1474] {strides = array<i32>} : memref<64x256xf32, #tpu.memory_space<vmem>>, vector<1x16xf32>,
      %get3A_1476 = vector.shape_cast %get3A_1475 : vector<1x16xf32> to vector<16xf32>
      %broadcast_in_dim3A_1477 = arith.constant 32 : i32
      %broadcast_in_dim3A_1478 = vector.broadcast %broadcast_in_dim3A_1477 : i32 to vector<16xi32>
      %gt3A_1479 = arith.cmpf ogt, %get3A_1476, %select_n3A_1470 : vector<16xf32>
      %gt3A_1480 = arith.cmpf ogt, %get3A_1476, %select_n3A_1467 : vector<16xf32>
      %select_n3A_1481 = arith.select %gt3A_1480, %get3A_1476, %select_n3A_1467 : vector<16xi1>, vector<16xf32>
      %select_n3A_1482 = arith.select %gt3A_1479, %select_n3A_1470, %select_n3A_1481 : vector<16xi1>, vector<16xf32>
      %select_n3A_1483 = arith.select %gt3A_1480, %broadcast_in_dim3A_1478, %select_n3A_1469 : vector<16xi1>, vector<16xi32>
      %select_n3A_1484 = arith.select %gt3A_1479, %select_n3A_1471, %select_n3A_1483 : vector<16xi1>, vector<16xi32>
      %select_n3A_1485 = arith.select %gt3A_1479, %get3A_1476, %select_n3A_1470 : vector<16xi1>, vector<16xf32>
      %select_n3A_1486 = arith.select %gt3A_1479, %broadcast_in_dim3A_1478, %select_n3A_1471 : vector<16xi1>, vector<16xi32>
      %get3A_1487 = arith.constant 33 : i32
      %get3A_1488 = arith.index_cast %get3A_1487 : i32 to index
      %get3A_1489 = arith.index_cast %mul3A_995 : i32 to index
      %get3A_1490 = tpu.vector_load %arg5[%get3A_1488, %get3A_1489] {strides = array<i32>} : memref<64x256xf32, #tpu.memory_space<vmem>>, vector<1x16xf32>,
      %get3A_1491 = vector.shape_cast %get3A_1490 : vector<1x16xf32> to vector<16xf32>
      %broadcast_in_dim3A_1492 = arith.constant 33 : i32
      %broadcast_in_dim3A_1493 = vector.broadcast %broadcast_in_dim3A_1492 : i32 to vector<16xi32>
      %gt3A_1494 = arith.cmpf ogt, %get3A_1491, %select_n3A_1485 : vector<16xf32>
      %gt3A_1495 = arith.cmpf ogt, %get3A_1491, %select_n3A_1482 : vector<16xf32>
      %select_n3A_1496 = arith.select %gt3A_1495, %get3A_1491, %select_n3A_1482 : vector<16xi1>, vector<16xf32>
      %select_n3A_1497 = arith.select %gt3A_1494, %select_n3A_1485, %select_n3A_1496 : vector<16xi1>, vector<16xf32>
      %select_n3A_1498 = arith.select %gt3A_1495, %broadcast_in_dim3A_1493, %select_n3A_1484 : vector<16xi1>, vector<16xi32>
      %select_n3A_1499 = arith.select %gt3A_1494, %select_n3A_1486, %select_n3A_1498 : vector<16xi1>, vector<16xi32>
      %select_n3A_1500 = arith.select %gt3A_1494, %get3A_1491, %select_n3A_1485 : vector<16xi1>, vector<16xf32>
      %select_n3A_1501 = arith.select %gt3A_1494, %broadcast_in_dim3A_1493, %select_n3A_1486 : vector<16xi1>, vector<16xi32>
      %get3A_1502 = arith.constant 34 : i32
      %get3A_1503 = arith.index_cast %get3A_1502 : i32 to index
      %get3A_1504 = arith.index_cast %mul3A_995 : i32 to index
      %get3A_1505 = tpu.vector_load %arg5[%get3A_1503, %get3A_1504] {strides = array<i32>} : memref<64x256xf32, #tpu.memory_space<vmem>>, vector<1x16xf32>,
      %get3A_1506 = vector.shape_cast %get3A_1505 : vector<1x16xf32> to vector<16xf32>
      %broadcast_in_dim3A_1507 = arith.constant 34 : i32
      %broadcast_in_dim3A_1508 = vector.broadcast %broadcast_in_dim3A_1507 : i32 to vector<16xi32>
      %gt3A_1509 = arith.cmpf ogt, %get3A_1506, %select_n3A_1500 : vector<16xf32>
      %gt3A_1510 = arith.cmpf ogt, %get3A_1506, %select_n3A_1497 : vector<16xf32>
      %select_n3A_1511 = arith.select %gt3A_1510, %get3A_1506, %select_n3A_1497 : vector<16xi1>, vector<16xf32>
      %select_n3A_1512 = arith.select %gt3A_1509, %select_n3A_1500, %select_n3A_1511 : vector<16xi1>, vector<16xf32>
      %select_n3A_1513 = arith.select %gt3A_1510, %broadcast_in_dim3A_1508, %select_n3A_1499 : vector<16xi1>, vector<16xi32>
      %select_n3A_1514 = arith.select %gt3A_1509, %select_n3A_1501, %select_n3A_1513 : vector<16xi1>, vector<16xi32>
      %select_n3A_1515 = arith.select %gt3A_1509, %get3A_1506, %select_n3A_1500 : vector<16xi1>, vector<16xf32>
      %select_n3A_1516 = arith.select %gt3A_1509, %broadcast_in_dim3A_1508, %select_n3A_1501 : vector<16xi1>, vector<16xi32>
      %get3A_1517 = arith.constant 35 : i32
      %get3A_1518 = arith.index_cast %get3A_1517 : i32 to index
      %get3A_1519 = arith.index_cast %mul3A_995 : i32 to index
      %get3A_1520 = tpu.vector_load %arg5[%get3A_1518, %get3A_1519] {strides = array<i32>} : memref<64x256xf32, #tpu.memory_space<vmem>>, vector<1x16xf32>,
      %get3A_1521 = vector.shape_cast %get3A_1520 : vector<1x16xf32> to vector<16xf32>
      %broadcast_in_dim3A_1522 = arith.constant 35 : i32
      %broadcast_in_dim3A_1523 = vector.broadcast %broadcast_in_dim3A_1522 : i32 to vector<16xi32>
      %gt3A_1524 = arith.cmpf ogt, %get3A_1521, %select_n3A_1515 : vector<16xf32>
      %gt3A_1525 = arith.cmpf ogt, %get3A_1521, %select_n3A_1512 : vector<16xf32>
      %select_n3A_1526 = arith.select %gt3A_1525, %get3A_1521, %select_n3A_1512 : vector<16xi1>, vector<16xf32>
      %select_n3A_1527 = arith.select %gt3A_1524, %select_n3A_1515, %select_n3A_1526 : vector<16xi1>, vector<16xf32>
      %select_n3A_1528 = arith.select %gt3A_1525, %broadcast_in_dim3A_1523, %select_n3A_1514 : vector<16xi1>, vector<16xi32>
      %select_n3A_1529 = arith.select %gt3A_1524, %select_n3A_1516, %select_n3A_1528 : vector<16xi1>, vector<16xi32>
      %select_n3A_1530 = arith.select %gt3A_1524, %get3A_1521, %select_n3A_1515 : vector<16xi1>, vector<16xf32>
      %select_n3A_1531 = arith.select %gt3A_1524, %broadcast_in_dim3A_1523, %select_n3A_1516 : vector<16xi1>, vector<16xi32>
      %get3A_1532 = arith.constant 36 : i32
      %get3A_1533 = arith.index_cast %get3A_1532 : i32 to index
      %get3A_1534 = arith.index_cast %mul3A_995 : i32 to index
      %get3A_1535 = tpu.vector_load %arg5[%get3A_1533, %get3A_1534] {strides = array<i32>} : memref<64x256xf32, #tpu.memory_space<vmem>>, vector<1x16xf32>,
      %get3A_1536 = vector.shape_cast %get3A_1535 : vector<1x16xf32> to vector<16xf32>
      %broadcast_in_dim3A_1537 = arith.constant 36 : i32
      %broadcast_in_dim3A_1538 = vector.broadcast %broadcast_in_dim3A_1537 : i32 to vector<16xi32>
      %gt3A_1539 = arith.cmpf ogt, %get3A_1536, %select_n3A_1530 : vector<16xf32>
      %gt3A_1540 = arith.cmpf ogt, %get3A_1536, %select_n3A_1527 : vector<16xf32>
      %select_n3A_1541 = arith.select %gt3A_1540, %get3A_1536, %select_n3A_1527 : vector<16xi1>, vector<16xf32>
      %select_n3A_1542 = arith.select %gt3A_1539, %select_n3A_1530, %select_n3A_1541 : vector<16xi1>, vector<16xf32>
      %select_n3A_1543 = arith.select %gt3A_1540, %broadcast_in_dim3A_1538, %select_n3A_1529 : vector<16xi1>, vector<16xi32>
      %select_n3A_1544 = arith.select %gt3A_1539, %select_n3A_1531, %select_n3A_1543 : vector<16xi1>, vector<16xi32>
      %select_n3A_1545 = arith.select %gt3A_1539, %get3A_1536, %select_n3A_1530 : vector<16xi1>, vector<16xf32>
      %select_n3A_1546 = arith.select %gt3A_1539, %broadcast_in_dim3A_1538, %select_n3A_1531 : vector<16xi1>, vector<16xi32>
      %get3A_1547 = arith.constant 37 : i32
      %get3A_1548 = arith.index_cast %get3A_1547 : i32 to index
      %get3A_1549 = arith.index_cast %mul3A_995 : i32 to index
      %get3A_1550 = tpu.vector_load %arg5[%get3A_1548, %get3A_1549] {strides = array<i32>} : memref<64x256xf32, #tpu.memory_space<vmem>>, vector<1x16xf32>,
      %get3A_1551 = vector.shape_cast %get3A_1550 : vector<1x16xf32> to vector<16xf32>
      %broadcast_in_dim3A_1552 = arith.constant 37 : i32
      %broadcast_in_dim3A_1553 = vector.broadcast %broadcast_in_dim3A_1552 : i32 to vector<16xi32>
      %gt3A_1554 = arith.cmpf ogt, %get3A_1551, %select_n3A_1545 : vector<16xf32>
      %gt3A_1555 = arith.cmpf ogt, %get3A_1551, %select_n3A_1542 : vector<16xf32>
      %select_n3A_1556 = arith.select %gt3A_1555, %get3A_1551, %select_n3A_1542 : vector<16xi1>, vector<16xf32>
      %select_n3A_1557 = arith.select %gt3A_1554, %select_n3A_1545, %select_n3A_1556 : vector<16xi1>, vector<16xf32>
      %select_n3A_1558 = arith.select %gt3A_1555, %broadcast_in_dim3A_1553, %select_n3A_1544 : vector<16xi1>, vector<16xi32>
      %select_n3A_1559 = arith.select %gt3A_1554, %select_n3A_1546, %select_n3A_1558 : vector<16xi1>, vector<16xi32>
      %select_n3A_1560 = arith.select %gt3A_1554, %get3A_1551, %select_n3A_1545 : vector<16xi1>, vector<16xf32>
      %select_n3A_1561 = arith.select %gt3A_1554, %broadcast_in_dim3A_1553, %select_n3A_1546 : vector<16xi1>, vector<16xi32>
      %get3A_1562 = arith.constant 38 : i32
      %get3A_1563 = arith.index_cast %get3A_1562 : i32 to index
      %get3A_1564 = arith.index_cast %mul3A_995 : i32 to index
      %get3A_1565 = tpu.vector_load %arg5[%get3A_1563, %get3A_1564] {strides = array<i32>} : memref<64x256xf32, #tpu.memory_space<vmem>>, vector<1x16xf32>,
      %get3A_1566 = vector.shape_cast %get3A_1565 : vector<1x16xf32> to vector<16xf32>
      %broadcast_in_dim3A_1567 = arith.constant 38 : i32
      %broadcast_in_dim3A_1568 = vector.broadcast %broadcast_in_dim3A_1567 : i32 to vector<16xi32>
      %gt3A_1569 = arith.cmpf ogt, %get3A_1566, %select_n3A_1560 : vector<16xf32>
      %gt3A_1570 = arith.cmpf ogt, %get3A_1566, %select_n3A_1557 : vector<16xf32>
      %select_n3A_1571 = arith.select %gt3A_1570, %get3A_1566, %select_n3A_1557 : vector<16xi1>, vector<16xf32>
      %select_n3A_1572 = arith.select %gt3A_1569, %select_n3A_1560, %select_n3A_1571 : vector<16xi1>, vector<16xf32>
      %select_n3A_1573 = arith.select %gt3A_1570, %broadcast_in_dim3A_1568, %select_n3A_1559 : vector<16xi1>, vector<16xi32>
      %select_n3A_1574 = arith.select %gt3A_1569, %select_n3A_1561, %select_n3A_1573 : vector<16xi1>, vector<16xi32>
      %select_n3A_1575 = arith.select %gt3A_1569, %get3A_1566, %select_n3A_1560 : vector<16xi1>, vector<16xf32>
      %select_n3A_1576 = arith.select %gt3A_1569, %broadcast_in_dim3A_1568, %select_n3A_1561 : vector<16xi1>, vector<16xi32>
      %get3A_1577 = arith.constant 39 : i32
      %get3A_1578 = arith.index_cast %get3A_1577 : i32 to index
      %get3A_1579 = arith.index_cast %mul3A_995 : i32 to index
      %get3A_1580 = tpu.vector_load %arg5[%get3A_1578, %get3A_1579] {strides = array<i32>} : memref<64x256xf32, #tpu.memory_space<vmem>>, vector<1x16xf32>,
      %get3A_1581 = vector.shape_cast %get3A_1580 : vector<1x16xf32> to vector<16xf32>
      %broadcast_in_dim3A_1582 = arith.constant 39 : i32
      %broadcast_in_dim3A_1583 = vector.broadcast %broadcast_in_dim3A_1582 : i32 to vector<16xi32>
      %gt3A_1584 = arith.cmpf ogt, %get3A_1581, %select_n3A_1575 : vector<16xf32>
      %gt3A_1585 = arith.cmpf ogt, %get3A_1581, %select_n3A_1572 : vector<16xf32>
      %select_n3A_1586 = arith.select %gt3A_1585, %get3A_1581, %select_n3A_1572 : vector<16xi1>, vector<16xf32>
      %select_n3A_1587 = arith.select %gt3A_1584, %select_n3A_1575, %select_n3A_1586 : vector<16xi1>, vector<16xf32>
      %select_n3A_1588 = arith.select %gt3A_1585, %broadcast_in_dim3A_1583, %select_n3A_1574 : vector<16xi1>, vector<16xi32>
      %select_n3A_1589 = arith.select %gt3A_1584, %select_n3A_1576, %select_n3A_1588 : vector<16xi1>, vector<16xi32>
      %select_n3A_1590 = arith.select %gt3A_1584, %get3A_1581, %select_n3A_1575 : vector<16xi1>, vector<16xf32>
      %select_n3A_1591 = arith.select %gt3A_1584, %broadcast_in_dim3A_1583, %select_n3A_1576 : vector<16xi1>, vector<16xi32>
      %get3A_1592 = arith.constant 40 : i32
      %get3A_1593 = arith.index_cast %get3A_1592 : i32 to index
      %get3A_1594 = arith.index_cast %mul3A_995 : i32 to index
      %get3A_1595 = tpu.vector_load %arg5[%get3A_1593, %get3A_1594] {strides = array<i32>} : memref<64x256xf32, #tpu.memory_space<vmem>>, vector<1x16xf32>,
      %get3A_1596 = vector.shape_cast %get3A_1595 : vector<1x16xf32> to vector<16xf32>
      %broadcast_in_dim3A_1597 = arith.constant 40 : i32
      %broadcast_in_dim3A_1598 = vector.broadcast %broadcast_in_dim3A_1597 : i32 to vector<16xi32>
      %gt3A_1599 = arith.cmpf ogt, %get3A_1596, %select_n3A_1590 : vector<16xf32>
      %gt3A_1600 = arith.cmpf ogt, %get3A_1596, %select_n3A_1587 : vector<16xf32>
      %select_n3A_1601 = arith.select %gt3A_1600, %get3A_1596, %select_n3A_1587 : vector<16xi1>, vector<16xf32>
      %select_n3A_1602 = arith.select %gt3A_1599, %select_n3A_1590, %select_n3A_1601 : vector<16xi1>, vector<16xf32>
      %select_n3A_1603 = arith.select %gt3A_1600, %broadcast_in_dim3A_1598, %select_n3A_1589 : vector<16xi1>, vector<16xi32>
      %select_n3A_1604 = arith.select %gt3A_1599, %select_n3A_1591, %select_n3A_1603 : vector<16xi1>, vector<16xi32>
      %select_n3A_1605 = arith.select %gt3A_1599, %get3A_1596, %select_n3A_1590 : vector<16xi1>, vector<16xf32>
      %select_n3A_1606 = arith.select %gt3A_1599, %broadcast_in_dim3A_1598, %select_n3A_1591 : vector<16xi1>, vector<16xi32>
      %get3A_1607 = arith.constant 41 : i32
      %get3A_1608 = arith.index_cast %get3A_1607 : i32 to index
      %get3A_1609 = arith.index_cast %mul3A_995 : i32 to index
      %get3A_1610 = tpu.vector_load %arg5[%get3A_1608, %get3A_1609] {strides = array<i32>} : memref<64x256xf32, #tpu.memory_space<vmem>>, vector<1x16xf32>,
      %get3A_1611 = vector.shape_cast %get3A_1610 : vector<1x16xf32> to vector<16xf32>
      %broadcast_in_dim3A_1612 = arith.constant 41 : i32
      %broadcast_in_dim3A_1613 = vector.broadcast %broadcast_in_dim3A_1612 : i32 to vector<16xi32>
      %gt3A_1614 = arith.cmpf ogt, %get3A_1611, %select_n3A_1605 : vector<16xf32>
      %gt3A_1615 = arith.cmpf ogt, %get3A_1611, %select_n3A_1602 : vector<16xf32>
      %select_n3A_1616 = arith.select %gt3A_1615, %get3A_1611, %select_n3A_1602 : vector<16xi1>, vector<16xf32>
      %select_n3A_1617 = arith.select %gt3A_1614, %select_n3A_1605, %select_n3A_1616 : vector<16xi1>, vector<16xf32>
      %select_n3A_1618 = arith.select %gt3A_1615, %broadcast_in_dim3A_1613, %select_n3A_1604 : vector<16xi1>, vector<16xi32>
      %select_n3A_1619 = arith.select %gt3A_1614, %select_n3A_1606, %select_n3A_1618 : vector<16xi1>, vector<16xi32>
      %select_n3A_1620 = arith.select %gt3A_1614, %get3A_1611, %select_n3A_1605 : vector<16xi1>, vector<16xf32>
      %select_n3A_1621 = arith.select %gt3A_1614, %broadcast_in_dim3A_1613, %select_n3A_1606 : vector<16xi1>, vector<16xi32>
      %get3A_1622 = arith.constant 42 : i32
      %get3A_1623 = arith.index_cast %get3A_1622 : i32 to index
      %get3A_1624 = arith.index_cast %mul3A_995 : i32 to index
      %get3A_1625 = tpu.vector_load %arg5[%get3A_1623, %get3A_1624] {strides = array<i32>} : memref<64x256xf32, #tpu.memory_space<vmem>>, vector<1x16xf32>,
      %get3A_1626 = vector.shape_cast %get3A_1625 : vector<1x16xf32> to vector<16xf32>
      %broadcast_in_dim3A_1627 = arith.constant 42 : i32
      %broadcast_in_dim3A_1628 = vector.broadcast %broadcast_in_dim3A_1627 : i32 to vector<16xi32>
      %gt3A_1629 = arith.cmpf ogt, %get3A_1626, %select_n3A_1620 : vector<16xf32>
      %gt3A_1630 = arith.cmpf ogt, %get3A_1626, %select_n3A_1617 : vector<16xf32>
      %select_n3A_1631 = arith.select %gt3A_1630, %get3A_1626, %select_n3A_1617 : vector<16xi1>, vector<16xf32>
      %select_n3A_1632 = arith.select %gt3A_1629, %select_n3A_1620, %select_n3A_1631 : vector<16xi1>, vector<16xf32>
      %select_n3A_1633 = arith.select %gt3A_1630, %broadcast_in_dim3A_1628, %select_n3A_1619 : vector<16xi1>, vector<16xi32>
      %select_n3A_1634 = arith.select %gt3A_1629, %select_n3A_1621, %select_n3A_1633 : vector<16xi1>, vector<16xi32>
      %select_n3A_1635 = arith.select %gt3A_1629, %get3A_1626, %select_n3A_1620 : vector<16xi1>, vector<16xf32>
      %select_n3A_1636 = arith.select %gt3A_1629, %broadcast_in_dim3A_1628, %select_n3A_1621 : vector<16xi1>, vector<16xi32>
      %get3A_1637 = arith.constant 43 : i32
      %get3A_1638 = arith.index_cast %get3A_1637 : i32 to index
      %get3A_1639 = arith.index_cast %mul3A_995 : i32 to index
      %get3A_1640 = tpu.vector_load %arg5[%get3A_1638, %get3A_1639] {strides = array<i32>} : memref<64x256xf32, #tpu.memory_space<vmem>>, vector<1x16xf32>,
      %get3A_1641 = vector.shape_cast %get3A_1640 : vector<1x16xf32> to vector<16xf32>
      %broadcast_in_dim3A_1642 = arith.constant 43 : i32
      %broadcast_in_dim3A_1643 = vector.broadcast %broadcast_in_dim3A_1642 : i32 to vector<16xi32>
      %gt3A_1644 = arith.cmpf ogt, %get3A_1641, %select_n3A_1635 : vector<16xf32>
      %gt3A_1645 = arith.cmpf ogt, %get3A_1641, %select_n3A_1632 : vector<16xf32>
      %select_n3A_1646 = arith.select %gt3A_1645, %get3A_1641, %select_n3A_1632 : vector<16xi1>, vector<16xf32>
      %select_n3A_1647 = arith.select %gt3A_1644, %select_n3A_1635, %select_n3A_1646 : vector<16xi1>, vector<16xf32>
      %select_n3A_1648 = arith.select %gt3A_1645, %broadcast_in_dim3A_1643, %select_n3A_1634 : vector<16xi1>, vector<16xi32>
      %select_n3A_1649 = arith.select %gt3A_1644, %select_n3A_1636, %select_n3A_1648 : vector<16xi1>, vector<16xi32>
      %select_n3A_1650 = arith.select %gt3A_1644, %get3A_1641, %select_n3A_1635 : vector<16xi1>, vector<16xf32>
      %select_n3A_1651 = arith.select %gt3A_1644, %broadcast_in_dim3A_1643, %select_n3A_1636 : vector<16xi1>, vector<16xi32>
      %get3A_1652 = arith.constant 44 : i32
      %get3A_1653 = arith.index_cast %get3A_1652 : i32 to index
      %get3A_1654 = arith.index_cast %mul3A_995 : i32 to index
      %get3A_1655 = tpu.vector_load %arg5[%get3A_1653, %get3A_1654] {strides = array<i32>} : memref<64x256xf32, #tpu.memory_space<vmem>>, vector<1x16xf32>,
      %get3A_1656 = vector.shape_cast %get3A_1655 : vector<1x16xf32> to vector<16xf32>
      %broadcast_in_dim3A_1657 = arith.constant 44 : i32
      %broadcast_in_dim3A_1658 = vector.broadcast %broadcast_in_dim3A_1657 : i32 to vector<16xi32>
      %gt3A_1659 = arith.cmpf ogt, %get3A_1656, %select_n3A_1650 : vector<16xf32>
      %gt3A_1660 = arith.cmpf ogt, %get3A_1656, %select_n3A_1647 : vector<16xf32>
      %select_n3A_1661 = arith.select %gt3A_1660, %get3A_1656, %select_n3A_1647 : vector<16xi1>, vector<16xf32>
      %select_n3A_1662 = arith.select %gt3A_1659, %select_n3A_1650, %select_n3A_1661 : vector<16xi1>, vector<16xf32>
      %select_n3A_1663 = arith.select %gt3A_1660, %broadcast_in_dim3A_1658, %select_n3A_1649 : vector<16xi1>, vector<16xi32>
      %select_n3A_1664 = arith.select %gt3A_1659, %select_n3A_1651, %select_n3A_1663 : vector<16xi1>, vector<16xi32>
      %select_n3A_1665 = arith.select %gt3A_1659, %get3A_1656, %select_n3A_1650 : vector<16xi1>, vector<16xf32>
      %select_n3A_1666 = arith.select %gt3A_1659, %broadcast_in_dim3A_1658, %select_n3A_1651 : vector<16xi1>, vector<16xi32>
      %get3A_1667 = arith.constant 45 : i32
      %get3A_1668 = arith.index_cast %get3A_1667 : i32 to index
      %get3A_1669 = arith.index_cast %mul3A_995 : i32 to index
      %get3A_1670 = tpu.vector_load %arg5[%get3A_1668, %get3A_1669] {strides = array<i32>} : memref<64x256xf32, #tpu.memory_space<vmem>>, vector<1x16xf32>,
      %get3A_1671 = vector.shape_cast %get3A_1670 : vector<1x16xf32> to vector<16xf32>
      %broadcast_in_dim3A_1672 = arith.constant 45 : i32
      %broadcast_in_dim3A_1673 = vector.broadcast %broadcast_in_dim3A_1672 : i32 to vector<16xi32>
      %gt3A_1674 = arith.cmpf ogt, %get3A_1671, %select_n3A_1665 : vector<16xf32>
      %gt3A_1675 = arith.cmpf ogt, %get3A_1671, %select_n3A_1662 : vector<16xf32>
      %select_n3A_1676 = arith.select %gt3A_1675, %get3A_1671, %select_n3A_1662 : vector<16xi1>, vector<16xf32>
      %select_n3A_1677 = arith.select %gt3A_1674, %select_n3A_1665, %select_n3A_1676 : vector<16xi1>, vector<16xf32>
      %select_n3A_1678 = arith.select %gt3A_1675, %broadcast_in_dim3A_1673, %select_n3A_1664 : vector<16xi1>, vector<16xi32>
      %select_n3A_1679 = arith.select %gt3A_1674, %select_n3A_1666, %select_n3A_1678 : vector<16xi1>, vector<16xi32>
      %select_n3A_1680 = arith.select %gt3A_1674, %get3A_1671, %select_n3A_1665 : vector<16xi1>, vector<16xf32>
      %select_n3A_1681 = arith.select %gt3A_1674, %broadcast_in_dim3A_1673, %select_n3A_1666 : vector<16xi1>, vector<16xi32>
      %get3A_1682 = arith.constant 46 : i32
      %get3A_1683 = arith.index_cast %get3A_1682 : i32 to index
      %get3A_1684 = arith.index_cast %mul3A_995 : i32 to index
      %get3A_1685 = tpu.vector_load %arg5[%get3A_1683, %get3A_1684] {strides = array<i32>} : memref<64x256xf32, #tpu.memory_space<vmem>>, vector<1x16xf32>,
      %get3A_1686 = vector.shape_cast %get3A_1685 : vector<1x16xf32> to vector<16xf32>
      %broadcast_in_dim3A_1687 = arith.constant 46 : i32
      %broadcast_in_dim3A_1688 = vector.broadcast %broadcast_in_dim3A_1687 : i32 to vector<16xi32>
      %gt3A_1689 = arith.cmpf ogt, %get3A_1686, %select_n3A_1680 : vector<16xf32>
      %gt3A_1690 = arith.cmpf ogt, %get3A_1686, %select_n3A_1677 : vector<16xf32>
      %select_n3A_1691 = arith.select %gt3A_1690, %get3A_1686, %select_n3A_1677 : vector<16xi1>, vector<16xf32>
      %select_n3A_1692 = arith.select %gt3A_1689, %select_n3A_1680, %select_n3A_1691 : vector<16xi1>, vector<16xf32>
      %select_n3A_1693 = arith.select %gt3A_1690, %broadcast_in_dim3A_1688, %select_n3A_1679 : vector<16xi1>, vector<16xi32>
      %select_n3A_1694 = arith.select %gt3A_1689, %select_n3A_1681, %select_n3A_1693 : vector<16xi1>, vector<16xi32>
      %select_n3A_1695 = arith.select %gt3A_1689, %get3A_1686, %select_n3A_1680 : vector<16xi1>, vector<16xf32>
      %select_n3A_1696 = arith.select %gt3A_1689, %broadcast_in_dim3A_1688, %select_n3A_1681 : vector<16xi1>, vector<16xi32>
      %get3A_1697 = arith.constant 47 : i32
      %get3A_1698 = arith.index_cast %get3A_1697 : i32 to index
      %get3A_1699 = arith.index_cast %mul3A_995 : i32 to index
      %get3A_1700 = tpu.vector_load %arg5[%get3A_1698, %get3A_1699] {strides = array<i32>} : memref<64x256xf32, #tpu.memory_space<vmem>>, vector<1x16xf32>,
      %get3A_1701 = vector.shape_cast %get3A_1700 : vector<1x16xf32> to vector<16xf32>
      %broadcast_in_dim3A_1702 = arith.constant 47 : i32
      %broadcast_in_dim3A_1703 = vector.broadcast %broadcast_in_dim3A_1702 : i32 to vector<16xi32>
      %gt3A_1704 = arith.cmpf ogt, %get3A_1701, %select_n3A_1695 : vector<16xf32>
      %gt3A_1705 = arith.cmpf ogt, %get3A_1701, %select_n3A_1692 : vector<16xf32>
      %select_n3A_1706 = arith.select %gt3A_1705, %get3A_1701, %select_n3A_1692 : vector<16xi1>, vector<16xf32>
      %select_n3A_1707 = arith.select %gt3A_1704, %select_n3A_1695, %select_n3A_1706 : vector<16xi1>, vector<16xf32>
      %select_n3A_1708 = arith.select %gt3A_1705, %broadcast_in_dim3A_1703, %select_n3A_1694 : vector<16xi1>, vector<16xi32>
      %select_n3A_1709 = arith.select %gt3A_1704, %select_n3A_1696, %select_n3A_1708 : vector<16xi1>, vector<16xi32>
      %select_n3A_1710 = arith.select %gt3A_1704, %get3A_1701, %select_n3A_1695 : vector<16xi1>, vector<16xf32>
      %select_n3A_1711 = arith.select %gt3A_1704, %broadcast_in_dim3A_1703, %select_n3A_1696 : vector<16xi1>, vector<16xi32>
      %get3A_1712 = arith.constant 48 : i32
      %get3A_1713 = arith.index_cast %get3A_1712 : i32 to index
      %get3A_1714 = arith.index_cast %mul3A_995 : i32 to index
      %get3A_1715 = tpu.vector_load %arg5[%get3A_1713, %get3A_1714] {strides = array<i32>} : memref<64x256xf32, #tpu.memory_space<vmem>>, vector<1x16xf32>,
      %get3A_1716 = vector.shape_cast %get3A_1715 : vector<1x16xf32> to vector<16xf32>
      %broadcast_in_dim3A_1717 = arith.constant 48 : i32
      %broadcast_in_dim3A_1718 = vector.broadcast %broadcast_in_dim3A_1717 : i32 to vector<16xi32>
      %gt3A_1719 = arith.cmpf ogt, %get3A_1716, %select_n3A_1710 : vector<16xf32>
      %gt3A_1720 = arith.cmpf ogt, %get3A_1716, %select_n3A_1707 : vector<16xf32>
      %select_n3A_1721 = arith.select %gt3A_1720, %get3A_1716, %select_n3A_1707 : vector<16xi1>, vector<16xf32>
      %select_n3A_1722 = arith.select %gt3A_1719, %select_n3A_1710, %select_n3A_1721 : vector<16xi1>, vector<16xf32>
      %select_n3A_1723 = arith.select %gt3A_1720, %broadcast_in_dim3A_1718, %select_n3A_1709 : vector<16xi1>, vector<16xi32>
      %select_n3A_1724 = arith.select %gt3A_1719, %select_n3A_1711, %select_n3A_1723 : vector<16xi1>, vector<16xi32>
      %select_n3A_1725 = arith.select %gt3A_1719, %get3A_1716, %select_n3A_1710 : vector<16xi1>, vector<16xf32>
      %select_n3A_1726 = arith.select %gt3A_1719, %broadcast_in_dim3A_1718, %select_n3A_1711 : vector<16xi1>, vector<16xi32>
      %get3A_1727 = arith.constant 49 : i32
      %get3A_1728 = arith.index_cast %get3A_1727 : i32 to index
      %get3A_1729 = arith.index_cast %mul3A_995 : i32 to index
      %get3A_1730 = tpu.vector_load %arg5[%get3A_1728, %get3A_1729] {strides = array<i32>} : memref<64x256xf32, #tpu.memory_space<vmem>>, vector<1x16xf32>,
      %get3A_1731 = vector.shape_cast %get3A_1730 : vector<1x16xf32> to vector<16xf32>
      %broadcast_in_dim3A_1732 = arith.constant 49 : i32
      %broadcast_in_dim3A_1733 = vector.broadcast %broadcast_in_dim3A_1732 : i32 to vector<16xi32>
      %gt3A_1734 = arith.cmpf ogt, %get3A_1731, %select_n3A_1725 : vector<16xf32>
      %gt3A_1735 = arith.cmpf ogt, %get3A_1731, %select_n3A_1722 : vector<16xf32>
      %select_n3A_1736 = arith.select %gt3A_1735, %get3A_1731, %select_n3A_1722 : vector<16xi1>, vector<16xf32>
      %select_n3A_1737 = arith.select %gt3A_1734, %select_n3A_1725, %select_n3A_1736 : vector<16xi1>, vector<16xf32>
      %select_n3A_1738 = arith.select %gt3A_1735, %broadcast_in_dim3A_1733, %select_n3A_1724 : vector<16xi1>, vector<16xi32>
      %select_n3A_1739 = arith.select %gt3A_1734, %select_n3A_1726, %select_n3A_1738 : vector<16xi1>, vector<16xi32>
      %select_n3A_1740 = arith.select %gt3A_1734, %get3A_1731, %select_n3A_1725 : vector<16xi1>, vector<16xf32>
      %select_n3A_1741 = arith.select %gt3A_1734, %broadcast_in_dim3A_1733, %select_n3A_1726 : vector<16xi1>, vector<16xi32>
      %get3A_1742 = arith.constant 50 : i32
      %get3A_1743 = arith.index_cast %get3A_1742 : i32 to index
      %get3A_1744 = arith.index_cast %mul3A_995 : i32 to index
      %get3A_1745 = tpu.vector_load %arg5[%get3A_1743, %get3A_1744] {strides = array<i32>} : memref<64x256xf32, #tpu.memory_space<vmem>>, vector<1x16xf32>,
      %get3A_1746 = vector.shape_cast %get3A_1745 : vector<1x16xf32> to vector<16xf32>
      %broadcast_in_dim3A_1747 = arith.constant 50 : i32
      %broadcast_in_dim3A_1748 = vector.broadcast %broadcast_in_dim3A_1747 : i32 to vector<16xi32>
      %gt3A_1749 = arith.cmpf ogt, %get3A_1746, %select_n3A_1740 : vector<16xf32>
      %gt3A_1750 = arith.cmpf ogt, %get3A_1746, %select_n3A_1737 : vector<16xf32>
      %select_n3A_1751 = arith.select %gt3A_1750, %get3A_1746, %select_n3A_1737 : vector<16xi1>, vector<16xf32>
      %select_n3A_1752 = arith.select %gt3A_1749, %select_n3A_1740, %select_n3A_1751 : vector<16xi1>, vector<16xf32>
      %select_n3A_1753 = arith.select %gt3A_1750, %broadcast_in_dim3A_1748, %select_n3A_1739 : vector<16xi1>, vector<16xi32>
      %select_n3A_1754 = arith.select %gt3A_1749, %select_n3A_1741, %select_n3A_1753 : vector<16xi1>, vector<16xi32>
      %select_n3A_1755 = arith.select %gt3A_1749, %get3A_1746, %select_n3A_1740 : vector<16xi1>, vector<16xf32>
      %select_n3A_1756 = arith.select %gt3A_1749, %broadcast_in_dim3A_1748, %select_n3A_1741 : vector<16xi1>, vector<16xi32>
      %get3A_1757 = arith.constant 51 : i32
      %get3A_1758 = arith.index_cast %get3A_1757 : i32 to index
      %get3A_1759 = arith.index_cast %mul3A_995 : i32 to index
      %get3A_1760 = tpu.vector_load %arg5[%get3A_1758, %get3A_1759] {strides = array<i32>} : memref<64x256xf32, #tpu.memory_space<vmem>>, vector<1x16xf32>,
      %get3A_1761 = vector.shape_cast %get3A_1760 : vector<1x16xf32> to vector<16xf32>
      %broadcast_in_dim3A_1762 = arith.constant 51 : i32
      %broadcast_in_dim3A_1763 = vector.broadcast %broadcast_in_dim3A_1762 : i32 to vector<16xi32>
      %gt3A_1764 = arith.cmpf ogt, %get3A_1761, %select_n3A_1755 : vector<16xf32>
      %gt3A_1765 = arith.cmpf ogt, %get3A_1761, %select_n3A_1752 : vector<16xf32>
      %select_n3A_1766 = arith.select %gt3A_1765, %get3A_1761, %select_n3A_1752 : vector<16xi1>, vector<16xf32>
      %select_n3A_1767 = arith.select %gt3A_1764, %select_n3A_1755, %select_n3A_1766 : vector<16xi1>, vector<16xf32>
      %select_n3A_1768 = arith.select %gt3A_1765, %broadcast_in_dim3A_1763, %select_n3A_1754 : vector<16xi1>, vector<16xi32>
      %select_n3A_1769 = arith.select %gt3A_1764, %select_n3A_1756, %select_n3A_1768 : vector<16xi1>, vector<16xi32>
      %select_n3A_1770 = arith.select %gt3A_1764, %get3A_1761, %select_n3A_1755 : vector<16xi1>, vector<16xf32>
      %select_n3A_1771 = arith.select %gt3A_1764, %broadcast_in_dim3A_1763, %select_n3A_1756 : vector<16xi1>, vector<16xi32>
      %get3A_1772 = arith.constant 52 : i32
      %get3A_1773 = arith.index_cast %get3A_1772 : i32 to index
      %get3A_1774 = arith.index_cast %mul3A_995 : i32 to index
      %get3A_1775 = tpu.vector_load %arg5[%get3A_1773, %get3A_1774] {strides = array<i32>} : memref<64x256xf32, #tpu.memory_space<vmem>>, vector<1x16xf32>,
      %get3A_1776 = vector.shape_cast %get3A_1775 : vector<1x16xf32> to vector<16xf32>
      %broadcast_in_dim3A_1777 = arith.constant 52 : i32
      %broadcast_in_dim3A_1778 = vector.broadcast %broadcast_in_dim3A_1777 : i32 to vector<16xi32>
      %gt3A_1779 = arith.cmpf ogt, %get3A_1776, %select_n3A_1770 : vector<16xf32>
      %gt3A_1780 = arith.cmpf ogt, %get3A_1776, %select_n3A_1767 : vector<16xf32>
      %select_n3A_1781 = arith.select %gt3A_1780, %get3A_1776, %select_n3A_1767 : vector<16xi1>, vector<16xf32>
      %select_n3A_1782 = arith.select %gt3A_1779, %select_n3A_1770, %select_n3A_1781 : vector<16xi1>, vector<16xf32>
      %select_n3A_1783 = arith.select %gt3A_1780, %broadcast_in_dim3A_1778, %select_n3A_1769 : vector<16xi1>, vector<16xi32>
      %select_n3A_1784 = arith.select %gt3A_1779, %select_n3A_1771, %select_n3A_1783 : vector<16xi1>, vector<16xi32>
      %select_n3A_1785 = arith.select %gt3A_1779, %get3A_1776, %select_n3A_1770 : vector<16xi1>, vector<16xf32>
      %select_n3A_1786 = arith.select %gt3A_1779, %broadcast_in_dim3A_1778, %select_n3A_1771 : vector<16xi1>, vector<16xi32>
      %get3A_1787 = arith.constant 53 : i32
      %get3A_1788 = arith.index_cast %get3A_1787 : i32 to index
      %get3A_1789 = arith.index_cast %mul3A_995 : i32 to index
      %get3A_1790 = tpu.vector_load %arg5[%get3A_1788, %get3A_1789] {strides = array<i32>} : memref<64x256xf32, #tpu.memory_space<vmem>>, vector<1x16xf32>,
      %get3A_1791 = vector.shape_cast %get3A_1790 : vector<1x16xf32> to vector<16xf32>
      %broadcast_in_dim3A_1792 = arith.constant 53 : i32
      %broadcast_in_dim3A_1793 = vector.broadcast %broadcast_in_dim3A_1792 : i32 to vector<16xi32>
      %gt3A_1794 = arith.cmpf ogt, %get3A_1791, %select_n3A_1785 : vector<16xf32>
      %gt3A_1795 = arith.cmpf ogt, %get3A_1791, %select_n3A_1782 : vector<16xf32>
      %select_n3A_1796 = arith.select %gt3A_1795, %get3A_1791, %select_n3A_1782 : vector<16xi1>, vector<16xf32>
      %select_n3A_1797 = arith.select %gt3A_1794, %select_n3A_1785, %select_n3A_1796 : vector<16xi1>, vector<16xf32>
      %select_n3A_1798 = arith.select %gt3A_1795, %broadcast_in_dim3A_1793, %select_n3A_1784 : vector<16xi1>, vector<16xi32>
      %select_n3A_1799 = arith.select %gt3A_1794, %select_n3A_1786, %select_n3A_1798 : vector<16xi1>, vector<16xi32>
      %select_n3A_1800 = arith.select %gt3A_1794, %get3A_1791, %select_n3A_1785 : vector<16xi1>, vector<16xf32>
      %select_n3A_1801 = arith.select %gt3A_1794, %broadcast_in_dim3A_1793, %select_n3A_1786 : vector<16xi1>, vector<16xi32>
      %get3A_1802 = arith.constant 54 : i32
      %get3A_1803 = arith.index_cast %get3A_1802 : i32 to index
      %get3A_1804 = arith.index_cast %mul3A_995 : i32 to index
      %get3A_1805 = tpu.vector_load %arg5[%get3A_1803, %get3A_1804] {strides = array<i32>} : memref<64x256xf32, #tpu.memory_space<vmem>>, vector<1x16xf32>,
      %get3A_1806 = vector.shape_cast %get3A_1805 : vector<1x16xf32> to vector<16xf32>
      %broadcast_in_dim3A_1807 = arith.constant 54 : i32
      %broadcast_in_dim3A_1808 = vector.broadcast %broadcast_in_dim3A_1807 : i32 to vector<16xi32>
      %gt3A_1809 = arith.cmpf ogt, %get3A_1806, %select_n3A_1800 : vector<16xf32>
      %gt3A_1810 = arith.cmpf ogt, %get3A_1806, %select_n3A_1797 : vector<16xf32>
      %select_n3A_1811 = arith.select %gt3A_1810, %get3A_1806, %select_n3A_1797 : vector<16xi1>, vector<16xf32>
      %select_n3A_1812 = arith.select %gt3A_1809, %select_n3A_1800, %select_n3A_1811 : vector<16xi1>, vector<16xf32>
      %select_n3A_1813 = arith.select %gt3A_1810, %broadcast_in_dim3A_1808, %select_n3A_1799 : vector<16xi1>, vector<16xi32>
      %select_n3A_1814 = arith.select %gt3A_1809, %select_n3A_1801, %select_n3A_1813 : vector<16xi1>, vector<16xi32>
      %select_n3A_1815 = arith.select %gt3A_1809, %get3A_1806, %select_n3A_1800 : vector<16xi1>, vector<16xf32>
      %select_n3A_1816 = arith.select %gt3A_1809, %broadcast_in_dim3A_1808, %select_n3A_1801 : vector<16xi1>, vector<16xi32>
      %get3A_1817 = arith.constant 55 : i32
      %get3A_1818 = arith.index_cast %get3A_1817 : i32 to index
      %get3A_1819 = arith.index_cast %mul3A_995 : i32 to index
      %get3A_1820 = tpu.vector_load %arg5[%get3A_1818, %get3A_1819] {strides = array<i32>} : memref<64x256xf32, #tpu.memory_space<vmem>>, vector<1x16xf32>,
      %get3A_1821 = vector.shape_cast %get3A_1820 : vector<1x16xf32> to vector<16xf32>
      %broadcast_in_dim3A_1822 = arith.constant 55 : i32
      %broadcast_in_dim3A_1823 = vector.broadcast %broadcast_in_dim3A_1822 : i32 to vector<16xi32>
      %gt3A_1824 = arith.cmpf ogt, %get3A_1821, %select_n3A_1815 : vector<16xf32>
      %gt3A_1825 = arith.cmpf ogt, %get3A_1821, %select_n3A_1812 : vector<16xf32>
      %select_n3A_1826 = arith.select %gt3A_1825, %get3A_1821, %select_n3A_1812 : vector<16xi1>, vector<16xf32>
      %select_n3A_1827 = arith.select %gt3A_1824, %select_n3A_1815, %select_n3A_1826 : vector<16xi1>, vector<16xf32>
      %select_n3A_1828 = arith.select %gt3A_1825, %broadcast_in_dim3A_1823, %select_n3A_1814 : vector<16xi1>, vector<16xi32>
      %select_n3A_1829 = arith.select %gt3A_1824, %select_n3A_1816, %select_n3A_1828 : vector<16xi1>, vector<16xi32>
      %select_n3A_1830 = arith.select %gt3A_1824, %get3A_1821, %select_n3A_1815 : vector<16xi1>, vector<16xf32>
      %select_n3A_1831 = arith.select %gt3A_1824, %broadcast_in_dim3A_1823, %select_n3A_1816 : vector<16xi1>, vector<16xi32>
      %get3A_1832 = arith.constant 56 : i32
      %get3A_1833 = arith.index_cast %get3A_1832 : i32 to index
      %get3A_1834 = arith.index_cast %mul3A_995 : i32 to index
      %get3A_1835 = tpu.vector_load %arg5[%get3A_1833, %get3A_1834] {strides = array<i32>} : memref<64x256xf32, #tpu.memory_space<vmem>>, vector<1x16xf32>,
      %get3A_1836 = vector.shape_cast %get3A_1835 : vector<1x16xf32> to vector<16xf32>
      %broadcast_in_dim3A_1837 = arith.constant 56 : i32
      %broadcast_in_dim3A_1838 = vector.broadcast %broadcast_in_dim3A_1837 : i32 to vector<16xi32>
      %gt3A_1839 = arith.cmpf ogt, %get3A_1836, %select_n3A_1830 : vector<16xf32>
      %gt3A_1840 = arith.cmpf ogt, %get3A_1836, %select_n3A_1827 : vector<16xf32>
      %select_n3A_1841 = arith.select %gt3A_1840, %get3A_1836, %select_n3A_1827 : vector<16xi1>, vector<16xf32>
      %select_n3A_1842 = arith.select %gt3A_1839, %select_n3A_1830, %select_n3A_1841 : vector<16xi1>, vector<16xf32>
      %select_n3A_1843 = arith.select %gt3A_1840, %broadcast_in_dim3A_1838, %select_n3A_1829 : vector<16xi1>, vector<16xi32>
      %select_n3A_1844 = arith.select %gt3A_1839, %select_n3A_1831, %select_n3A_1843 : vector<16xi1>, vector<16xi32>
      %select_n3A_1845 = arith.select %gt3A_1839, %get3A_1836, %select_n3A_1830 : vector<16xi1>, vector<16xf32>
      %select_n3A_1846 = arith.select %gt3A_1839, %broadcast_in_dim3A_1838, %select_n3A_1831 : vector<16xi1>, vector<16xi32>
      %get3A_1847 = arith.constant 57 : i32
      %get3A_1848 = arith.index_cast %get3A_1847 : i32 to index
      %get3A_1849 = arith.index_cast %mul3A_995 : i32 to index
      %get3A_1850 = tpu.vector_load %arg5[%get3A_1848, %get3A_1849] {strides = array<i32>} : memref<64x256xf32, #tpu.memory_space<vmem>>, vector<1x16xf32>,
      %get3A_1851 = vector.shape_cast %get3A_1850 : vector<1x16xf32> to vector<16xf32>
      %broadcast_in_dim3A_1852 = arith.constant 57 : i32
      %broadcast_in_dim3A_1853 = vector.broadcast %broadcast_in_dim3A_1852 : i32 to vector<16xi32>
      %gt3A_1854 = arith.cmpf ogt, %get3A_1851, %select_n3A_1845 : vector<16xf32>
      %gt3A_1855 = arith.cmpf ogt, %get3A_1851, %select_n3A_1842 : vector<16xf32>
      %select_n3A_1856 = arith.select %gt3A_1855, %get3A_1851, %select_n3A_1842 : vector<16xi1>, vector<16xf32>
      %select_n3A_1857 = arith.select %gt3A_1854, %select_n3A_1845, %select_n3A_1856 : vector<16xi1>, vector<16xf32>
      %select_n3A_1858 = arith.select %gt3A_1855, %broadcast_in_dim3A_1853, %select_n3A_1844 : vector<16xi1>, vector<16xi32>
      %select_n3A_1859 = arith.select %gt3A_1854, %select_n3A_1846, %select_n3A_1858 : vector<16xi1>, vector<16xi32>
      %select_n3A_1860 = arith.select %gt3A_1854, %get3A_1851, %select_n3A_1845 : vector<16xi1>, vector<16xf32>
      %select_n3A_1861 = arith.select %gt3A_1854, %broadcast_in_dim3A_1853, %select_n3A_1846 : vector<16xi1>, vector<16xi32>
      %get3A_1862 = arith.constant 58 : i32
      %get3A_1863 = arith.index_cast %get3A_1862 : i32 to index
      %get3A_1864 = arith.index_cast %mul3A_995 : i32 to index
      %get3A_1865 = tpu.vector_load %arg5[%get3A_1863, %get3A_1864] {strides = array<i32>} : memref<64x256xf32, #tpu.memory_space<vmem>>, vector<1x16xf32>,
      %get3A_1866 = vector.shape_cast %get3A_1865 : vector<1x16xf32> to vector<16xf32>
      %broadcast_in_dim3A_1867 = arith.constant 58 : i32
      %broadcast_in_dim3A_1868 = vector.broadcast %broadcast_in_dim3A_1867 : i32 to vector<16xi32>
      %gt3A_1869 = arith.cmpf ogt, %get3A_1866, %select_n3A_1860 : vector<16xf32>
      %gt3A_1870 = arith.cmpf ogt, %get3A_1866, %select_n3A_1857 : vector<16xf32>
      %select_n3A_1871 = arith.select %gt3A_1870, %get3A_1866, %select_n3A_1857 : vector<16xi1>, vector<16xf32>
      %select_n3A_1872 = arith.select %gt3A_1869, %select_n3A_1860, %select_n3A_1871 : vector<16xi1>, vector<16xf32>
      %select_n3A_1873 = arith.select %gt3A_1870, %broadcast_in_dim3A_1868, %select_n3A_1859 : vector<16xi1>, vector<16xi32>
      %select_n3A_1874 = arith.select %gt3A_1869, %select_n3A_1861, %select_n3A_1873 : vector<16xi1>, vector<16xi32>
      %select_n3A_1875 = arith.select %gt3A_1869, %get3A_1866, %select_n3A_1860 : vector<16xi1>, vector<16xf32>
      %select_n3A_1876 = arith.select %gt3A_1869, %broadcast_in_dim3A_1868, %select_n3A_1861 : vector<16xi1>, vector<16xi32>
      %get3A_1877 = arith.constant 59 : i32
      %get3A_1878 = arith.index_cast %get3A_1877 : i32 to index
      %get3A_1879 = arith.index_cast %mul3A_995 : i32 to index
      %get3A_1880 = tpu.vector_load %arg5[%get3A_1878, %get3A_1879] {strides = array<i32>} : memref<64x256xf32, #tpu.memory_space<vmem>>, vector<1x16xf32>,
      %get3A_1881 = vector.shape_cast %get3A_1880 : vector<1x16xf32> to vector<16xf32>
      %broadcast_in_dim3A_1882 = arith.constant 59 : i32
      %broadcast_in_dim3A_1883 = vector.broadcast %broadcast_in_dim3A_1882 : i32 to vector<16xi32>
      %gt3A_1884 = arith.cmpf ogt, %get3A_1881, %select_n3A_1875 : vector<16xf32>
      %gt3A_1885 = arith.cmpf ogt, %get3A_1881, %select_n3A_1872 : vector<16xf32>
      %select_n3A_1886 = arith.select %gt3A_1885, %get3A_1881, %select_n3A_1872 : vector<16xi1>, vector<16xf32>
      %select_n3A_1887 = arith.select %gt3A_1884, %select_n3A_1875, %select_n3A_1886 : vector<16xi1>, vector<16xf32>
      %select_n3A_1888 = arith.select %gt3A_1885, %broadcast_in_dim3A_1883, %select_n3A_1874 : vector<16xi1>, vector<16xi32>
      %select_n3A_1889 = arith.select %gt3A_1884, %select_n3A_1876, %select_n3A_1888 : vector<16xi1>, vector<16xi32>
      %select_n3A_1890 = arith.select %gt3A_1884, %get3A_1881, %select_n3A_1875 : vector<16xi1>, vector<16xf32>
      %select_n3A_1891 = arith.select %gt3A_1884, %broadcast_in_dim3A_1883, %select_n3A_1876 : vector<16xi1>, vector<16xi32>
      %get3A_1892 = arith.constant 60 : i32
      %get3A_1893 = arith.index_cast %get3A_1892 : i32 to index
      %get3A_1894 = arith.index_cast %mul3A_995 : i32 to index
      %get3A_1895 = tpu.vector_load %arg5[%get3A_1893, %get3A_1894] {strides = array<i32>} : memref<64x256xf32, #tpu.memory_space<vmem>>, vector<1x16xf32>,
      %get3A_1896 = vector.shape_cast %get3A_1895 : vector<1x16xf32> to vector<16xf32>
      %broadcast_in_dim3A_1897 = arith.constant 60 : i32
      %broadcast_in_dim3A_1898 = vector.broadcast %broadcast_in_dim3A_1897 : i32 to vector<16xi32>
      %gt3A_1899 = arith.cmpf ogt, %get3A_1896, %select_n3A_1890 : vector<16xf32>
      %gt3A_1900 = arith.cmpf ogt, %get3A_1896, %select_n3A_1887 : vector<16xf32>
      %select_n3A_1901 = arith.select %gt3A_1900, %get3A_1896, %select_n3A_1887 : vector<16xi1>, vector<16xf32>
      %select_n3A_1902 = arith.select %gt3A_1899, %select_n3A_1890, %select_n3A_1901 : vector<16xi1>, vector<16xf32>
      %select_n3A_1903 = arith.select %gt3A_1900, %broadcast_in_dim3A_1898, %select_n3A_1889 : vector<16xi1>, vector<16xi32>
      %select_n3A_1904 = arith.select %gt3A_1899, %select_n3A_1891, %select_n3A_1903 : vector<16xi1>, vector<16xi32>
      %select_n3A_1905 = arith.select %gt3A_1899, %get3A_1896, %select_n3A_1890 : vector<16xi1>, vector<16xf32>
      %select_n3A_1906 = arith.select %gt3A_1899, %broadcast_in_dim3A_1898, %select_n3A_1891 : vector<16xi1>, vector<16xi32>
      %get3A_1907 = arith.constant 61 : i32
      %get3A_1908 = arith.index_cast %get3A_1907 : i32 to index
      %get3A_1909 = arith.index_cast %mul3A_995 : i32 to index
      %get3A_1910 = tpu.vector_load %arg5[%get3A_1908, %get3A_1909] {strides = array<i32>} : memref<64x256xf32, #tpu.memory_space<vmem>>, vector<1x16xf32>,
      %get3A_1911 = vector.shape_cast %get3A_1910 : vector<1x16xf32> to vector<16xf32>
      %broadcast_in_dim3A_1912 = arith.constant 61 : i32
      %broadcast_in_dim3A_1913 = vector.broadcast %broadcast_in_dim3A_1912 : i32 to vector<16xi32>
      %gt3A_1914 = arith.cmpf ogt, %get3A_1911, %select_n3A_1905 : vector<16xf32>
      %gt3A_1915 = arith.cmpf ogt, %get3A_1911, %select_n3A_1902 : vector<16xf32>
      %select_n3A_1916 = arith.select %gt3A_1915, %get3A_1911, %select_n3A_1902 : vector<16xi1>, vector<16xf32>
      %select_n3A_1917 = arith.select %gt3A_1914, %select_n3A_1905, %select_n3A_1916 : vector<16xi1>, vector<16xf32>
      %select_n3A_1918 = arith.select %gt3A_1915, %broadcast_in_dim3A_1913, %select_n3A_1904 : vector<16xi1>, vector<16xi32>
      %select_n3A_1919 = arith.select %gt3A_1914, %select_n3A_1906, %select_n3A_1918 : vector<16xi1>, vector<16xi32>
      %select_n3A_1920 = arith.select %gt3A_1914, %get3A_1911, %select_n3A_1905 : vector<16xi1>, vector<16xf32>
      %select_n3A_1921 = arith.select %gt3A_1914, %broadcast_in_dim3A_1913, %select_n3A_1906 : vector<16xi1>, vector<16xi32>
      %get3A_1922 = arith.constant 62 : i32
      %get3A_1923 = arith.index_cast %get3A_1922 : i32 to index
      %get3A_1924 = arith.index_cast %mul3A_995 : i32 to index
      %get3A_1925 = tpu.vector_load %arg5[%get3A_1923, %get3A_1924] {strides = array<i32>} : memref<64x256xf32, #tpu.memory_space<vmem>>, vector<1x16xf32>,
      %get3A_1926 = vector.shape_cast %get3A_1925 : vector<1x16xf32> to vector<16xf32>
      %broadcast_in_dim3A_1927 = arith.constant 62 : i32
      %broadcast_in_dim3A_1928 = vector.broadcast %broadcast_in_dim3A_1927 : i32 to vector<16xi32>
      %gt3A_1929 = arith.cmpf ogt, %get3A_1926, %select_n3A_1920 : vector<16xf32>
      %gt3A_1930 = arith.cmpf ogt, %get3A_1926, %select_n3A_1917 : vector<16xf32>
      %select_n3A_1931 = arith.select %gt3A_1930, %get3A_1926, %select_n3A_1917 : vector<16xi1>, vector<16xf32>
      %select_n3A_1932 = arith.select %gt3A_1929, %select_n3A_1920, %select_n3A_1931 : vector<16xi1>, vector<16xf32>
      %select_n3A_1933 = arith.select %gt3A_1930, %broadcast_in_dim3A_1928, %select_n3A_1919 : vector<16xi1>, vector<16xi32>
      %select_n3A_1934 = arith.select %gt3A_1929, %select_n3A_1921, %select_n3A_1933 : vector<16xi1>, vector<16xi32>
      %select_n3A_1935 = arith.select %gt3A_1929, %get3A_1926, %select_n3A_1920 : vector<16xi1>, vector<16xf32>
      %select_n3A_1936 = arith.select %gt3A_1929, %broadcast_in_dim3A_1928, %select_n3A_1921 : vector<16xi1>, vector<16xi32>
      %get3A_1937 = arith.constant 63 : i32
      %get3A_1938 = arith.index_cast %get3A_1937 : i32 to index
      %get3A_1939 = arith.index_cast %mul3A_995 : i32 to index
      %get3A_1940 = tpu.vector_load %arg5[%get3A_1938, %get3A_1939] {strides = array<i32>} : memref<64x256xf32, #tpu.memory_space<vmem>>, vector<1x16xf32>,
      %get3A_1941 = vector.shape_cast %get3A_1940 : vector<1x16xf32> to vector<16xf32>
      %broadcast_in_dim3A_1942 = arith.constant 63 : i32
      %broadcast_in_dim3A_1943 = vector.broadcast %broadcast_in_dim3A_1942 : i32 to vector<16xi32>
      %gt3A_1944 = arith.cmpf ogt, %get3A_1941, %select_n3A_1935 : vector<16xf32>
      %gt3A_1945 = arith.cmpf ogt, %get3A_1941, %select_n3A_1932 : vector<16xf32>
      %select_n3A_1946 = arith.select %gt3A_1945, %get3A_1941, %select_n3A_1932 : vector<16xi1>, vector<16xf32>
      %select_n3A_1947 = arith.select %gt3A_1944, %select_n3A_1935, %select_n3A_1946 : vector<16xi1>, vector<16xf32>
      %select_n3A_1948 = arith.select %gt3A_1945, %broadcast_in_dim3A_1943, %select_n3A_1934 : vector<16xi1>, vector<16xi32>
      %select_n3A_1949 = arith.select %gt3A_1944, %select_n3A_1936, %select_n3A_1948 : vector<16xi1>, vector<16xi32>
      %select_n3A_1950 = arith.select %gt3A_1944, %get3A_1941, %select_n3A_1935 : vector<16xi1>, vector<16xf32>
      %select_n3A_1951 = arith.select %gt3A_1944, %broadcast_in_dim3A_1943, %select_n3A_1936 : vector<16xi1>, vector<16xi32>
      %swap3A_1952 = arith.constant 0 : i32
      %swap3A_1953 = arith.index_cast %swap3A_1952 : i32 to index
      %swap3A_1954 = arith.index_cast %mul3A_995 : i32 to index
      %swap3A_1955 = tpu.vector_load %arg6[%swap3A_1953, %swap3A_1954] {strides = array<i32>} : memref<2x256xf32, #tpu.memory_space<vmem>>, vector<1x16xf32>,
      %swap3A_1956 = vector.shape_cast %swap3A_1955 : vector<1x16xf32> to vector<16xf32>
      %swap3A_1957 = vector.shape_cast %select_n3A_1950 : vector<16xf32> to vector<1x16xf32>
      tpu.vector_store %arg6[%swap3A_1953, %swap3A_1954], %swap3A_1957 {strides = array<i32>} : memref<2x256xf32, #tpu.memory_space<vmem>>, vector<1x16xf32>,
      %swap3A_1958 = arith.constant 1 : i32
      %swap3A_1959 = arith.index_cast %swap3A_1958 : i32 to index
      %swap3A_1960 = arith.index_cast %mul3A_995 : i32 to index
      %swap3A_1961 = tpu.vector_load %arg6[%swap3A_1959, %swap3A_1960] {strides = array<i32>} : memref<2x256xf32, #tpu.memory_space<vmem>>, vector<1x16xf32>,
      %swap3A_1962 = vector.shape_cast %swap3A_1961 : vector<1x16xf32> to vector<16xf32>
      %swap3A_1963 = vector.shape_cast %select_n3A_1947 : vector<16xf32> to vector<1x16xf32>
      tpu.vector_store %arg6[%swap3A_1959, %swap3A_1960], %swap3A_1963 {strides = array<i32>} : memref<2x256xf32, #tpu.memory_space<vmem>>, vector<1x16xf32>,
      %swap3A_1964 = arith.constant 0 : i32
      %swap3A_1965 = arith.index_cast %swap3A_1964 : i32 to index
      %swap3A_1966 = arith.index_cast %mul3A_995 : i32 to index
      %swap3A_1967 = tpu.vector_load %arg7[%swap3A_1965, %swap3A_1966] {strides = array<i32>} : memref<2x256xi32, #tpu.memory_space<vmem>>, vector<1x16xi32>,
      %swap3A_1968 = vector.shape_cast %swap3A_1967 : vector<1x16xi32> to vector<16xi32>
      %swap3A_1969 = vector.shape_cast %select_n3A_1951 : vector<16xi32> to vector<1x16xi32>
      tpu.vector_store %arg7[%swap3A_1965, %swap3A_1966], %swap3A_1969 {strides = array<i32>} : memref<2x256xi32, #tpu.memory_space<vmem>>, vector<1x16xi32>,
      %swap3A_1970 = arith.constant 1 : i32
      %swap3A_1971 = arith.index_cast %swap3A_1970 : i32 to index
      %swap3A_1972 = arith.index_cast %mul3A_995 : i32 to index
      %swap3A_1973 = tpu.vector_load %arg7[%swap3A_1971, %swap3A_1972] {strides = array<i32>} : memref<2x256xi32, #tpu.memory_space<vmem>>, vector<1x16xi32>,
      %swap3A_1974 = vector.shape_cast %swap3A_1973 : vector<1x16xi32> to vector<16xi32>
      %swap3A_1975 = vector.shape_cast %select_n3A_1949 : vector<16xi32> to vector<1x16xi32>
      tpu.vector_store %arg7[%swap3A_1971, %swap3A_1972], %swap3A_1975 {strides = array<i32>} : memref<2x256xi32, #tpu.memory_space<vmem>>, vector<1x16xi32>,
    }
    %scan3A_7 = arith.constant 8 : i32
    "tpu.region"() ({
      %run_scoped3A = tpu.sem_alloc : memref<!tpu.dma_semaphore, #tpu.memory_space<semaphore_mem>>
      %dma_start3A = arith.constant 0 : i32
      %dma_start3A_8 = tpu.memref_slice %arg3[%dma_start3A, %mul3A_2] : memref<2x8192xf32, #tpu.memory_space<hbm>> -> memref<2x256xf32, #tpu.memory_space<hbm>>
      %dma_start3A_9 = arith.constant 0 : i32
      %dma_start3A_10 = tpu.memref_slice %arg3[%dma_start3A_9, %mul3A_2] : memref<2x8192xf32, #tpu.memory_space<hbm>> -> memref<2x256xf32, #tpu.memory_space<hbm>>
      tpu.enqueue_dma source(%arg6 : memref<2x256xf32, #tpu.memory_space<vmem>>) target(%dma_start3A_10 : memref<2x256xf32, #tpu.memory_space<hbm>>) target_semaphore(%run_scoped3A : memref<!tpu.dma_semaphore, #tpu.memory_space<semaphore_mem>>)
      %dma_wait3A = arith.constant 0 : i32
      %dma_wait3A_11 = tpu.memref_slice %arg3[%dma_wait3A, %mul3A_2] : memref<2x8192xf32, #tpu.memory_space<hbm>> -> memref<2x256xf32, #tpu.memory_space<hbm>>
      %dma_wait3A_12 = arith.constant 0 : i32
      %dma_wait3A_13 = tpu.memref_slice %arg3[%dma_wait3A_12, %mul3A_2] : memref<2x8192xf32, #tpu.memory_space<hbm>> -> memref<2x256xf32, #tpu.memory_space<hbm>>
      tpu.wait_dma2 semaphore(%run_scoped3A : memref<!tpu.dma_semaphore, #tpu.memory_space<semaphore_mem>>) src(%arg6 : memref<2x256xf32, #tpu.memory_space<vmem>>) dst(%dma_wait3A_13 : memref<2x256xf32, #tpu.memory_space<hbm>>)
      tpu.yield
    }) : () -> ()
    "tpu.region"() ({
      %run_scoped3A = tpu.sem_alloc : memref<!tpu.dma_semaphore, #tpu.memory_space<semaphore_mem>>
      %dma_start3A = arith.constant 0 : i32
      %dma_start3A_8 = tpu.memref_slice %arg4[%dma_start3A, %mul3A_2] : memref<2x8192xi32, #tpu.memory_space<hbm>> -> memref<2x256xi32, #tpu.memory_space<hbm>>
      %dma_start3A_9 = arith.constant 0 : i32
      %dma_start3A_10 = tpu.memref_slice %arg4[%dma_start3A_9, %mul3A_2] : memref<2x8192xi32, #tpu.memory_space<hbm>> -> memref<2x256xi32, #tpu.memory_space<hbm>>
      tpu.enqueue_dma source(%arg7 : memref<2x256xi32, #tpu.memory_space<vmem>>) target(%dma_start3A_10 : memref<2x256xi32, #tpu.memory_space<hbm>>) target_semaphore(%run_scoped3A : memref<!tpu.dma_semaphore, #tpu.memory_space<semaphore_mem>>)
      %dma_wait3A = arith.constant 0 : i32
      %dma_wait3A_11 = tpu.memref_slice %arg4[%dma_wait3A, %mul3A_2] : memref<2x8192xi32, #tpu.memory_space<hbm>> -> memref<2x256xi32, #tpu.memory_space<hbm>>
      %dma_wait3A_12 = arith.constant 0 : i32
      %dma_wait3A_13 = tpu.memref_slice %arg4[%dma_wait3A_12, %mul3A_2] : memref<2x8192xi32, #tpu.memory_space<hbm>> -> memref<2x256xi32, #tpu.memory_space<hbm>>
      tpu.wait_dma2 semaphore(%run_scoped3A : memref<!tpu.dma_semaphore, #tpu.memory_space<semaphore_mem>>) src(%arg7 : memref<2x256xi32, #tpu.memory_space<vmem>>) dst(%dma_wait3A_13 : memref<2x256xi32, #tpu.memory_space<hbm>>)
      tpu.yield
    }) : () -> ()
    return
  }
}

module attributes {stable_mosaic.version = 14 : i64} {
  func.func @_scores_body(%arg0: i32, %arg1: memref<8xi32, #tpu.memory_space<smem>>, %arg2: memref<1024x2048xf32, #tpu.memory_space<vmem>>, %arg3: memref<8x2048x64xf32, #tpu.memory_space<vmem>>, %arg4: memref<4x64x256xf32, #tpu.memory_space<vmem>>) attributes {dimension_semantics = [#tpu.dimension_semantics<arbitrary>], iteration_bounds = array<i64: 8>, scalar_prefetch = 1 : i64, scratch_operands = 0 : i64, tpu.core_type = #tpu.core_type<tc>, window_params = [{transform_indices = @transform_0, window_bounds = array<i64: 1024, 2048>}, {pipeline_mode = #tpu.pipeline_mode<synchronous>, transform_indices = @transform_1, window_bounds = array<i64: 8, 2048, 64>}, {transform_indices = @transform_2, window_bounds = array<i64: 4, 64, 256>}]} {
    %get3A = arith.index_cast %arg0 : i32 to index
    %get3A_0 = memref.load %arg1[%get3A] : memref<8xi32, #tpu.memory_space<smem>>
    %get3A_1 = arith.index_cast %get3A_0 : i32 to index
    %get3A_2 = arith.constant 0 : index
    %get3A_3 = arith.constant 0 : index
    %get3A_4 = vector.load %arg3[%get3A_1, %get3A_2, %get3A_3] : memref<8x2048x64xf32, #tpu.memory_space<vmem>>, vector<1x2048x64xf32>
    %get3A_5 = vector.shape_cast %get3A_4 : vector<1x2048x64xf32> to vector<2048x64xf32>
    %get3A_6 = arith.constant 0 : index
    %get3A_7 = arith.constant 0 : index
    %get3A_8 = vector.load %arg2[%get3A_6, %get3A_7] : memref<1024x2048xf32, #tpu.memory_space<vmem>>, vector<1024x2048xf32>
    %dot_general3A = arith.constant dense<0.000000e+00> : vector<64x1024xf32>
    %dot_general3A_9 = tpu.matmul %get3A_5, %get3A_8, %dot_general3A {dimension_numbers = #tpu.dot_dimension_numbers<[0], [1], [1], [0], [0, 1, 1, 0], [], []>, transpose_lhs_hint = false} : vector<2048x64xf32>, vector<1024x2048xf32>, vector<64x1024xf32> -> vector<64x1024xf32>
    %reduce_max3A = arith.constant dense<0xFF800000> : vector<1024xf32>
    %reduce_max3A_10 = vector.multi_reduction <maximumf>, %dot_general3A_9, %reduce_max3A [0] : vector<64x1024xf32> to vector<1024xf32>
    %broadcast_in_dim3A = vector.shape_cast %reduce_max3A_10 : vector<1024xf32> to vector<1x1024xf32>
    %sub3A = vector.broadcast %broadcast_in_dim3A : vector<1x1024xf32> to vector<64x1024xf32>
    %sub3A_11 = arith.subf %dot_general3A_9, %sub3A : vector<64x1024xf32>
    %exp3A = math.exp %sub3A_11 : vector<64x1024xf32>
    %reduce_sum3A = arith.constant dense<0.000000e+00> : vector<1024xf32>
    %reduce_sum3A_12 = vector.multi_reduction <add>, %exp3A, %reduce_sum3A [0] : vector<64x1024xf32> to vector<1024xf32>
    %broadcast_in_dim3A_13 = vector.shape_cast %reduce_sum3A_12 : vector<1024xf32> to vector<1x1024xf32>
    %div3A = vector.broadcast %broadcast_in_dim3A_13 : vector<1x1024xf32> to vector<64x1024xf32>
    %div3A_14 = arith.divf %exp3A, %div3A : vector<64x1024xf32>
    %reshape3A = vector.shape_cast %div3A_14 : vector<64x1024xf32> to vector<64x4x256xf32>
    %transpose3A = tpu.transpose %reshape3A, [1, 0, 2] : vector<64x4x256xf32> -> vector<4x64x256xf32>
    %swap3A = arith.constant 0 : index
    %swap3A_15 = arith.constant 0 : index
    %swap3A_16 = arith.constant 0 : index
    %swap3A_17 = vector.load %arg4[%swap3A, %swap3A_15, %swap3A_16] : memref<4x64x256xf32, #tpu.memory_space<vmem>>, vector<4x64x256xf32>
    tpu.vector_store %arg4[%swap3A, %swap3A_15, %swap3A_16], %transpose3A {strides = array<i32>} : memref<4x64x256xf32, #tpu.memory_space<vmem>>, vector<4x64x256xf32>,
    return
  }
  func.func @transform_0(%arg0: i32, %arg1: memref<8xi32, #tpu.memory_space<smem>>) -> (i32, i32) {
    %c0_i32 = arith.constant 0 : i32
    %c0_i32_0 = arith.constant 0 : i32
    return %arg0, %c0_i32 : i32, i32
  }
  func.func @transform_1(%arg0: i32, %arg1: memref<8xi32, #tpu.memory_space<smem>>) -> (i32, i32, i32) {
    %c0_i32 = arith.constant 0 : i32
    %c0_i32_0 = arith.constant 0 : i32
    %c0_i32_1 = arith.constant 0 : i32
    %c0_i32_2 = arith.constant 0 : i32
    return %c0_i32, %c0_i32_0, %c0_i32_1 : i32, i32, i32
  }
  func.func @transform_2(%arg0: i32, %arg1: memref<8xi32, #tpu.memory_space<smem>>) -> (i32, i32, i32) {
    %c0_i32 = arith.constant 0 : i32
    %c0_i32_0 = arith.constant 0 : i32
    %c0_i32_1 = arith.constant 0 : i32
    return %arg0, %c0_i32, %c0_i32_0 : i32, i32, i32
  }
}

</mosaic_0001>

<sc_bundles>
// kernel: kernel.4.cloned.1.call-start
scs
__scs_entry_jumppad:
0x0: {  	(pc) =	sbr.rel $0x88, $3  }
0x1: {  	(tag) =	ssettag $0x0;
	lr =	simm.s32 $0x1  }
0x2: {  	[smem:$0x3F9E] =	sst lr;
	_ =	strace $0xD0000000  }
0x3: {  	_ = 	snop  }
0x4: {  	_ = 	snop  }
0x5: {  	_ = 	snop  }
0x6: {  	_ = 	snop  }
0x7: {  	_ = 	snop  }
__scs_overlays_trampoline_lowered:
0x8: {  	[smem:$0x3FAD] =	sst s0  }
0x9: {  	[smem:$0x3FAE] =	sst s1  }
0xa: {  	[smem:$0x3FAF] =	sst s2  }
0xb: {  	[smem:$0x3FB0] =	sst s3  }
0xc: {  	[smem:$0x3FB1] =	sst s4  }
0xd: {  	[smem:$0x3FB2] =	sst s5  }
0xe: {  	[smem:$0x3FB3] =	sst s6  }
0xf: {  	[smem:$0x3FB4] =	sst s7  }
0x10: {  	[smem:$0x3FB5] =	sst s8  }
0x11: {  	[smem:$0x3FB6] =	sst s9;
	s0 =	simm.s32 @!p0 $0x0  }
0x12: {  	s1 =	sld [smem:$0x3F9C];
	s0 =	simm.s32 @p0 $0x1  }
0x13: {  	[smem:$0x3FB7] =	sst s0;
	s0 =	simm.s32 @!p1 $0x0  }
0x14: {  	s2 =	sld [smem:$0x3F9B];
	s0 =	simm.s32 @p1 $0x1  }
0x15: {  	[smem:$0x3FB8] =	sst s0;
	s0 =	simm.s32 @!p2 $0x0  }
0x16: {  	s3 =	sld [smem:$0x3FDB];
	s0 =	simm.s32 @p2 $0x1  }
0x17: {  	s4 =	simm.s32 $0x1BF5;
	[smem:$0x3FBA] =	sst s0  }
0x18: {  	s0 =	sld [smem:$0x3F9D];
	_ =	swait.ge [sflag:s4], $0x0  }
0x19: {  	s7 =	sld [smem:$0x3F9E]  }
0x1a: {  	s8 =	sadd.s32 $0xFFFFE003, lr  }
0x1b: {  	s9 =	sadd.s32 $0xFFFFFEF7, lr;
	s5 =	simm.s32 $0xFFFFFFFF;
	p2 =	slt.u32 s8, $0xFFFFF086  }
0x1c: {  	p1 =	slt.u32 s9, $0xF7A;
	s5 =	simm.s32 @!p2 $0x0  }
0x1d: {  	s5 =	simm.s32 @p1 $0x1;
	p0 =	seq.s32 s7, s2  }
0x1e: {  	s7 =	smul.u32 @!p0 $0xF7A, s2;
	p2 =	seq.s32 @!p0 s5, $0x0  }
0x1f: {  	s9 =	smul.u32 $0xF7A, s1;
	s8 =	simm.s32 @!p0 $0x1BF5;
	p2 =	por !p2, p0  }
0x20: {  	[sflag:s8] =	ssyncset.s32 @!p0 $0xFFFFF086;
	s6 =	sadd.s32 @!p0 s3, s7;
	s7 =	simm.s32 @!p0 $0x108  }
0x21: {  	s3 =	sadd.s32 s3, s9;
	s6 =	sadd.s32 @!p0 $0x88, s6;
	s7 =	simm.s32 @p2 $0x1082  }
0x22: {  	[simem:s7], [sflag:s8] =	dma.local @!p0 [hbm:s6], $0xF7A  }
0x23: {  	s9 =	sor.u32 $0xD0000000, s2;
	s6 =	simm.s32 $0x108;
	_ =	swait.ge @!p0 [sflag:s8], $0x0  }
0x24: {  	s3 =	sadd.s32 $0x88, s3;
	s6 =	simm.s32 @!p1 $0x1082;
	[sflag:s4] =	ssyncset.s32 $0xFFFFF086  }
0x25: {  	[simem:s6], [sflag:s4] =	dma.local [hbm:s3], $0xF7A  }
0x26: {  	[smem:$0x3F9E] =	sst s1;
	(tag) =	ssettag s2;
	_ =	strace s9  }
0x27: {  	s1 =	sld [smem:$0x3FAE]  }
0x28: {  	s2 =	sld [smem:$0x3FAF]  }
0x29: {  	s4 =	sld [smem:$0x3FB1]  }
0x2a: {  	p0 =	seq.s32 s5, $0x0;
	s5 =	sld [smem:$0x3FB2]  }
0x2b: {  	s6 =	sld [smem:$0x3FB3]  }
0x2c: {  	s7 =	sld [smem:$0x3FB4]  }
0x2d: {  	s3 =	simm.s32 $0x108;
	s8 =	sld [smem:$0x3FB5]  }
0x2e: {  	s3 =	simm.s32 @!p0 $0x1082;
	s9 =	sld [smem:$0x3FB6]  }
0x2f: {  	lr =	sadd.s32 s0, s3;
	s0 =	sld [smem:$0x3FAD]  }
0x30: {  	s3 =	sld [smem:$0x3FB0]  }
0x31: {  	[smem:$0x3FB9] =	sst s10  }
0x32: {  	s10 =	sld [smem:$0x3FB7];
	_ =	sdelay $0x3  }
0x33: {  	p0 =	seq.s32 s10, $0x1;
	s10 =	sld [smem:$0x3FB9];
	_ =	sdelay $0x3  }
0x34: {  	[smem:$0x3FB9] =	sst s10  }
0x35: {  	s10 =	sld [smem:$0x3FB8];
	_ =	sdelay $0x3  }
0x36: {  	p1 =	seq.s32 s10, $0x1;
	s10 =	sld [smem:$0x3FB9];
	_ =	sdelay $0x3  }
0x37: {  	[smem:$0x3FB9] =	sst s10  }
0x38: {  	s10 =	sld [smem:$0x3FBA]  }
0x39: {  	_ = 	snop;
	(pc) =	sbr.ind lr, $3  }
0x3a: {  	_ = 	snop  }
0x3b: {  	_ = 	snop  }
0x3c: {  	p2 =	seq.s32 s10, $0x1;
	s10 =	sld [smem:$0x3FB9]  }
0x3d: {  	_ =	shalt  }
0x3e: {  	_ =	shalt  }
0x3f: {  	_ =	shalt  }
0x40: {  	_ =	shalt  }
0x41: {  	_ =	shalt  }
0x42: {  	_ =	shalt  }
0x43: {  	_ =	shalt  }
0x44: {  	_ =	shalt  }
0x45: {  	_ =	shalt  }
0x46: {  	_ =	shalt  }
0x47: {  	_ =	shalt  }
0x48: {  	_ =	shalt  }
0x49: {  	_ =	shalt  }
0x4a: {  	_ =	shalt  }
0x4b: {  	_ =	shalt  }
0x4c: {  	_ =	shalt  }
0x4d: {  	_ =	shalt  }
0x4e: {  	_ =	shalt  }
0x4f: {  	_ =	shalt  }
0x50: {  	_ =	shalt  }
0x51: {  	_ =	shalt  }
0x52: {  	_ =	shalt  }
0x53: {  	_ =	shalt  }
0x54: {  	_ =	shalt  }
0x55: {  	_ =	shalt  }
0x56: {  	_ =	shalt  }
0x57: {  	_ =	shalt  }
0x58: {  	_ =	shalt  }
0x59: {  	_ =	shalt  }
0x5a: {  	_ =	shalt  }
0x5b: {  	_ =	shalt  }
0x5c: {  	_ =	shalt  }
0x5d: {  	_ =	shalt  }
0x5e: {  	_ =	shalt  }
0x5f: {  	_ =	shalt  }
0x60: {  	_ =	shalt  }
0x61: {  	_ =	shalt  }
0x62: {  	_ =	shalt  }
0x63: {  	_ =	shalt  }
0x64: {  	_ =	shalt  }
0x65: {  	_ =	shalt  }
0x66: {  	_ =	shalt  }
0x67: {  	_ =	shalt  }
0x68: {  	_ =	shalt  }
0x69: {  	_ =	shalt  }
0x6a: {  	_ =	shalt  }
0x6b: {  	_ =	shalt  }
0x6c: {  	_ =	shalt  }
0x6d: {  	_ =	shalt  }
0x6e: {  	_ =	shalt  }
0x6f: {  	_ =	shalt  }
0x70: {  	_ =	shalt  }
0x71: {  	_ =	shalt  }
0x72: {  	_ =	shalt  }
0x73: {  	_ =	shalt  }
0x74: {  	_ =	shalt  }
0x75: {  	_ =	shalt  }
0x76: {  	_ =	shalt  }
0x77: {  	_ =	shalt  }
0x78: {  	_ =	shalt  }
0x79: {  	_ =	shalt  }
0x7a: {  	_ =	shalt  }
0x7b: {  	_ =	shalt  }
0x7c: {  	_ =	shalt  }
0x7d: {  	_ =	shalt  }
0x7e: {  	_ =	shalt  }
0x7f: {  	_ =	shalt  }
0x80: {  	_ =	shalt  }
0x81: {  	_ =	shalt  }
0x82: {  	_ =	shalt  }
0x83: {  	_ =	shalt  }
0x84: {  	_ =	shalt  }
0x85: {  	_ =	shalt  }
0x86: {  	_ =	shalt  }
0x87: {  	_ =	shalt  }
.Lfunc_end0:
.L_simem_size_0:
called_computation_lowered:
.L_overlay_start_0:
0x88: {  	s2 =	sld [smem:$0x3FD9]  }
0x89: {  	s3 =	sld [smem:$0x3FFE];
	_ =	sdelay $0x1  }
0x8a: {  	s1 =	srdreg.scid  }
0x8b: {  	s0 =	sand.u32 $0x1, s1  }
0x8c: {  	s14 =	sshll.u32 s0, $0xA;
	s2 =	sadd.s32 s3, s2  }
0x8d: {  	s2 =	sadd.s32 s2, s14  }
0x8e: {  	[smem:$0x3FC5] =	sst s2  }
0x8f: {  	_ = 	snop  }
0x90: {  	s2 =	sld [smem:$0x3FD0];
	_ =	sdelay $0x2  }
0x91: {  	s15 =	simm.s32 $0xA;
	s4 =	simm.s32 $0x10  }
0x92: {  	[smem:s4], [sflag:s15] =	dma.local [hbm:s2], $0x1  }
0x93: {  	_ =	swait.eq [sflag:s15], $0x1  }
0x94: {  	[sflag:s15] =	ssyncset.done $0x0  }
0x95: {  	s16 =	sld [smem:$0x10];
	[sflag:s15] =	ssyncadd.s32 $0xFFFFFFFF  }
0x96: {  	s17 =	sld [smem:$0x11];
	(tm) =	ssettm $0x1  }
0x97: {  	s18 =	sld [smem:$0x3FFB];
	_ =	sdelay $0x3  }
0x98: {  	_ =	strace s18  }
0x99: {  	s4 =	sld [smem:$0x3FFC];
	_ =	sdelay $0x3  }
0x9a: {  	_ =	strace s4  }
0x9b: {  	s4 =	sld [smem:$0x3FFD];
	_ =	sdelay $0x3  }
0x9c: {  	_ =	strace s4  }
0x9d: {  	_ =	strace $0x8FFFFFFF  }
0x9e: {  	s19 =	sld [smem:$0x3FDB];
	_ =	sdelay $0x1  }
0x9f: {  	s5 =	simm.s32 $_scs_section_size  }
0xa0: {  	s6 =	simm.s32 $_size__tile_overlayer_lowered;
	s7 =	simm.s32 $_tile_overlayer_lowered  }
0xa1: {  	s22 =	simm.s32 $0x1BFF;
	s21 =	sshll.u32 s7, $0x1;
	s4 =	sadd.s32 s5, s19  }
0xa2: {  	s8 =	simm.s32 $0x0;
	s20 =	sshll.u32 s6, $0x1;
	s6 =	sadd.s32 s21, s4  }
0xa3: {  	[timem:s8], [sflag:s22] =	dma.local [hbm:s6], s20  }
0xa4: {  	_ =	swait.ge [sflag:s22], s20  }
0xa5: {  	s5 =	ssub.s32 $0x0, s20;
	[sflag:s22] =	ssyncset.done $0x0  }
0xa6: {  	[sflag:s22] =	ssyncadd.s32 s5;
	_ =	sdelay $0x1  }
0xa7: {  	s23 =	simm.s32 $0x1B8B  }
0xa8: {  	_ =	swait.ge [sflag:s23], $0x1  }
0xa9: {  	[sflag:s23] =	ssyncset.done $0x0  }
0xaa: {  	s25 =	simm.s32 $0x1B8E;
	s24 =	sld [smem:$0x3FFE];
	[sflag:s23] =	ssyncadd.s32 $0xFFFFFFFF  }
0xab: {  	s26 =	simm.s32 $execute0_lowered;
	[smem:$0x3FD2] =	sst s25  }
0xac: {  	s6 =	sshll.u32 s26, $0x1;
	_ =	strace $0x80000046;
	[dreg:$0x1] =	wrdreg $0xFFFFFFFF  }
0xad: {  	s28 =	simm.s32 $_size_execute0_lowered;
	s4 =	sadd.s32 s4, s6;
	[dreg:$0x0] =	wrdreg $0x0  }
0xae: {  	s6 =	sshll.u32 s28, $0x1;
	[dreg:$0x2] =	wrdreg s4  }
0xaf: {  	[dreg:$0x3] =	wrdreg s6  }
0xb0: {  	[dreg:$0x4] =	wrdreg $0xC0  }
0xb1: {  	_ =	task [dreg:s8], $0x5FFFF  }
0xb2: {  	[dreg:$0x1] =	wrdreg $0xFFFFFFFF  }
0xb3: {  	[dreg:$0x0] =	wrdreg $0x60  }
0xb4: {  	[dreg:$0x2] =	wrdreg s24  }
0xb5: {  	[dreg:$0x3] =	wrdreg s16  }
0xb6: {  	[dreg:$0x4] =	wrdreg s17  }
0xb7: {  	[dreg:$0x5] =	wrdreg $0x9  }
0xb8: {  	_ =	task.clear_ibuf [dreg:s8], $0x6FFFF;
	_ =	strace $0x90000046  }
0xb9: {  	s29 =	simm.s32 $0x9;
	_ =	strace $0x80000048  }
0xba: {  	_ =	swait.ge [sflag:s29], $0x1  }
0xbb: {  	[sflag:s29] =	ssyncadd.s32 $0xFFFFFFFF  }
0xbc: {  	_ =	strace $0x90000048  }
0xbd: {  	_ =	sfence  }
0xbe: {  	s30 =	sld [smem:$0x0];
	_ =	sdelay $0x2  }
0xbf: {  	s31 =	sshll.u32 s1, $0xD;
	s1 =	sshrl.u32 s1, $0x2  }
0xc0: {  	s3 =	sand.u32 $0x4000, s31;
	s1 =	sadd.s32 s1, s30  }
0xc1: {  	s0 =	sor.u32 s3, s0;
	s1 =	sshll.u32 s1, $0x11  }
0xc2: {  	s0 =	sor.u32 s1, s0  }
0xc3: {  	s0 =	sadd.s32 $0x8F2B, s0  }
0xc4: {  	[sflag:s0] =	ssyncadd.remote.s32 $0x1  }
0xc5: {  	_ =	sfence.sel $0xFFFF  }
0xc6: {  	[dreg:$0x0] =	wrdreg $0xFFFFFFFF;
	(pc) =	sbr.abs _section_cstart, $3  }
0xc7: {  	[dreg:$0x1] =	wrdreg $0xFFFFFFFF  }
0xc8: {  	_ =	task.clear_ibuf [dreg:s8], $0x2FFFF;
	_ =	strace $0x9FFFFFFF  }
0xc9: {  	(tm) =	ssettm $0x7FFFFFFF  }
tec
execute0_lowered:
.L_overlay_start_1:
0x0: {  	(tag) =	ssettag $0x1  }
0x1: {  	s0 =	rddreg [dreg:$0x0]  }
0x2: {  	s1 =	rddreg [dreg:$0x1]  }
0x3: {  	s2 =	rddreg [dreg:$0x2]  }
0x4: {  	s3 =	srdreg.scid;
	s4 =	stileid.u32  }
0x5: {  	s6 =	simm.s32 $0x0;
	s3 =	sand.u32 $0x1, s3;
	s4 =	sshll.u32 s4, $0x1  }
0x6: {  	[smem:$0x7FF] =	sst s6;
	s4 =	sor.u32 s3, s4  }
0x7: {  	s3 =	ssub.s32 $0x2, s3;
	s5 =	sshll.u32 s4, $0xB;
	s4 =	sshll.u32 s4, $0x6  }
0x8: {  	_ =	strace $0x80000047;
	s28 =	sshrl.u32 s3, $0x1;
	s29 =	sadd.s32 s1, s4  }
0x9: {  	s0 =	sadd.s32 s5, s0;
	s30 =	sadd.s32 s2, s4;
	[dreg:$0x5] =	wrdreg s29  }
0xa: {  	s3 =	ssub.s32 s3, s28;
	s0 =	sadd.s32 $0xA00, s0;
	[dreg:$0x6] =	wrdreg s30  }
0xb: {  	s31 =	smax.u32 s3, $0x1;
	[dreg:$0x4] =	wrdreg s0  }
0xc: {  	v0 =	vimm.s32 $0x0;
	s1 =	simm.s32 $0x1;
	s2 =	simm.s32 $0x0;
	[dreg:$0x7] =	wrdreg s31  }
.LBB2_1:
0xd: {  	[dreg:$0x8] =	wrdreg s2  }
0xe: {  	s0 =	rddreg [dreg:$0x4]  }
0xf: {  	[tilespmem:s6], [sflag:$0x1] =	stream.linear.gather [hbm4b:s0+s6], $0x4000, $0x38;
	[tilespmem:$0x4400] =	vst v63  }
0x10: {  	_ =	swait.ge [sflag:s1], $0x4000  }
0x11: {  	[sflag:s1] =	ssyncset.done $0x0  }
0x12: {  	s30 =	simm.s32 $0x0;
	s12 =	simm.s32 $0x0;
	[sflag:s1] =	ssyncadd.s32 $0xFFFFC000  }
.LBB2_2:
0x13: {  	s0 =	sshll.u32 s12, $0x8  }
0x14: {  	s14 =	sand.u32 $0x60, s30;
	s13 =	sand.u32 $0x3FFFFC00, s0  }
0x15: {  	s0 =	sor.u32 s14, s13  }
0x16: {  	v1 =	vld [tilespmem:s0+$0x0]  }
0x17: {  	v2 =	vld [tilespmem:s0+$0x80];
	_ =	sdelay $0x2  }
0x18: {  	v3 =	vld [tilespmem:s0+$0x100];
	_ =	sdelay $0x1  }
0x19: {  	vm0 =	vgt.f32 v2, v1;
	vm1 =	vgt.f32 v2, $-1.000000000e+00  }
0x1a: {  	v5 =	vld [tilespmem:s0+$0x180];
	vm2 =	vmneg vm0;
	v4 =	vnsel vm1, $0xBF800000, v2  }
0x1b: {  	v4 =	vsel vm2, v4, v1  }
0x1c: {  	v1 =	vsel vm2, v1, v2;
	vm3 =	vgt.f32 v3, v4  }
0x1d: {  	v10 =	vld [tilespmem:s0+$0x200];
	vm8 =	vgt.f32 v3, v1;
	v2 =	vsel vm3, v3, v4  }
0x1e: {  	v7 =	vsel vm0, $0x1, v0;
	vm1 =	vmand vm2, vm1;
	v2 =	vsel vm8, v1, v2  }
0x1f: {  	v6 =	vsel vm1, $0x1, v0;
	v1 =	vsel vm8, v3, v1;
	vm9 =	vgt.f32 v5, v2  }
0x20: {  	v11 =	vld [tilespmem:s0+$0x280];
	v3 =	vsel vm3, $0x2, v6;
	vm10 =	vgt.f32 v5, v1;
	v2 =	vsel vm9, v5, v2  }
0x21: {  	v3 =	vsel vm8, v7, v3;
	v2 =	vsel vm10, v1, v2  }
0x22: {  	v7 =	vsel vm8, $0x2, v7;
	v1 =	vsel vm10, v5, v1;
	vm11 =	vgt.f32 v10, v2  }
0x23: {  	v12 =	vld [tilespmem:s0+$0x300];
	v3 =	vsel vm9, $0x3, v3;
	vm12 =	vgt.f32 v10, v1;
	v2 =	vsel vm11, v10, v2  }
0x24: {  	v3 =	vsel vm10, v7, v3;
	v2 =	vsel vm12, v1, v2  }
0x25: {  	v7 =	vsel vm10, $0x3, v7;
	v1 =	vsel vm12, v10, v1;
	vm13 =	vgt.f32 v11, v2  }
0x26: {  	v13 =	vld [tilespmem:s0+$0x380];
	v3 =	vsel vm11, $0x4, v3;
	vm14 =	vgt.f32 v11, v1;
	v2 =	vsel vm13, v11, v2  }
0x27: {  	s28 =	sadd.s32 $0x800, s13;
	v3 =	vsel vm12, v7, v3;
	v2 =	vsel vm14, v1, v2  }
0x28: {  	s0 =	sor.u32 s14, s28;
	v7 =	vsel vm12, $0x4, v7;
	v1 =	vsel vm14, v11, v1;
	vm15 =	vgt.f32 v12, v2  }
0x29: {  	v14 =	vld [tilespmem:s0+$0x0];
	v3 =	vsel vm13, $0x5, v3;
	vm4 =	vgt.f32 v12, v1;
	v2 =	vsel vm15, v12, v2  }
0x2a: {  	s29 =	sadd.s32 $0x880, s13;
	v3 =	vsel vm14, v7, v3;
	v2 =	vsel vm4, v1, v2  }
0x2b: {  	s0 =	sor.u32 s14, s29;
	v7 =	vsel vm14, $0x5, v7;
	v1 =	vsel vm4, v12, v1;
	vm5 =	vgt.f32 v13, v2  }
0x2c: {  	v15 =	vld [tilespmem:s0+$0x0];
	v3 =	vsel vm15, $0x6, v3;
	vm6 =	vgt.f32 v13, v1;
	v2 =	vsel vm5, v13, v2  }
0x2d: {  	s31 =	sadd.s32 $0x900, s13;
	v3 =	vsel vm4, v7, v3;
	v2 =	vsel vm6, v1, v2  }
0x2e: {  	s0 =	sor.u32 s14, s31;
	v7 =	vsel vm4, $0x6, v7;
	v1 =	vsel vm6, v13, v1;
	vm7 =	vgt.f32 v14, v2  }
0x2f: {  	v16 =	vld [tilespmem:s0+$0x0];
	v3 =	vsel vm5, $0x7, v3;
	vm8 =	vgt.f32 v14, v1;
	v2 =	vsel vm7, v14, v2  }
0x30: {  	s1 =	sadd.s32 $0x980, s13;
	v3 =	vsel vm6, v7, v3;
	v2 =	vsel vm8, v1, v2  }
0x31: {  	s0 =	sor.u32 s14, s1;
	v7 =	vsel vm6, $0x7, v7;
	v1 =	vsel vm8, v14, v1;
	vm9 =	vgt.f32 v15, v2  }
0x32: {  	v17 =	vld [tilespmem:s0+$0x0];
	v3 =	vsel vm7, $0x8, v3;
	vm10 =	vgt.f32 v15, v1;
	v2 =	vsel vm9, v15, v2  }
0x33: {  	s2 =	sadd.s32 $0xA00, s13;
	v3 =	vsel vm8, v7, v3;
	v2 =	vsel vm10, v1, v2  }
0x34: {  	s0 =	sor.u32 s14, s2;
	v7 =	vsel vm8, $0x8, v7;
	v1 =	vsel vm10, v15, v1;
	vm11 =	vgt.f32 v16, v2  }
0x35: {  	v18 =	vld [tilespmem:s0+$0x0];
	v3 =	vsel vm9, $0x9, v3;
	vm12 =	vgt.f32 v16, v1;
	v2 =	vsel vm11, v16, v2  }
0x36: {  	s3 =	sadd.s32 $0xA80, s13;
	v3 =	vsel vm10, v7, v3;
	v2 =	vsel vm12, v1, v2  }
0x37: {  	s0 =	sor.u32 s14, s3;
	v7 =	vsel vm10, $0x9, v7;
	v1 =	vsel vm12, v16, v1;
	vm13 =	vgt.f32 v17, v2  }
0x38: {  	v19 =	vld [tilespmem:s0+$0x0];
	v3 =	vsel vm11, $0xA, v3;
	vm14 =	vgt.f32 v17, v1;
	v2 =	vsel vm13, v17, v2  }
0x39: {  	s4 =	sadd.s32 $0xB00, s13;
	v3 =	vsel vm12, v7, v3;
	v2 =	vsel vm14, v1, v2  }
0x3a: {  	s0 =	sor.u32 s14, s4;
	v7 =	vsel vm12, $0xA, v7;
	v1 =	vsel vm14, v17, v1;
	vm15 =	vgt.f32 v18, v2  }
0x3b: {  	v20 =	vld [tilespmem:s0+$0x0];
	v3 =	vsel vm13, $0xB, v3;
	vm4 =	vgt.f32 v18, v1;
	v2 =	vsel vm15, v18, v2  }
0x3c: {  	s5 =	sadd.s32 $0xB80, s13;
	v3 =	vsel vm14, v7, v3;
	v2 =	vsel vm4, v1, v2  }
0x3d: {  	s0 =	sor.u32 s14, s5;
	v7 =	vsel vm14, $0xB, v7;
	v1 =	vsel vm4, v18, v1;
	vm5 =	vgt.f32 v19, v2  }
0x3e: {  	v21 =	vld [tilespmem:s0+$0x0];
	v3 =	vsel vm15, $0xC, v3;
	vm6 =	vgt.f32 v19, v1;
	v2 =	vsel vm5, v19, v2  }
0x3f: {  	s6 =	sadd.s32 $0x1000, s13;
	v3 =	vsel vm4, v7, v3;
	v2 =	vsel vm6, v1, v2  }
0x40: {  	s0 =	sor.u32 s14, s6;
	v7 =	vsel vm4, $0xC, v7;
	v1 =	vsel vm6, v19, v1;
	vm7 =	vgt.f32 v20, v2  }
0x41: {  	v22 =	vld [tilespmem:s0+$0x0];
	v3 =	vsel vm5, $0xD, v3;
	vm8 =	vgt.f32 v20, v1;
	v2 =	vsel vm7, v20, v2  }
0x42: {  	s7 =	sadd.s32 $0x1080, s13;
	v3 =	vsel vm6, v7, v3;
	v2 =	vsel vm8, v1, v2  }
0x43: {  	s0 =	sor.u32 s14, s7;
	v7 =	vsel vm6, $0xD, v7;
	v1 =	vsel vm8, v20, v1;
	vm9 =	vgt.f32 v21, v2  }
0x44: {  	v23 =	vld [tilespmem:s0+$0x0];
	v3 =	vsel vm7, $0xE, v3;
	vm10 =	vgt.f32 v21, v1;
	v2 =	vsel vm9, v21, v2  }
0x45: {  	s8 =	sadd.s32 $0x1100, s13;
	v3 =	vsel vm8, v7, v3;
	v2 =	vsel vm10, v1, v2  }
0x46: {  	s0 =	sor.u32 s14, s8;
	v7 =	vsel vm8, $0xE, v7;
	v1 =	vsel vm10, v21, v1;
	vm11 =	vgt.f32 v22, v2  }
0x47: {  	v24 =	vld [tilespmem:s0+$0x0];
	v3 =	vsel vm9, $0xF, v3;
	vm12 =	vgt.f32 v22, v1;
	v2 =	vsel vm11, v22, v2  }
0x48: {  	s9 =	sadd.s32 $0x1180, s13;
	v3 =	vsel vm10, v7, v3;
	v2 =	vsel vm12, v1, v2  }
0x49: {  	s0 =	sor.u32 s14, s9;
	v7 =	vsel vm10, $0xF, v7;
	v1 =	vsel vm12, v22, v1;
	vm13 =	vgt.f32 v23, v2  }
0x4a: {  	v25 =	vld [tilespmem:s0+$0x0];
	v3 =	vsel vm11, $0x10, v3;
	vm14 =	vgt.f32 v23, v1;
	v2 =	vsel vm13, v23, v2  }
0x4b: {  	s10 =	sadd.s32 $0x1200, s13;
	v3 =	vsel vm12, v7, v3;
	v2 =	vsel vm14, v1, v2  }
0x4c: {  	s0 =	sor.u32 s14, s10;
	v7 =	vsel vm12, $0x10, v7;
	v1 =	vsel vm14, v23, v1;
	vm15 =	vgt.f32 v24, v2  }
0x4d: {  	v26 =	vld [tilespmem:s0+$0x0];
	v3 =	vsel vm13, $0x11, v3;
	vm4 =	vgt.f32 v24, v1;
	v2 =	vsel vm15, v24, v2  }
0x4e: {  	s11 =	sadd.s32 $0x1280, s13;
	v3 =	vsel vm14, v7, v3;
	v2 =	vsel vm4, v1, v2  }
0x4f: {  	s0 =	sor.u32 s14, s11;
	v7 =	vsel vm14, $0x11, v7;
	v1 =	vsel vm4, v24, v1;
	vm5 =	vgt.f32 v25, v2  }
0x50: {  	v27 =	vld [tilespmem:s0+$0x0];
	v3 =	vsel vm15, $0x12, v3;
	vm6 =	vgt.f32 v25, v1;
	v2 =	vsel vm5, v25, v2  }
0x51: {  	s15 =	sadd.s32 $0x1300, s13;
	v3 =	vsel vm4, v7, v3;
	v2 =	vsel vm6, v1, v2  }
0x52: {  	s0 =	sor.u32 s14, s15;
	v7 =	vsel vm4, $0x12, v7;
	v1 =	vsel vm6, v25, v1;
	vm7 =	vgt.f32 v26, v2  }
0x53: {  	v28 =	vld [tilespmem:s0+$0x0];
	v3 =	vsel vm5, $0x13, v3;
	vm8 =	vgt.f32 v26, v1;
	v2 =	vsel vm7, v26, v2  }
0x54: {  	s16 =	sadd.s32 $0x1380, s13;
	v3 =	vsel vm6, v7, v3;
	v2 =	vsel vm8, v1, v2  }
0x55: {  	s0 =	sor.u32 s14, s16;
	v7 =	vsel vm6, $0x13, v7;
	v1 =	vsel vm8, v26, v1;
	vm9 =	vgt.f32 v27, v2  }
0x56: {  	v29 =	vld [tilespmem:s0+$0x0];
	v3 =	vsel vm7, $0x14, v3;
	vm10 =	vgt.f32 v27, v1;
	v2 =	vsel vm9, v27, v2  }
0x57: {  	s17 =	sadd.s32 $0x1800, s13;
	v3 =	vsel vm8, v7, v3;
	v2 =	vsel vm10, v1, v2  }
0x58: {  	s0 =	sor.u32 s14, s17;
	v7 =	vsel vm8, $0x14, v7;
	v1 =	vsel vm10, v27, v1;
	vm11 =	vgt.f32 v28, v2  }
0x59: {  	v30 =	vld [tilespmem:s0+$0x0];
	v3 =	vsel vm9, $0x15, v3;
	vm12 =	vgt.f32 v28, v1;
	v2 =	vsel vm11, v28, v2  }
0x5a: {  	s18 =	sadd.s32 $0x1880, s13;
	v3 =	vsel vm10, v7, v3;
	v2 =	vsel vm12, v1, v2  }
0x5b: {  	s0 =	sor.u32 s14, s18;
	v7 =	vsel vm10, $0x15, v7;
	v1 =	vsel vm12, v28, v1;
	vm13 =	vgt.f32 v29, v2  }
0x5c: {  	v31 =	vld [tilespmem:s0+$0x0];
	v3 =	vsel vm11, $0x16, v3;
	vm14 =	vgt.f32 v29, v1;
	v2 =	vsel vm13, v29, v2  }
0x5d: {  	s19 =	sadd.s32 $0x1900, s13;
	v3 =	vsel vm12, v7, v3;
	v2 =	vsel vm14, v1, v2  }
0x5e: {  	s0 =	sor.u32 s14, s19;
	v7 =	vsel vm12, $0x16, v7;
	v1 =	vsel vm14, v29, v1;
	vm15 =	vgt.f32 v30, v2  }
0x5f: {  	v32 =	vld [tilespmem:s0+$0x0];
	v3 =	vsel vm13, $0x17, v3;
	vm4 =	vgt.f32 v30, v1;
	v2 =	vsel vm15, v30, v2  }
0x60: {  	s20 =	sadd.s32 $0x1980, s13;
	v3 =	vsel vm14, v7, v3;
	v2 =	vsel vm4, v1, v2  }
0x61: {  	s0 =	sor.u32 s14, s20;
	v7 =	vsel vm14, $0x17, v7;
	v1 =	vsel vm4, v30, v1;
	vm5 =	vgt.f32 v31, v2  }
0x62: {  	v33 =	vld [tilespmem:s0+$0x0];
	v3 =	vsel vm15, $0x18, v3;
	vm6 =	vgt.f32 v31, v1;
	v2 =	vsel vm5, v31, v2  }
0x63: {  	s21 =	sadd.s32 $0x1A00, s13;
	v3 =	vsel vm4, v7, v3;
	v2 =	vsel vm6, v1, v2  }
0x64: {  	s0 =	sor.u32 s14, s21;
	v7 =	vsel vm4, $0x18, v7;
	v1 =	vsel vm6, v31, v1;
	vm7 =	vgt.f32 v32, v2  }
0x65: {  	v34 =	vld [tilespmem:s0+$0x0];
	v3 =	vsel vm5, $0x19, v3;
	vm8 =	vgt.f32 v32, v1;
	v2 =	vsel vm7, v32, v2  }
0x66: {  	s22 =	sadd.s32 $0x1A80, s13;
	v3 =	vsel vm6, v7, v3;
	v2 =	vsel vm8, v1, v2  }
0x67: {  	s0 =	sor.u32 s14, s22;
	v7 =	vsel vm6, $0x19, v7;
	v1 =	vsel vm8, v32, v1;
	vm9 =	vgt.f32 v33, v2  }
0x68: {  	v35 =	vld [tilespmem:s0+$0x0];
	v3 =	vsel vm7, $0x1A, v3;
	vm10 =	vgt.f32 v33, v1;
	v2 =	vsel vm9, v33, v2  }
0x69: {  	s23 =	sadd.s32 $0x1B00, s13;
	v3 =	vsel vm8, v7, v3;
	v2 =	vsel vm10, v1, v2  }
0x6a: {  	s0 =	sor.u32 s14, s23;
	v7 =	vsel vm8, $0x1A, v7;
	v1 =	vsel vm10, v33, v1;
	vm11 =	vgt.f32 v34, v2  }
0x6b: {  	v36 =	vld [tilespmem:s0+$0x0];
	v3 =	vsel vm9, $0x1B, v3;
	vm12 =	vgt.f32 v34, v1;
	v2 =	vsel vm11, v34, v2  }
0x6c: {  	s24 =	sadd.s32 $0x1B80, s13;
	v3 =	vsel vm10, v7, v3;
	v2 =	vsel vm12, v1, v2  }
0x6d: {  	s0 =	sor.u32 s14, s24;
	v7 =	vsel vm10, $0x1B, v7;
	v1 =	vsel vm12, v34, v1;
	vm13 =	vgt.f32 v35, v2  }
0x6e: {  	v37 =	vld [tilespmem:s0+$0x0];
	v3 =	vsel vm11, $0x1C, v3;
	vm14 =	vgt.f32 v35, v1;
	v2 =	vsel vm13, v35, v2  }
0x6f: {  	s25 =	sadd.s32 $0x2000, s13;
	v3 =	vsel vm12, v7, v3;
	v2 =	vsel vm14, v1, v2  }
0x70: {  	s0 =	sor.u32 s14, s25;
	v7 =	vsel vm12, $0x1C, v7;
	v1 =	vsel vm14, v35, v1;
	vm15 =	vgt.f32 v36, v2  }
0x71: {  	v38 =	vld [tilespmem:s0+$0x0];
	v3 =	vsel vm13, $0x1D, v3;
	vm4 =	vgt.f32 v36, v1;
	v2 =	vsel vm15, v36, v2  }
0x72: {  	s26 =	sadd.s32 $0x2080, s13;
	v3 =	vsel vm14, v7, v3;
	v2 =	vsel vm4, v1, v2  }
0x73: {  	s0 =	sor.u32 s14, s26;
	v7 =	vsel vm14, $0x1D, v7;
	v1 =	vsel vm4, v36, v1;
	vm5 =	vgt.f32 v37, v2  }
0x74: {  	v39 =	vld [tilespmem:s0+$0x0];
	v3 =	vsel vm15, $0x1E, v3;
	vm6 =	vgt.f32 v37, v1;
	v2 =	vsel vm5, v37, v2  }
0x75: {  	[dreg:$0x9] =	wrdreg s28;
	s28 =	sadd.s32 $0x2100, s13;
	v3 =	vsel vm4, v7, v3;
	v2 =	vsel vm6, v1, v2  }
0x76: {  	s0 =	sor.u32 s14, s28;
	v7 =	vsel vm4, $0x1E, v7;
	v1 =	vsel vm6, v37, v1;
	vm7 =	vgt.f32 v38, v2  }
0x77: {  	v40 =	vld [tilespmem:s0+$0x0];
	v3 =	vsel vm5, $0x1F, v3;
	vm8 =	vgt.f32 v38, v1;
	v2 =	vsel vm7, v38, v2  }
0x78: {  	[dreg:$0xa] =	wrdreg s29;
	s29 =	sadd.s32 $0x2180, s13;
	v3 =	vsel vm6, v7, v3;
	v2 =	vsel vm8, v1, v2  }
0x79: {  	s0 =	sor.u32 s14, s29;
	v7 =	vsel vm6, $0x1F, v7;
	v1 =	vsel vm8, v38, v1;
	vm9 =	vgt.f32 v39, v2  }
0x7a: {  	v41 =	vld [tilespmem:s0+$0x0];
	v3 =	vsel vm7, $0x20, v3;
	vm10 =	vgt.f32 v39, v1;
	v2 =	vsel vm9, v39, v2  }
0x7b: {  	[dreg:$0xb] =	wrdreg s31;
	s31 =	sadd.s32 $0x2200, s13;
	v3 =	vsel vm8, v7, v3;
	v2 =	vsel vm10, v1, v2  }
0x7c: {  	s0 =	sor.u32 s14, s31;
	v7 =	vsel vm8, $0x20, v7;
	v1 =	vsel vm10, v39, v1;
	vm11 =	vgt.f32 v40, v2  }
0x7d: {  	v42 =	vld [tilespmem:s0+$0x0];
	v3 =	vsel vm9, $0x21, v3;
	vm12 =	vgt.f32 v40, v1;
	v2 =	vsel vm11, v40, v2  }
0x7e: {  	[dreg:$0xc] =	wrdreg s1;
	s1 =	sadd.s32 $0x2280, s13;
	v3 =	vsel vm10, v7, v3;
	v2 =	vsel vm12, v1, v2  }
0x7f: {  	s0 =	sor.u32 s14, s1;
	v7 =	vsel vm10, $0x21, v7;
	v1 =	vsel vm12, v40, v1;
	vm13 =	vgt.f32 v41, v2  }
0x80: {  	v43 =	vld [tilespmem:s0+$0x0];
	v3 =	vsel vm11, $0x22, v3;
	vm14 =	vgt.f32 v41, v1;
	v2 =	vsel vm13, v41, v2  }
0x81: {  	[dreg:$0xd] =	wrdreg s2;
	s2 =	sadd.s32 $0x2300, s13;
	v3 =	vsel vm12, v7, v3;
	v2 =	vsel vm14, v1, v2  }
0x82: {  	s0 =	sor.u32 s14, s2;
	v7 =	vsel vm12, $0x22, v7;
	v1 =	vsel vm14, v41, v1;
	vm15 =	vgt.f32 v42, v2  }
0x83: {  	v44 =	vld [tilespmem:s0+$0x0];
	v3 =	vsel vm13, $0x23, v3;
	vm4 =	vgt.f32 v42, v1;
	v2 =	vsel vm15, v42, v2  }
0x84: {  	[dreg:$0xe] =	wrdreg s3;
	s3 =	sadd.s32 $0x2380, s13;
	v3 =	vsel vm14, v7, v3;
	v2 =	vsel vm4, v1, v2  }
0x85: {  	s0 =	sor.u32 s14, s3;
	v7 =	vsel vm14, $0x23, v7;
	v1 =	vsel vm4, v42, v1;
	vm5 =	vgt.f32 v43, v2  }
0x86: {  	v45 =	vld [tilespmem:s0+$0x0];
	v3 =	vsel vm15, $0x24, v3;
	vm6 =	vgt.f32 v43, v1;
	v2 =	vsel vm5, v43, v2  }
0x87: {  	[smem:$0x7F9] =	sst s29;
	s29 =	sadd.s32 $0x2800, s13;
	v3 =	vsel vm4, v7, v3;
	v2 =	vsel vm6, v1, v2  }
0x88: {  	[dreg:$0xf] =	wrdreg s4;
	s4 =	sor.u32 s14, s29;
	v7 =	vsel vm4, $0x24, v7;
	v1 =	vsel vm6, v43, v1;
	vm7 =	vgt.f32 v44, v2  }
0x89: {  	v46 =	vld [tilespmem:s4+$0x0];
	v3 =	vsel vm5, $0x25, v3;
	vm8 =	vgt.f32 v44, v1;
	v2 =	vsel vm7, v44, v2  }
0x8a: {  	[smem:$0x7F8] =	sst s28;
	s28 =	sadd.s32 $0x2880, s13;
	v3 =	vsel vm6, v7, v3;
	v2 =	vsel vm8, v1, v2  }
0x8b: {  	[dreg:$0x10] =	wrdreg s5;
	s5 =	sor.u32 s14, s28;
	v7 =	vsel vm6, $0x25, v7;
	v1 =	vsel vm8, v44, v1;
	vm9 =	vgt.f32 v45, v2  }
0x8c: {  	v47 =	vld [tilespmem:s5+$0x0];
	v3 =	vsel vm7, $0x26, v3;
	vm10 =	vgt.f32 v45, v1;
	v2 =	vsel vm9, v45, v2  }
0x8d: {  	[smem:$0x7F7] =	sst s26;
	s26 =	sadd.s32 $0x2900, s13;
	v3 =	vsel vm8, v7, v3;
	v2 =	vsel vm10, v1, v2  }
0x8e: {  	[dreg:$0x11] =	wrdreg s6;
	s6 =	sor.u32 s14, s26;
	v7 =	vsel vm8, $0x26, v7;
	v1 =	vsel vm10, v45, v1;
	vm11 =	vgt.f32 v46, v2  }
0x8f: {  	v48 =	vld [tilespmem:s6+$0x0];
	v3 =	vsel vm9, $0x27, v3;
	vm12 =	vgt.f32 v46, v1;
	v2 =	vsel vm11, v46, v2  }
0x90: {  	[smem:$0x7F6] =	sst s25;
	s25 =	sadd.s32 $0x2980, s13;
	v3 =	vsel vm10, v7, v3;
	v2 =	vsel vm12, v1, v2  }
0x91: {  	[dreg:$0x12] =	wrdreg s7;
	s7 =	sor.u32 s14, s25;
	v7 =	vsel vm10, $0x27, v7;
	v1 =	vsel vm12, v46, v1;
	vm13 =	vgt.f32 v47, v2  }
0x92: {  	v49 =	vld [tilespmem:s7+$0x0];
	v3 =	vsel vm11, $0x28, v3;
	vm14 =	vgt.f32 v47, v1;
	v2 =	vsel vm13, v47, v2  }
0x93: {  	[smem:$0x7F5] =	sst s24;
	s24 =	sadd.s32 $0x2A00, s13;
	v3 =	vsel vm12, v7, v3;
	v2 =	vsel vm14, v1, v2  }
0x94: {  	[dreg:$0x13] =	wrdreg s8;
	s8 =	sor.u32 s14, s24;
	v7 =	vsel vm12, $0x28, v7;
	v1 =	vsel vm14, v47, v1;
	vm15 =	vgt.f32 v48, v2  }
0x95: {  	v50 =	vld [tilespmem:s8+$0x0];
	v3 =	vsel vm13, $0x29, v3;
	vm4 =	vgt.f32 v48, v1;
	v2 =	vsel vm15, v48, v2  }
0x96: {  	[dreg:$0x1f] =	wrdreg s23;
	s23 =	sadd.s32 $0x2A80, s13;
	v3 =	vsel vm14, v7, v3;
	v2 =	vsel vm4, v1, v2  }
0x97: {  	[dreg:$0x14] =	wrdreg s9;
	s9 =	sor.u32 s14, s23;
	v7 =	vsel vm14, $0x29, v7;
	v1 =	vsel vm4, v48, v1;
	vm5 =	vgt.f32 v49, v2  }
0x98: {  	v51 =	vld [tilespmem:s9+$0x0];
	v3 =	vsel vm15, $0x2A, v3;
	vm6 =	vgt.f32 v49, v1;
	v2 =	vsel vm5, v49, v2  }
0x99: {  	[dreg:$0x1e] =	wrdreg s22;
	s22 =	sadd.s32 $0x2B00, s13;
	v3 =	vsel vm4, v7, v3;
	v2 =	vsel vm6, v1, v2  }
0x9a: {  	[dreg:$0x15] =	wrdreg s10;
	s10 =	sor.u32 s14, s22;
	v7 =	vsel vm4, $0x2A, v7;
	v1 =	vsel vm6, v49, v1;
	vm7 =	vgt.f32 v50, v2  }
0x9b: {  	v52 =	vld [tilespmem:s10+$0x0];
	v3 =	vsel vm5, $0x2B, v3;
	vm8 =	vgt.f32 v50, v1;
	v2 =	vsel vm7, v50, v2  }
0x9c: {  	[dreg:$0x1d] =	wrdreg s21;
	s21 =	sadd.s32 $0x2B80, s13;
	v3 =	vsel vm6, v7, v3;
	v2 =	vsel vm8, v1, v2  }
0x9d: {  	[dreg:$0x16] =	wrdreg s11;
	s11 =	sor.u32 s14, s21;
	v7 =	vsel vm6, $0x2B, v7;
	v1 =	vsel vm8, v50, v1;
	vm9 =	vgt.f32 v51, v2  }
0x9e: {  	v53 =	vld [tilespmem:s11+$0x0];
	v3 =	vsel vm7, $0x2C, v3;
	vm10 =	vgt.f32 v51, v1;
	v2 =	vsel vm9, v51, v2  }
0x9f: {  	[dreg:$0x1c] =	wrdreg s20;
	s20 =	sadd.s32 $0x3000, s13;
	v3 =	vsel vm8, v7, v3;
	v2 =	vsel vm10, v1, v2  }
0xa0: {  	[dreg:$0x17] =	wrdreg s15;
	s15 =	sor.u32 s14, s20;
	v7 =	vsel vm8, $0x2C, v7;
	v1 =	vsel vm10, v51, v1;
	vm11 =	vgt.f32 v52, v2  }
0xa1: {  	v54 =	vld [tilespmem:s15+$0x0];
	v3 =	vsel vm9, $0x2D, v3;
	vm12 =	vgt.f32 v52, v1;
	v2 =	vsel vm11, v52, v2  }
0xa2: {  	[dreg:$0x1b] =	wrdreg s19;
	s19 =	sadd.s32 $0x3080, s13;
	v3 =	vsel vm10, v7, v3;
	v2 =	vsel vm12, v1, v2  }
0xa3: {  	[dreg:$0x18] =	wrdreg s16;
	s16 =	sor.u32 s14, s19;
	v7 =	vsel vm10, $0x2D, v7;
	v1 =	vsel vm12, v52, v1;
	vm13 =	vgt.f32 v53, v2  }
0xa4: {  	v55 =	vld [tilespmem:s16+$0x0];
	v3 =	vsel vm11, $0x2E, v3;
	vm14 =	vgt.f32 v53, v1;
	v2 =	vsel vm13, v53, v2  }
0xa5: {  	[dreg:$0x1a] =	wrdreg s18;
	s18 =	sadd.s32 $0x3100, s13;
	v3 =	vsel vm12, v7, v3;
	v2 =	vsel vm14, v1, v2  }
0xa6: {  	[dreg:$0x19] =	wrdreg s17;
	s17 =	sor.u32 s14, s18;
	v7 =	vsel vm12, $0x2E, v7;
	v1 =	vsel vm14, v53, v1;
	vm15 =	vgt.f32 v54, v2  }
0xa7: {  	v56 =	vld [tilespmem:s17+$0x0];
	v3 =	vsel vm13, $0x2F, v3;
	vm4 =	vgt.f32 v54, v1;
	v2 =	vsel vm15, v54, v2  }
0xa8: {  	s17 =	sadd.s32 $0x3180, s13;
	v3 =	vsel vm14, v7, v3;
	v2 =	vsel vm4, v1, v2  }
0xa9: {  	[smem:$0x7FA] =	sst s31;
	s31 =	sor.u32 s14, s17;
	v7 =	vsel vm14, $0x2F, v7;
	v1 =	vsel vm4, v54, v1;
	vm5 =	vgt.f32 v55, v2  }
0xaa: {  	v57 =	vld [tilespmem:s31+$0x0];
	v3 =	vsel vm15, $0x30, v3;
	vm6 =	vgt.f32 v55, v1;
	v2 =	vsel vm5, v55, v2  }
0xab: {  	s16 =	sadd.s32 $0x3200, s13;
	v3 =	vsel vm4, v7, v3;
	v2 =	vsel vm6, v1, v2  }
0xac: {  	[smem:$0x7FB] =	sst s1;
	s1 =	sor.u32 s14, s16;
	v7 =	vsel vm4, $0x30, v7;
	v1 =	vsel vm6, v55, v1;
	vm7 =	vgt.f32 v56, v2  }
0xad: {  	v58 =	vld [tilespmem:s1+$0x0];
	v3 =	vsel vm5, $0x31, v3;
	vm8 =	vgt.f32 v56, v1;
	v2 =	vsel vm7, v56, v2  }
0xae: {  	s15 =	sadd.s32 $0x3280, s13;
	v3 =	vsel vm6, v7, v3;
	v2 =	vsel vm8, v1, v2  }
0xaf: {  	[smem:$0x7FC] =	sst s2;
	s2 =	sor.u32 s14, s15;
	v7 =	vsel vm6, $0x31, v7;
	v1 =	vsel vm8, v56, v1;
	vm9 =	vgt.f32 v57, v2  }
0xb0: {  	v59 =	vld [tilespmem:s2+$0x0];
	v3 =	vsel vm7, $0x32, v3;
	vm10 =	vgt.f32 v57, v1;
	v2 =	vsel vm9, v57, v2  }
0xb1: {  	s10 =	sadd.s32 $0x3300, s13;
	v3 =	vsel vm8, v7, v3;
	v2 =	vsel vm10, v1, v2  }
0xb2: {  	[smem:$0x7FD] =	sst s3;
	s3 =	sor.u32 s14, s10;
	v7 =	vsel vm8, $0x32, v7;
	v1 =	vsel vm10, v57, v1;
	vm11 =	vgt.f32 v58, v2  }
0xb3: {  	v60 =	vld [tilespmem:s3+$0x0];
	v3 =	vsel vm9, $0x33, v3;
	vm12 =	vgt.f32 v58, v1;
	v2 =	vsel vm11, v58, v2  }
0xb4: {  	s9 =	sadd.s32 $0x3380, s13;
	v3 =	vsel vm10, v7, v3;
	v2 =	vsel vm12, v1, v2  }
0xb5: {  	s4 =	sor.u32 s14, s9;
	v7 =	vsel vm10, $0x33, v7;
	v1 =	vsel vm12, v58, v1;
	vm13 =	vgt.f32 v59, v2  }
0xb6: {  	v61 =	vld [tilespmem:s4+$0x0];
	v3 =	vsel vm11, $0x34, v3;
	vm14 =	vgt.f32 v59, v1;
	v2 =	vsel vm13, v59, v2  }
0xb7: {  	s8 =	sadd.s32 $0x3800, s13;
	v3 =	vsel vm12, v7, v3;
	v2 =	vsel vm14, v1, v2  }
0xb8: {  	s5 =	sor.u32 s14, s8;
	v7 =	vsel vm12, $0x34, v7;
	v1 =	vsel vm14, v59, v1;
	vm15 =	vgt.f32 v60, v2  }
0xb9: {  	v62 =	vld [tilespmem:s5+$0x0];
	v3 =	vsel vm13, $0x35, v3;
	vm4 =	vgt.f32 v60, v1;
	v2 =	vsel vm15, v60, v2  }
0xba: {  	s7 =	sadd.s32 $0x3880, s13;
	v3 =	vsel vm14, v7, v3;
	v2 =	vsel vm4, v1, v2  }
0xbb: {  	s6 =	sor.u32 s14, s7;
	v7 =	vsel vm14, $0x35, v7;
	v1 =	vsel vm4, v60, v1;
	vm5 =	vgt.f32 v61, v2  }
0xbc: {  	v63 =	vld [tilespmem:s6+$0x0];
	v3 =	vsel vm15, $0x36, v3;
	vm6 =	vgt.f32 v61, v1;
	v2 =	vsel vm5, v61, v2  }
0xbd: {  	s6 =	sadd.s32 $0x3900, s13;
	v3 =	vsel vm4, v7, v3;
	v2 =	vsel vm6, v1, v2  }
0xbe: {  	s11 =	sor.u32 s14, s6;
	v7 =	vsel vm4, $0x36, v7;
	v1 =	vsel vm6, v61, v1;
	vm7 =	vgt.f32 v62, v2  }
0xbf: {  	v9 =	vld [tilespmem:s11+$0x0];
	v3 =	vsel vm5, $0x37, v3;
	vm8 =	vgt.f32 v62, v1;
	v2 =	vsel vm7, v62, v2  }
0xc0: {  	s5 =	sadd.s32 $0x3980, s13;
	v3 =	vsel vm6, v7, v3;
	v2 =	vsel vm8, v1, v2  }
0xc1: {  	s31 =	sor.u32 s14, s5;
	v7 =	vsel vm6, $0x37, v7;
	v1 =	vsel vm8, v62, v1;
	vm9 =	vgt.f32 v63, v2  }
0xc2: {  	v10 =	vld [tilespmem:s31+$0x0];
	v3 =	vsel vm7, $0x38, v3;
	vm10 =	vgt.f32 v63, v1;
	v2 =	vsel vm9, v63, v2  }
0xc3: {  	s4 =	sadd.s32 $0x3A00, s13;
	v3 =	vsel vm8, v7, v3;
	v2 =	vsel vm10, v1, v2  }
0xc4: {  	s1 =	sor.u32 s14, s4;
	v7 =	vsel vm8, $0x38, v7;
	v1 =	vsel vm10, v63, v1;
	vm11 =	vgt.f32 v9, v2  }
0xc5: {  	v11 =	vld [tilespmem:s1+$0x0];
	v3 =	vsel vm9, $0x39, v3;
	vm12 =	vgt.f32 v9, v1;
	v2 =	vsel vm11, v9, v2  }
0xc6: {  	s3 =	sadd.s32 $0x3A80, s13;
	v3 =	vsel vm10, v7, v3;
	v2 =	vsel vm12, v1, v2  }
0xc7: {  	s2 =	sor.u32 s14, s3;
	v7 =	vsel vm10, $0x39, v7;
	v1 =	vsel vm12, v9, v1;
	vm13 =	vgt.f32 v10, v2  }
0xc8: {  	v12 =	vld [tilespmem:s2+$0x0];
	v3 =	vsel vm11, $0x3A, v3;
	vm14 =	vgt.f32 v10, v1;
	v2 =	vsel vm13, v10, v2  }
0xc9: {  	s1 =	sadd.s32 $0x3B00, s13;
	v3 =	vsel vm12, v7, v3;
	v2 =	vsel vm14, v1, v2  }
0xca: {  	s11 =	sor.u32 s14, s1;
	v7 =	vsel vm12, $0x3A, v7;
	v1 =	vsel vm14, v10, v1;
	vm15 =	vgt.f32 v11, v2  }
0xcb: {  	v13 =	vld [tilespmem:s11+$0x0];
	v3 =	vsel vm13, $0x3B, v3;
	vm4 =	vgt.f32 v11, v1;
	v2 =	vsel vm15, v11, v2  }
0xcc: {  	s2 =	sadd.s32 $0x3B80, s13;
	v3 =	vsel vm14, v7, v3;
	v2 =	vsel vm4, v1, v2  }
0xcd: {  	s31 =	sor.u32 s14, s2;
	v7 =	vsel vm14, $0x3B, v7;
	v1 =	vsel vm4, v11, v1;
	vm5 =	vgt.f32 v12, v2  }
0xce: {  	v14 =	vld [tilespmem:s31+$0x0];
	v3 =	vsel vm15, $0x3C, v3;
	vm6 =	vgt.f32 v12, v1;
	v2 =	vsel vm5, v12, v2  }
0xcf: {  	v3 =	vsel vm4, v7, v3;
	v2 =	vsel vm6, v1, v2  }
0xd0: {  	v7 =	vsel vm4, $0x3C, v7;
	v1 =	vsel vm6, v12, v1;
	vm7 =	vgt.f32 v13, v2  }
0xd1: {  	v3 =	vsel vm5, $0x3D, v3;
	vm8 =	vgt.f32 v13, v1;
	v2 =	vsel vm7, v13, v2  }
0xd2: {  	s11 =	sshll.u32 s12, $0x6;
	v15 =	vsel vm6, $0x3D, v7;
	v2 =	vsel vm8, v1, v2;
	v1 =	vsel vm8, v13, v1  }
0xd3: {  	s0 =	sand.u32 $0xFFFFFF00, s11;
	v3 =	vsel vm6, v7, v3;
	vm9 =	vgt.f32 v14, v1;
	vm10 =	vgt.f32 v14, v2  }
0xd4: {  	s11 =	sor.u32 s14, s0;
	s31 =	sor.u32 s0, s30;
	v3 =	vsel vm7, $0x3E, v3;
	v2 =	vsel vm10, v14, v2;
	v5 =	vsel vm9, v14, v1  }
0xd5: {  	s31 =	sor.u32 $0x80, s31;
	v4 =	vsel vm8, $0x3E, v15;
	v3 =	vsel vm8, v15, v3;
	v1 =	vsel vm9, v1, v2;
	[tilespmem:s11+$0x4000] =	vst v5  }
0xd6: {  	v2 =	vsel vm10, $0x3F, v3;
	v3 =	vsel vm9, $0x3F, v4;
	[tilespmem:s31+$0x4000] =	vst v1  }
0xd7: {  	s14 =	sor.u32 $0x10, s14;
	v1 =	vsel vm9, v4, v2;
	[tilespmem:s11+$0x4200] =	vst v3  }
0xd8: {  	s13 =	sor.u32 s14, s13;
	[tilespmem:s31+$0x4200] =	vst v1  }
0xd9: {  	v1 =	vld [tilespmem:s13+$0x0]  }
0xda: {  	v2 =	vld [tilespmem:s13+$0x80];
	_ =	sdelay $0x2  }
0xdb: {  	v3 =	vld [tilespmem:s13+$0x100];
	_ =	sdelay $0x1  }
0xdc: {  	vm11 =	vgt.f32 v2, v1;
	vm12 =	vgt.f32 v2, $-1.000000000e+00  }
0xdd: {  	v5 =	vld [tilespmem:s13+$0x180];
	vm13 =	vmneg vm11;
	v16 =	vnsel vm12, $0xBF800000, v2  }
0xde: {  	v4 =	vsel vm13, v16, v1  }
0xdf: {  	v1 =	vsel vm13, v1, v2;
	vm14 =	vgt.f32 v3, v4  }
0xe0: {  	v17 =	vld [tilespmem:s13+$0x200];
	vm4 =	vgt.f32 v3, v1;
	v2 =	vsel vm14, v3, v4  }
0xe1: {  	v2 =	vsel vm4, v1, v2  }
0xe2: {  	v1 =	vsel vm4, v3, v1;
	vm5 =	vgt.f32 v5, v2  }
0xe3: {  	v3 =	vld [tilespmem:s13+$0x280];
	vm15 =	vgt.f32 v5, v1;
	v2 =	vsel vm5, v5, v2  }
0xe4: {  	v19 =	vsel vm11, $0x1, v0;
	v2 =	vsel vm15, v1, v2  }
0xe5: {  	vm1 =	vmand vm13, vm12;
	v1 =	vsel vm15, v5, v1;
	vm8 =	vgt.f32 v17, v2  }
0xe6: {  	v21 =	vld [tilespmem:s13+$0x300];
	v18 =	vsel vm1, $0x1, v0;
	vm9 =	vgt.f32 v17, v1;
	v2 =	vsel vm8, v17, v2  }
0xe7: {  	v20 =	vsel vm14, $0x2, v18;
	v7 =	vsel vm4, $0x2, v19;
	v2 =	vsel vm9, v1, v2  }
0xe8: {  	v5 =	vsel vm4, v19, v20;
	v1 =	vsel vm9, v17, v1;
	vm10 =	vgt.f32 v3, v2  }
0xe9: {  	v22 =	vld [tilespmem:s13+$0x380];
	v5 =	vsel vm5, $0x3, v5;
	vm11 =	vgt.f32 v3, v1;
	v2 =	vsel vm10, v3, v2  }
0xea: {  	s31 =	rddreg [dreg:$0x9];
	v5 =	vsel vm15, v7, v5;
	v2 =	vsel vm11, v1, v2  }
0xeb: {  	s11 =	sor.u32 s14, s31;
	v7 =	vsel vm15, $0x3, v7;
	v1 =	vsel vm11, v3, v1;
	vm12 =	vgt.f32 v21, v2  }
0xec: {  	v5 =	vsel vm8, $0x4, v5;
	v3 =	vld [tilespmem:s11+$0x0];
	vm13 =	vgt.f32 v21, v1;
	v2 =	vsel vm12, v21, v2  }
0xed: {  	s13 =	rddreg [dreg:$0xa];
	v5 =	vsel vm9, v7, v5;
	v2 =	vsel vm13, v1, v2  }
0xee: {  	v7 =	vsel vm9, $0x4, v7;
	s11 =	sor.u32 s14, s13;
	v1 =	vsel vm13, v21, v1;
	vm14 =	vgt.f32 v22, v2  }
0xef: {  	v5 =	vsel vm10, $0x5, v5;
	v23 =	vld [tilespmem:s11+$0x0];
	vm15 =	vgt.f32 v22, v1;
	v2 =	vsel vm14, v22, v2  }
0xf0: {  	s31 =	rddreg [dreg:$0xb];
	v5 =	vsel vm11, v7, v5;
	v2 =	vsel vm15, v1, v2  }
0xf1: {  	v7 =	vsel vm11, $0x5, v7;
	s11 =	sor.u32 s14, s31;
	v1 =	vsel vm15, v22, v1;
	vm8 =	vgt.f32 v3, v2  }
0xf2: {  	v24 =	vld [tilespmem:s11+$0x0];
	v5 =	vsel vm12, $0x6, v5;
	vm9 =	vgt.f32 v3, v1;
	v2 =	vsel vm8, v3, v2  }
0xf3: {  	s13 =	rddreg [dreg:$0xc];
	v5 =	vsel vm13, v7, v5;
	v2 =	vsel vm9, v1, v2  }
0xf4: {  	s11 =	sor.u32 s14, s13;
	v7 =	vsel vm13, $0x6, v7;
	v1 =	vsel vm9, v3, v1;
	vm10 =	vgt.f32 v23, v2  }
0xf5: {  	v5 =	vsel vm14, $0x7, v5;
	v3 =	vld [tilespmem:s11+$0x0];
	vm11 =	vgt.f32 v23, v1;
	v2 =	vsel vm10, v23, v2  }
0xf6: {  	s31 =	rddreg [dreg:$0xd];
	v5 =	vsel vm15, v7, v5;
	v2 =	vsel vm11, v1, v2  }
0xf7: {  	v7 =	vsel vm15, $0x7, v7;
	s11 =	sor.u32 s14, s31;
	v1 =	vsel vm11, v23, v1;
	vm12 =	vgt.f32 v24, v2  }
0xf8: {  	v5 =	vsel vm8, $0x8, v5;
	v25 =	vld [tilespmem:s11+$0x0];
	vm13 =	vgt.f32 v24, v1;
	v2 =	vsel vm12, v24, v2  }
0xf9: {  	s13 =	rddreg [dreg:$0xe];
	v5 =	vsel vm9, v7, v5;
	v2 =	vsel vm13, v1, v2  }
0xfa: {  	v7 =	vsel vm9, $0x8, v7;
	s11 =	sor.u32 s14, s13;
	v1 =	vsel vm13, v24, v1;
	vm14 =	vgt.f32 v3, v2  }
0xfb: {  	v26 =	vld [tilespmem:s11+$0x0];
	v5 =	vsel vm10, $0x9, v5;
	vm15 =	vgt.f32 v3, v1;
	v2 =	vsel vm14, v3, v2  }
0xfc: {  	s31 =	rddreg [dreg:$0xf];
	v5 =	vsel vm11, v7, v5;
	v2 =	vsel vm15, v1, v2  }
0xfd: {  	s11 =	sor.u32 s14, s31;
	v7 =	vsel vm11, $0x9, v7;
	v1 =	vsel vm15, v3, v1;
	vm8 =	vgt.f32 v25, v2  }
0xfe: {  	v5 =	vsel vm12, $0xA, v5;
	v3 =	vld [tilespmem:s11+$0x0];
	vm9 =	vgt.f32 v25, v1;
	v2 =	vsel vm8, v25, v2  }
0xff: {  	s13 =	rddreg [dreg:$0x10];
	v5 =	vsel vm13, v7, v5;
	v2 =	vsel vm9, v1, v2  }
0x100: {  	v7 =	vsel vm13, $0xA, v7;
	s11 =	sor.u32 s14, s13;
	v1 =	vsel vm9, v25, v1;
	vm10 =	vgt.f32 v26, v2  }
0x101: {  	v5 =	vsel vm14, $0xB, v5;
	v27 =	vld [tilespmem:s11+$0x0];
	vm11 =	vgt.f32 v26, v1;
	v2 =	vsel vm10, v26, v2  }
0x102: {  	s31 =	rddreg [dreg:$0x11];
	v5 =	vsel vm15, v7, v5;
	v2 =	vsel vm11, v1, v2  }
0x103: {  	v7 =	vsel vm15, $0xB, v7;
	s11 =	sor.u32 s14, s31;
	v1 =	vsel vm11, v26, v1;
	vm12 =	vgt.f32 v3, v2  }
0x104: {  	v28 =	vld [tilespmem:s11+$0x0];
	v5 =	vsel vm8, $0xC, v5;
	vm13 =	vgt.f32 v3, v1;
	v2 =	vsel vm12, v3, v2  }
0x105: {  	s13 =	rddreg [dreg:$0x12];
	v5 =	vsel vm9, v7, v5;
	v2 =	vsel vm13, v1, v2  }
0x106: {  	s11 =	sor.u32 s14, s13;
	v7 =	vsel vm9, $0xC, v7;
	v1 =	vsel vm13, v3, v1;
	vm14 =	vgt.f32 v27, v2  }
0x107: {  	v5 =	vsel vm10, $0xD, v5;
	v3 =	vld [tilespmem:s11+$0x0];
	vm15 =	vgt.f32 v27, v1;
	v2 =	vsel vm14, v27, v2  }
0x108: {  	s31 =	rddreg [dreg:$0x13];
	v5 =	vsel vm11, v7, v5;
	v2 =	vsel vm15, v1, v2  }
0x109: {  	v7 =	vsel vm11, $0xD, v7;
	s11 =	sor.u32 s14, s31;
	v1 =	vsel vm15, v27, v1;
	vm8 =	vgt.f32 v28, v2  }
0x10a: {  	v5 =	vsel vm12, $0xE, v5;
	v29 =	vld [tilespmem:s11+$0x0];
	vm9 =	vgt.f32 v28, v1;
	v2 =	vsel vm8, v28, v2  }
0x10b: {  	s13 =	rddreg [dreg:$0x14];
	v5 =	vsel vm13, v7, v5;
	v2 =	vsel vm9, v1, v2  }
0x10c: {  	v7 =	vsel vm13, $0xE, v7;
	s11 =	sor.u32 s14, s13;
	v1 =	vsel vm9, v28, v1;
	vm10 =	vgt.f32 v3, v2  }
0x10d: {  	v30 =	vld [tilespmem:s11+$0x0];
	v5 =	vsel vm14, $0xF, v5;
	vm11 =	vgt.f32 v3, v1;
	v2 =	vsel vm10, v3, v2  }
0x10e: {  	s31 =	rddreg [dreg:$0x15];
	v5 =	vsel vm15, v7, v5;
	v2 =	vsel vm11, v1, v2  }
0x10f: {  	s11 =	sor.u32 s14, s31;
	v7 =	vsel vm15, $0xF, v7;
	v1 =	vsel vm11, v3, v1;
	vm12 =	vgt.f32 v29, v2  }
0x110: {  	v5 =	vsel vm8, $0x10, v5;
	v3 =	vld [tilespmem:s11+$0x0];
	vm13 =	vgt.f32 v29, v1;
	v2 =	vsel vm12, v29, v2  }
0x111: {  	s13 =	rddreg [dreg:$0x16];
	v5 =	vsel vm9, v7, v5;
	v2 =	vsel vm13, v1, v2  }
0x112: {  	v7 =	vsel vm9, $0x10, v7;
	s11 =	sor.u32 s14, s13;
	v1 =	vsel vm13, v29, v1;
	vm14 =	vgt.f32 v30, v2  }
0x113: {  	v5 =	vsel vm10, $0x11, v5;
	v31 =	vld [tilespmem:s11+$0x0];
	vm15 =	vgt.f32 v30, v1;
	v2 =	vsel vm14, v30, v2  }
0x114: {  	s31 =	rddreg [dreg:$0x17];
	v5 =	vsel vm11, v7, v5;
	v2 =	vsel vm15, v1, v2  }
0x115: {  	v7 =	vsel vm11, $0x11, v7;
	s11 =	sor.u32 s14, s31;
	v1 =	vsel vm15, v30, v1;
	vm8 =	vgt.f32 v3, v2  }
0x116: {  	v32 =	vld [tilespmem:s11+$0x0];
	v5 =	vsel vm12, $0x12, v5;
	vm9 =	vgt.f32 v3, v1;
	v2 =	vsel vm8, v3, v2  }
0x117: {  	s13 =	rddreg [dreg:$0x18];
	v5 =	vsel vm13, v7, v5;
	v2 =	vsel vm9, v1, v2  }
0x118: {  	s11 =	sor.u32 s14, s13;
	v7 =	vsel vm13, $0x12, v7;
	v1 =	vsel vm9, v3, v1;
	vm10 =	vgt.f32 v31, v2  }
0x119: {  	v5 =	vsel vm14, $0x13, v5;
	v3 =	vld [tilespmem:s11+$0x0];
	vm11 =	vgt.f32 v31, v1;
	v2 =	vsel vm10, v31, v2  }
0x11a: {  	s31 =	rddreg [dreg:$0x19];
	v5 =	vsel vm15, v7, v5;
	v2 =	vsel vm11, v1, v2  }
0x11b: {  	v7 =	vsel vm15, $0x13, v7;
	s11 =	sor.u32 s14, s31;
	v1 =	vsel vm11, v31, v1;
	vm12 =	vgt.f32 v32, v2  }
0x11c: {  	v5 =	vsel vm8, $0x14, v5;
	v33 =	vld [tilespmem:s11+$0x0];
	vm13 =	vgt.f32 v32, v1;
	v2 =	vsel vm12, v32, v2  }
0x11d: {  	s13 =	rddreg [dreg:$0x1a];
	v5 =	vsel vm9, v7, v5;
	v2 =	vsel vm13, v1, v2  }
0x11e: {  	v7 =	vsel vm9, $0x14, v7;
	s11 =	sor.u32 s14, s13;
	v1 =	vsel vm13, v32, v1;
	vm14 =	vgt.f32 v3, v2  }
0x11f: {  	v34 =	vld [tilespmem:s11+$0x0];
	v5 =	vsel vm10, $0x15, v5;
	vm15 =	vgt.f32 v3, v1;
	v2 =	vsel vm14, v3, v2  }
0x120: {  	s31 =	rddreg [dreg:$0x1b];
	v5 =	vsel vm11, v7, v5;
	v2 =	vsel vm15, v1, v2  }
0x121: {  	s11 =	sor.u32 s14, s31;
	v7 =	vsel vm11, $0x15, v7;
	v1 =	vsel vm15, v3, v1;
	vm8 =	vgt.f32 v33, v2  }
0x122: {  	v5 =	vsel vm12, $0x16, v5;
	v3 =	vld [tilespmem:s11+$0x0];
	vm9 =	vgt.f32 v33, v1;
	v2 =	vsel vm8, v33, v2  }
0x123: {  	s13 =	rddreg [dreg:$0x1c];
	v5 =	vsel vm13, v7, v5;
	v2 =	vsel vm9, v1, v2  }
0x124: {  	v7 =	vsel vm13, $0x16, v7;
	s11 =	sor.u32 s14, s13;
	v1 =	vsel vm9, v33, v1;
	vm10 =	vgt.f32 v34, v2  }
0x125: {  	v5 =	vsel vm14, $0x17, v5;
	v35 =	vld [tilespmem:s11+$0x0];
	vm11 =	vgt.f32 v34, v1;
	v2 =	vsel vm10, v34, v2  }
0x126: {  	s31 =	rddreg [dreg:$0x1d];
	v5 =	vsel vm15, v7, v5;
	v2 =	vsel vm11, v1, v2  }
0x127: {  	v7 =	vsel vm15, $0x17, v7;
	s11 =	sor.u32 s14, s31;
	v1 =	vsel vm11, v34, v1;
	vm12 =	vgt.f32 v3, v2  }
0x128: {  	v36 =	vld [tilespmem:s11+$0x0];
	v5 =	vsel vm8, $0x18, v5;
	vm13 =	vgt.f32 v3, v1;
	v2 =	vsel vm12, v3, v2  }
0x129: {  	s13 =	rddreg [dreg:$0x1e];
	v5 =	vsel vm9, v7, v5;
	v2 =	vsel vm13, v1, v2  }
0x12a: {  	s11 =	sor.u32 s14, s13;
	v7 =	vsel vm9, $0x18, v7;
	v1 =	vsel vm13, v3, v1;
	vm14 =	vgt.f32 v35, v2  }
0x12b: {  	v5 =	vsel vm10, $0x19, v5;
	v3 =	vld [tilespmem:s11+$0x0];
	vm15 =	vgt.f32 v35, v1;
	v2 =	vsel vm14, v35, v2  }
0x12c: {  	s31 =	rddreg [dreg:$0x1f];
	v5 =	vsel vm11, v7, v5;
	v2 =	vsel vm15, v1, v2  }
0x12d: {  	s13 =	sld [smem:$0x7F5];
	v7 =	vsel vm11, $0x19, v7;
	s11 =	sor.u32 s14, s31;
	v1 =	vsel vm15, v35, v1;
	vm8 =	vgt.f32 v36, v2  }
0x12e: {  	v5 =	vsel vm12, $0x1A, v5;
	v37 =	vld [tilespmem:s11+$0x0];
	vm9 =	vgt.f32 v36, v1;
	v2 =	vsel vm8, v36, v2  }
0x12f: {  	v5 =	vsel vm13, v7, v5;
	v2 =	vsel vm9, v1, v2  }
0x130: {  	v7 =	vsel vm13, $0x1A, v7;
	s31 =	sld [smem:$0x7F6];
	s11 =	sor.u32 s14, s13;
	v1 =	vsel vm9, v36, v1;
	vm10 =	vgt.f32 v3, v2  }
0x131: {  	v38 =	vld [tilespmem:s11+$0x0];
	v5 =	vsel vm14, $0x1B, v5;
	vm11 =	vgt.f32 v3, v1;
	v2 =	vsel vm10, v3, v2  }
0x132: {  	v5 =	vsel vm15, v7, v5;
	v2 =	vsel vm11, v1, v2  }
0x133: {  	s13 =	sld [smem:$0x7F7];
	v7 =	vsel vm15, $0x1B, v7;
	s11 =	sor.u32 s14, s31;
	v1 =	vsel vm11, v3, v1;
	vm12 =	vgt.f32 v37, v2  }
0x134: {  	v5 =	vsel vm8, $0x1C, v5;
	v3 =	vld [tilespmem:s11+$0x0];
	vm13 =	vgt.f32 v37, v1;
	v2 =	vsel vm12, v37, v2  }
0x135: {  	v5 =	vsel vm9, v7, v5;
	v2 =	vsel vm13, v1, v2  }
0x136: {  	s31 =	sld [smem:$0x7F8];
	v7 =	vsel vm9, $0x1C, v7;
	s11 =	sor.u32 s14, s13;
	v1 =	vsel vm13, v37, v1;
	vm14 =	vgt.f32 v38, v2  }
0x137: {  	v5 =	vsel vm10, $0x1D, v5;
	v39 =	vld [tilespmem:s11+$0x0];
	vm15 =	vgt.f32 v38, v1;
	v2 =	vsel vm14, v38, v2  }
0x138: {  	v5 =	vsel vm11, v7, v5;
	v2 =	vsel vm15, v1, v2  }
0x139: {  	v7 =	vsel vm11, $0x1D, v7;
	s13 =	sld [smem:$0x7F9];
	s11 =	sor.u32 s14, s31;
	v1 =	vsel vm15, v38, v1;
	vm8 =	vgt.f32 v3, v2  }
0x13a: {  	v40 =	vld [tilespmem:s11+$0x0];
	v5 =	vsel vm12, $0x1E, v5;
	vm9 =	vgt.f32 v3, v1;
	v2 =	vsel vm8, v3, v2  }
0x13b: {  	v5 =	vsel vm13, v7, v5;
	v2 =	vsel vm9, v1, v2  }
0x13c: {  	s31 =	sld [smem:$0x7FA];
	v7 =	vsel vm13, $0x1E, v7;
	s11 =	sor.u32 s14, s13;
	v1 =	vsel vm9, v3, v1;
	vm10 =	vgt.f32 v39, v2  }
0x13d: {  	v5 =	vsel vm14, $0x1F, v5;
	v3 =	vld [tilespmem:s11+$0x0];
	vm11 =	vgt.f32 v39, v1;
	v2 =	vsel vm10, v39, v2  }
0x13e: {  	v5 =	vsel vm15, v7, v5;
	v2 =	vsel vm11, v1, v2  }
0x13f: {  	s13 =	sld [smem:$0x7FB];
	v7 =	vsel vm15, $0x1F, v7;
	s11 =	sor.u32 s14, s31;
	v1 =	vsel vm11, v39, v1;
	vm12 =	vgt.f32 v40, v2  }
0x140: {  	v5 =	vsel vm8, $0x20, v5;
	v41 =	vld [tilespmem:s11+$0x0];
	vm13 =	vgt.f32 v40, v1;
	v2 =	vsel vm12, v40, v2  }
0x141: {  	v5 =	vsel vm9, v7, v5;
	v2 =	vsel vm13, v1, v2  }
0x142: {  	v7 =	vsel vm9, $0x20, v7;
	s31 =	sld [smem:$0x7FC];
	s11 =	sor.u32 s14, s13;
	v1 =	vsel vm13, v40, v1;
	vm14 =	vgt.f32 v3, v2  }
0x143: {  	v42 =	vld [tilespmem:s11+$0x0];
	v5 =	vsel vm10, $0x21, v5;
	vm15 =	vgt.f32 v3, v1;
	v2 =	vsel vm14, v3, v2  }
0x144: {  	v5 =	vsel vm11, v7, v5;
	v2 =	vsel vm15, v1, v2  }
0x145: {  	s13 =	sld [smem:$0x7FD];
	v7 =	vsel vm11, $0x21, v7;
	s11 =	sor.u32 s14, s31;
	v1 =	vsel vm15, v3, v1;
	vm8 =	vgt.f32 v41, v2  }
0x146: {  	v5 =	vsel vm12, $0x22, v5;
	v3 =	vld [tilespmem:s11+$0x0];
	vm9 =	vgt.f32 v41, v1;
	v2 =	vsel vm8, v41, v2  }
0x147: {  	v5 =	vsel vm13, v7, v5;
	v2 =	vsel vm9, v1, v2  }
0x148: {  	v7 =	vsel vm13, $0x22, v7;
	s11 =	sor.u32 s14, s13;
	v1 =	vsel vm9, v41, v1;
	vm10 =	vgt.f32 v42, v2  }
0x149: {  	v5 =	vsel vm14, $0x23, v5;
	v43 =	vld [tilespmem:s11+$0x0];
	vm11 =	vgt.f32 v42, v1;
	v2 =	vsel vm10, v42, v2  }
0x14a: {  	v5 =	vsel vm15, v7, v5;
	v2 =	vsel vm11, v1, v2  }
0x14b: {  	s31 =	sor.u32 s14, s29;
	v7 =	vsel vm15, $0x23, v7;
	v1 =	vsel vm11, v42, v1;
	vm12 =	vgt.f32 v3, v2  }
0x14c: {  	v44 =	vld [tilespmem:s31+$0x0];
	v5 =	vsel vm8, $0x24, v5;
	vm13 =	vgt.f32 v3, v1;
	v2 =	vsel vm12, v3, v2  }
0x14d: {  	v5 =	vsel vm9, v7, v5;
	v2 =	vsel vm13, v1, v2  }
0x14e: {  	s13 =	sor.u32 s14, s28;
	v7 =	vsel vm9, $0x24, v7;
	v1 =	vsel vm13, v3, v1;
	vm14 =	vgt.f32 v43, v2  }
0x14f: {  	v5 =	vsel vm10, $0x25, v5;
	v3 =	vld [tilespmem:s13+$0x0];
	vm15 =	vgt.f32 v43, v1;
	v2 =	vsel vm14, v43, v2  }
0x150: {  	v5 =	vsel vm11, v7, v5;
	v2 =	vsel vm15, v1, v2  }
0x151: {  	s26 =	sor.u32 s14, s26;
	v7 =	vsel vm11, $0x25, v7;
	v1 =	vsel vm15, v43, v1;
	vm8 =	vgt.f32 v44, v2  }
0x152: {  	v45 =	vld [tilespmem:s26+$0x0];
	v5 =	vsel vm12, $0x26, v5;
	vm9 =	vgt.f32 v44, v1;
	v2 =	vsel vm8, v44, v2  }
0x153: {  	v5 =	vsel vm13, v7, v5;
	v2 =	vsel vm9, v1, v2  }
0x154: {  	s28 =	sor.u32 s14, s25;
	v7 =	vsel vm13, $0x26, v7;
	v1 =	vsel vm9, v44, v1;
	vm10 =	vgt.f32 v3, v2  }
0x155: {  	v46 =	vld [tilespmem:s28+$0x0];
	v5 =	vsel vm14, $0x27, v5;
	vm11 =	vgt.f32 v3, v1;
	v2 =	vsel vm10, v3, v2  }
0x156: {  	v5 =	vsel vm15, v7, v5;
	v2 =	vsel vm11, v1, v2  }
0x157: {  	s29 =	sor.u32 s14, s24;
	v7 =	vsel vm15, $0x27, v7;
	v1 =	vsel vm11, v3, v1;
	vm12 =	vgt.f32 v45, v2  }
0x158: {  	v5 =	vsel vm8, $0x28, v5;
	v3 =	vld [tilespmem:s29+$0x0];
	vm13 =	vgt.f32 v45, v1;
	v2 =	vsel vm12, v45, v2  }
0x159: {  	v5 =	vsel vm9, v7, v5;
	v2 =	vsel vm13, v1, v2  }
0x15a: {  	s31 =	sor.u32 s14, s23;
	v7 =	vsel vm9, $0x28, v7;
	v1 =	vsel vm13, v45, v1;
	vm14 =	vgt.f32 v46, v2  }
0x15b: {  	v47 =	vld [tilespmem:s31+$0x0];
	v5 =	vsel vm10, $0x29, v5;
	vm15 =	vgt.f32 v46, v1;
	v2 =	vsel vm14, v46, v2  }
0x15c: {  	v5 =	vsel vm11, v7, v5;
	v2 =	vsel vm15, v1, v2  }
0x15d: {  	s13 =	sor.u32 s14, s22;
	v7 =	vsel vm11, $0x29, v7;
	v1 =	vsel vm15, v46, v1;
	vm8 =	vgt.f32 v3, v2  }
0x15e: {  	v48 =	vld [tilespmem:s13+$0x0];
	v5 =	vsel vm12, $0x2A, v5;
	vm9 =	vgt.f32 v3, v1;
	v2 =	vsel vm8, v3, v2  }
0x15f: {  	v5 =	vsel vm13, v7, v5;
	v2 =	vsel vm9, v1, v2  }
0x160: {  	s22 =	sor.u32 s14, s21;
	v7 =	vsel vm13, $0x2A, v7;
	v1 =	vsel vm9, v3, v1;
	vm10 =	vgt.f32 v47, v2  }
0x161: {  	v5 =	vsel vm14, $0x2B, v5;
	v3 =	vld [tilespmem:s22+$0x0];
	vm11 =	vgt.f32 v47, v1;
	v2 =	vsel vm10, v47, v2  }
0x162: {  	v5 =	vsel vm15, v7, v5;
	v2 =	vsel vm11, v1, v2  }
0x163: {  	s23 =	sor.u32 s14, s20;
	v7 =	vsel vm15, $0x2B, v7;
	v1 =	vsel vm11, v47, v1;
	vm12 =	vgt.f32 v48, v2  }
0x164: {  	v49 =	vld [tilespmem:s23+$0x0];
	v5 =	vsel vm8, $0x2C, v5;
	vm13 =	vgt.f32 v48, v1;
	v2 =	vsel vm12, v48, v2  }
0x165: {  	v5 =	vsel vm9, v7, v5;
	v2 =	vsel vm13, v1, v2  }
0x166: {  	s24 =	sor.u32 s14, s19;
	v7 =	vsel vm9, $0x2C, v7;
	v1 =	vsel vm13, v48, v1;
	vm14 =	vgt.f32 v3, v2  }
0x167: {  	v50 =	vld [tilespmem:s24+$0x0];
	v5 =	vsel vm10, $0x2D, v5;
	vm15 =	vgt.f32 v3, v1;
	v2 =	vsel vm14, v3, v2  }
0x168: {  	v5 =	vsel vm11, v7, v5;
	v2 =	vsel vm15, v1, v2  }
0x169: {  	s25 =	sor.u32 s14, s18;
	v7 =	vsel vm11, $0x2D, v7;
	v1 =	vsel vm15, v3, v1;
	vm8 =	vgt.f32 v49, v2  }
0x16a: {  	v5 =	vsel vm12, $0x2E, v5;
	v3 =	vld [tilespmem:s25+$0x0];
	vm9 =	vgt.f32 v49, v1;
	v2 =	vsel vm8, v49, v2  }
0x16b: {  	v5 =	vsel vm13, v7, v5;
	v2 =	vsel vm9, v1, v2  }
0x16c: {  	s26 =	sor.u32 s14, s17;
	v7 =	vsel vm13, $0x2E, v7;
	v1 =	vsel vm9, v49, v1;
	vm10 =	vgt.f32 v50, v2  }
0x16d: {  	v51 =	vld [tilespmem:s26+$0x0];
	v5 =	vsel vm14, $0x2F, v5;
	vm11 =	vgt.f32 v50, v1;
	v2 =	vsel vm10, v50, v2  }
0x16e: {  	v5 =	vsel vm15, v7, v5;
	v2 =	vsel vm11, v1, v2  }
0x16f: {  	s28 =	sor.u32 s14, s16;
	v7 =	vsel vm15, $0x2F, v7;
	v1 =	vsel vm11, v50, v1;
	vm12 =	vgt.f32 v3, v2  }
0x170: {  	v52 =	vld [tilespmem:s28+$0x0];
	v5 =	vsel vm8, $0x30, v5;
	vm13 =	vgt.f32 v3, v1;
	v2 =	vsel vm12, v3, v2  }
0x171: {  	v5 =	vsel vm9, v7, v5;
	v2 =	vsel vm13, v1, v2  }
0x172: {  	s29 =	sor.u32 s14, s15;
	v7 =	vsel vm9, $0x30, v7;
	v1 =	vsel vm13, v3, v1;
	vm14 =	vgt.f32 v51, v2  }
0x173: {  	v5 =	vsel vm10, $0x31, v5;
	v3 =	vld [tilespmem:s29+$0x0];
	vm15 =	vgt.f32 v51, v1;
	v2 =	vsel vm14, v51, v2  }
0x174: {  	v5 =	vsel vm11, v7, v5;
	v2 =	vsel vm15, v1, v2  }
0x175: {  	s10 =	sor.u32 s14, s10;
	v7 =	vsel vm11, $0x31, v7;
	v1 =	vsel vm15, v51, v1;
	vm8 =	vgt.f32 v52, v2  }
0x176: {  	v53 =	vld [tilespmem:s10+$0x0];
	v5 =	vsel vm12, $0x32, v5;
	vm9 =	vgt.f32 v52, v1;
	v2 =	vsel vm8, v52, v2  }
0x177: {  	v5 =	vsel vm13, v7, v5;
	v2 =	vsel vm9, v1, v2  }
0x178: {  	s9 =	sor.u32 s14, s9;
	v7 =	vsel vm13, $0x32, v7;
	v1 =	vsel vm9, v52, v1;
	vm10 =	vgt.f32 v3, v2  }
0x179: {  	v54 =	vld [tilespmem:s9+$0x0];
	v5 =	vsel vm14, $0x33, v5;
	vm11 =	vgt.f32 v3, v1;
	v2 =	vsel vm10, v3, v2  }
0x17a: {  	v5 =	vsel vm15, v7, v5;
	v2 =	vsel vm11, v1, v2  }
0x17b: {  	s8 =	sor.u32 s14, s8;
	v7 =	vsel vm15, $0x33, v7;
	v1 =	vsel vm11, v3, v1;
	vm12 =	vgt.f32 v53, v2  }
0x17c: {  	v5 =	vsel vm8, $0x34, v5;
	v3 =	vld [tilespmem:s8+$0x0];
	vm13 =	vgt.f32 v53, v1;
	v2 =	vsel vm12, v53, v2  }
0x17d: {  	v5 =	vsel vm9, v7, v5;
	v2 =	vsel vm13, v1, v2  }
0x17e: {  	s7 =	sor.u32 s14, s7;
	v7 =	vsel vm9, $0x34, v7;
	v1 =	vsel vm13, v53, v1;
	vm14 =	vgt.f32 v54, v2  }
0x17f: {  	v55 =	vld [tilespmem:s7+$0x0];
	v5 =	vsel vm10, $0x35, v5;
	vm15 =	vgt.f32 v54, v1;
	v2 =	vsel vm14, v54, v2  }
0x180: {  	v5 =	vsel vm11, v7, v5;
	v2 =	vsel vm15, v1, v2  }
0x181: {  	s6 =	sor.u32 s14, s6;
	v7 =	vsel vm11, $0x35, v7;
	v1 =	vsel vm15, v54, v1;
	vm8 =	vgt.f32 v3, v2  }
0x182: {  	v56 =	vld [tilespmem:s6+$0x0];
	v5 =	vsel vm12, $0x36, v5;
	vm9 =	vgt.f32 v3, v1;
	v2 =	vsel vm8, v3, v2  }
0x183: {  	v5 =	vsel vm13, v7, v5;
	v2 =	vsel vm9, v1, v2  }
0x184: {  	s5 =	sor.u32 s14, s5;
	v7 =	vsel vm13, $0x36, v7;
	v1 =	vsel vm9, v3, v1;
	vm10 =	vgt.f32 v55, v2  }
0x185: {  	v5 =	vsel vm14, $0x37, v5;
	v3 =	vld [tilespmem:s5+$0x0];
	vm11 =	vgt.f32 v55, v1;
	v2 =	vsel vm10, v55, v2  }
0x186: {  	v5 =	vsel vm15, v7, v5;
	v2 =	vsel vm11, v1, v2  }
0x187: {  	s4 =	sor.u32 s14, s4;
	v7 =	vsel vm15, $0x37, v7;
	v1 =	vsel vm11, v55, v1;
	vm12 =	vgt.f32 v56, v2  }
0x188: {  	v57 =	vld [tilespmem:s4+$0x0];
	v5 =	vsel vm8, $0x38, v5;
	vm13 =	vgt.f32 v56, v1;
	v2 =	vsel vm12, v56, v2  }
0x189: {  	v5 =	vsel vm9, v7, v5;
	v2 =	vsel vm13, v1, v2  }
0x18a: {  	s3 =	sor.u32 s14, s3;
	v7 =	vsel vm9, $0x38, v7;
	v1 =	vsel vm13, v56, v1;
	vm14 =	vgt.f32 v3, v2  }
0x18b: {  	v58 =	vld [tilespmem:s3+$0x0];
	v5 =	vsel vm10, $0x39, v5;
	vm15 =	vgt.f32 v3, v1;
	v2 =	vsel vm14, v3, v2  }
0x18c: {  	v5 =	vsel vm11, v7, v5;
	v7 =	vsel vm11, $0x39, v7;
	v2 =	vsel vm15, v1, v2  }
0x18d: {  	s1 =	sor.u32 s14, s1;
	v5 =	vsel vm12, $0x3A, v5;
	v1 =	vsel vm15, v3, v1;
	vm8 =	vgt.f32 v57, v2  }
0x18e: {  	v5 =	vsel vm13, v7, v5;
	v3 =	vld [tilespmem:s1+$0x0];
	vm9 =	vgt.f32 v57, v1;
	v2 =	vsel vm8, v57, v2  }
0x18f: {  	v7 =	vsel vm13, $0x3A, v7;
	v5 =	vsel vm14, $0x3B, v5;
	v2 =	vsel vm9, v1, v2  }
0x190: {  	s31 =	sor.u32 s14, s2;
	v5 =	vsel vm15, v7, v5;
	v1 =	vsel vm9, v57, v1;
	vm10 =	vgt.f32 v58, v2  }
0x191: {  	v59 =	vld [tilespmem:s31+$0x0];
	v7 =	vsel vm15, $0x3B, v7;
	vm11 =	vgt.f32 v58, v1;
	v2 =	vsel vm10, v58, v2  }
0x192: {  	v60 =	vsel vm8, $0x3C, v5;
	v61 =	vsel vm9, $0x3C, v7;
	v2 =	vsel vm11, v1, v2  }
0x193: {  	v4 =	vsel vm9, v7, v60;
	v1 =	vsel vm11, v58, v1;
	vm12 =	vgt.f32 v3, v2  }
0x194: {  	v4 =	vsel vm10, $0x3D, v4;
	vm13 =	vgt.f32 v3, v1;
	v2 =	vsel vm12, v3, v2  }
0x195: {  	v62 =	vsel vm11, $0x3D, v61;
	v2 =	vsel vm13, v1, v2;
	v1 =	vsel vm13, v3, v1  }
0x196: {  	p0 =	sne.s32 s12, $0x7;
	v3 =	vsel vm11, v61, v4;
	vm14 =	vgt.f32 v59, v1;
	vm15 =	vgt.f32 v59, v2  }
.Ltmp0:
0x197: {  	s0 =	sor.u32 s0, s14;
	v3 =	vsel vm12, $0x3E, v3;
	v2 =	vsel vm15, v59, v2;
	v63 =	vsel vm14, v59, v1;
	(pc) =	sbr.rel @p0 .LBB2_2-.Ltmp0, $4  }
0x198: {  	v4 =	vsel vm13, $0x3E, v62;
	v3 =	vsel vm13, v62, v3;
	v1 =	vsel vm14, v1, v2;
	[tilespmem:s0+$0x4000] =	vst v63  }
0x199: {  	v2 =	vsel vm15, $0x3F, v3;
	v3 =	vsel vm14, $0x3F, v4;
	[tilespmem:s0+$0x4080] =	vst v1  }
0x19a: {  	v1 =	vsel vm14, v4, v2;
	[tilespmem:s0+$0x4200] =	vst v3  }
0x19b: {  	s12 =	sadd.s32 $0x1, s12;
	s30 =	sadd.s32 $0x20, s30;
	[tilespmem:s0+$0x4280] =	vst v1  }
0x19c: {  	s6 =	simm.s32 $0x0;
	s0 =	rddreg [dreg:$0x5];
	s1 =	simm.s32 $0x4000  }
0x19d: {  	[hbm4b:s0+s6] =	stream.linear.scatter [tilespmem:s1], [sflag:$0x1], $0x200, $0x38;
	[tilespmem:$0x4400] =	vst v63  }
0x19e: {  	s1 =	simm.s32 $0x1  }
0x19f: {  	_ =	swait.ge [sflag:s1], $0x200  }
0x1a0: {  	[sflag:s1] =	ssyncset.done $0x0  }
0x1a1: {  	s2 =	simm.s32 $0x4200;
	s29 =	rddreg [dreg:$0x6];
	[sflag:s1] =	ssyncadd.s32 $0xFFFFFE00  }
0x1a2: {  	[hbm4b:s29+s6] =	stream.linear.scatter [tilespmem:s2], [sflag:$0x1], $0x200, $0x38;
	[tilespmem:$0x4400] =	vst v63  }
0x1a3: {  	_ =	swait.ge [sflag:s1], $0x200  }
0x1a4: {  	s30 =	rddreg [dreg:$0x8]  }
0x1a5: {  	s31 =	rddreg [dreg:$0x7];
	s2 =	sadd.s32 $0x1, s30  }
0x1a6: {  	p0 =	sne.s32 s2, s31  }
.Ltmp1:
0x1a7: {  	_ = 	snop;
	(pc) =	sbr.rel @p0 .LBB2_1-.Ltmp1, $3  }
0x1a8: {  	_ =	sdelay $0x1  }
0x1a9: {  	[sflag:s1] =	ssyncset.done $0x0  }
0x1aa: {  	[sflag:s1] =	ssyncadd.s32 $0xFFFFFE00  }
0x1ab: {  	_ =	sfence.sel $0x180000  }
0x1ac: {  	[bflag:$0x0] =	sbarrier.arrive $0xFFFF  }
0x1ad: {  	_ =	strace $0x90000047  }
0x1ae: {  	s0 =	stileid.u32;
	[bflag:$0x2] =	sbarrier.arrive $0xFFFF  }
0x1af: {  	p0 =	sne.s32 s0, $0x0;
	s0 =	rddreg [dreg:$0x3]  }
0x1b0: {  	s0 =	sadd.s32 @!p0 $0x100000, s0  }
0x1b1: {  	[sflag:s0] =	ssyncadd.tile.s32 @!p0 $0x1;
	_ =	shalt  }
.Lfunc_end2:
_tile_overlayer_lowered:
.L_overlay_start_2:
0x1b2: {  	(tag) =	ssettag $0x2  }
0x1b3: {  	s0 =	rddreg [dreg:$0x0];
	s2 =	stileid.u32  }
0x1b4: {  	s1 =	rddreg [dreg:$0x1];
	p0 =	sne.s32 s2, $0x0  }
0x1b5: {  	s3 =	rddreg [dreg:$0x2];
	[bflag:$0x3] =	sbarrier.arrive $0xFFFF;
	s2 =	simm.s32 @!p0 $0x1C01  }
0x1b6: {  	[timem:s3], [sflag:s2] =	dma.local @!p0 [hbm:s0], s1  }
0x1b7: {  	s0 =	simm.s32 @!p0 $0x1  }
0x1b8: {  	_ =	swait.ge @!p0 [sflag:s0], s1  }
0x1b9: {  	s1 =	ssub.s32 @!p0 $0x0, s1;
	[sflag:s0] =	ssyncset.done @!p0 $0x0  }
0x1ba: {  	[sflag:s0] =	ssyncadd.s32 @!p0 s1  }
0x1bb: {  	[bflag:$0x3] =	sbarrier.arrive $0xFFFF  }
0x1bc: {  	_ =	shalt  }

</sc_bundles>
